<compile_context>
chip_gen: v7x
topology: tpu7x:2x2x1
jax: 0.10.2.dev20260603
libtpu: 0.0.44.dev20260713+nightly
codegen_flags: <defaults>
</compile_context>

<pallas_src>
import functools

import jax
import jax.numpy as jnp
from jax import lax
from jax.experimental import pallas as pl
from jax.experimental.pallas import tpu as pltpu
from jax.experimental.pallas import tpu_sc as plsc

_B = 128
_TC_ROWS = 96
_N = 32768
_NC = 2
_NS = 16
_NW = _NC * _NS
_L = 16

_PASSES = ((23, 0xFF, None, 8), (15, 0xFF, 23, 8), (7, 0xFF, 15, 8),
           (0, 0x7F, 7, 7))


def _vtake(v, idx_splat):
    lane = lax.broadcasted_iota(jnp.int32, (_L,), 0)
    picked = jnp.where(lane == idx_splat, v, 0)
    return jnp.broadcast_to(jnp.sum(picked, axis=0), (_L,))


def _suffix_sum(v):
    return lax.rev(jnp.cumsum(lax.rev(v, (0,)), axis=0), (0,))


def _sc_body(row_start, rpw, scores_hbm, k_hbm, thr_hbm, row_v, hist_v,
             carr_v, k_v, thr_v):
    wid = lax.axis_index("s") * _NC + lax.axis_index("c")
    lane = lax.broadcasted_iota(jnp.int32, (_L,), 0)
    zeros16 = jnp.zeros((_L,), jnp.int32)
    ones16 = jnp.ones((_L,), jnp.int32)

    pltpu.sync_copy(k_hbm, k_v)
    kvec = k_v[...]

    thr_acc = zeros16
    for rr in range(rpw):
        row = row_start + wid * rpw + rr
        pltpu.sync_copy(scores_hbm.at[row], row_v)

        hi = zeros16
        cnt_above = zeros16
        for (shift, dmask, hs, width) in _PASSES:
            def zbody(i, c):
                hist_v[pl.ds(i * _L, _L)] = zeros16
                return c

            lax.fori_loop(0, 256, zbody, 0)

            unroll = 8

            def sbody(i, c, shift=shift, dmask=dmask, hs=hs, hi=hi):
                if hs is None:
                    for u in range(unroll):
                        base = (i * unroll + u) * _L
                        e = row_v[pl.ds(base, _L)]
                        bits = lax.bitcast_convert_type(jnp.abs(e), jnp.int32)
                        digit = lax.shift_right_logical(bits, shift) & dmask
                        plsc.addupdate_scatter(
                            hist_v, [digit * _L + lane], ones16)
                else:
                    digits = []
                    masks = []
                    any_in = None
                    for u in range(unroll):
                        base = (i * unroll + u) * _L
                        e = row_v[pl.ds(base, _L)]
                        bits = lax.bitcast_convert_type(jnp.abs(e), jnp.int32)
                        digit = lax.shift_right_logical(bits, shift) & dmask
                        inr = lax.shift_right_logical(bits, hs) == hi
                        digits.append(digit)
                        masks.append(inr)
                        any_in = inr if any_in is None else (any_in | inr)

                    def do_scatter(_):
                        for dg, mk in zip(digits, masks):
                            plsc.addupdate_scatter(
                                hist_v, [dg * _L + lane], ones16, mask=mk)
                        return 0

                    lax.cond(jnp.any(any_in), do_scatter, lambda _: 0, 0)
                return c

            lax.fori_loop(0, _N // _L // unroll, sbody, 0)

            def mbody(j, c):
                acc = zeros16
                for l in range(_L):
                    acc = acc + plsc.load_gather(
                        hist_v, [(j * _L + lane) * _L + l])
                carr_v[pl.ds(j * _L, _L)] = acc
                return c

            lax.fori_loop(0, 16, mbody, 0)

            def rbody(l, g):
                tr = plsc.load_gather(carr_v, [lane * _L + l])
                return g + tr

            g_vec = lax.fori_loop(0, _L, rbody, zeros16)
            SG = _suffix_sum(g_vec)
            condg = (cnt_above + SG) >= kvec
            jstar = plsc.all_reduce_population_count(condg) - 1
            cvec = plsc.load_gather(carr_v, [jstar * _L + lane])
            S = _suffix_sum(cvec)
            A = cnt_above + _vtake(SG, jstar) - _vtake(g_vec, jstar)
            cond2 = (A + S) >= kvec
            d_local = plsc.all_reduce_population_count(cond2) - 1
            cnt_above = A + _vtake(S, d_local) - _vtake(cvec, d_local)
            digit = jstar * _L + d_local
            hi = lax.shift_left(hi, width) | digit

        thr_acc = jnp.where(lane == rr, hi, thr_acc)

    thr_v[...] = thr_acc
    pltpu.sync_copy(thr_v, thr_hbm.at[wid])


def _sc_thresholds(scores, k, row_start, nrows):
    rpw = nrows // _NW
    k16 = jnp.full((_L,), k, jnp.int32)
    mesh = plsc.VectorSubcoreMesh(core_axis_name="c", subcore_axis_name="s")
    fn = functools.partial(
        pl.kernel,
        mesh=mesh,
        compiler_params=pltpu.CompilerParams(needs_layout_passes=False),
        out_type=jax.ShapeDtypeStruct((_NW, _L), jnp.int32),
        scratch_types=[
            pltpu.VMEM((_N,), jnp.float32),
            pltpu.VMEM((16 * 256,), jnp.int32),
            pltpu.VMEM((256,), jnp.int32),
            pltpu.VMEM((_L,), jnp.int32),
            pltpu.VMEM((_L,), jnp.int32),
        ],
    )(functools.partial(_sc_body, row_start, rpw))
    thr = fn(scores, k16)
    return thr[:, :rpw].reshape(nrows)


def _tc_thresh_body(k_ref, x_ref, o_ref, bits_ref):
    x = x_ref[...]
    bits_ref[...] = lax.bitcast_convert_type(jnp.abs(x), jnp.int32)
    k = k_ref[0]
    rows = x.shape[0]
    n = x.shape[1]
    chunks = 8
    w = n // chunks

    def body(i, prefix):
        cand = prefix | (jnp.int32(1) << (jnp.int32(30) - i))
        cnt = jnp.zeros((rows, 1), jnp.int32)
        parts = [
            jnp.sum((bits_ref[:, c * w:(c + 1) * w] >= cand).astype(jnp.int32),
                    axis=1, keepdims=True)
            for c in range(chunks)
        ]
        for p in parts:
            cnt = cnt + p
        return jnp.where(cnt >= k, cand, prefix)

    prefix = lax.fori_loop(0, 31, body, jnp.zeros((rows, 1), jnp.int32))
    o_ref[...] = jnp.broadcast_to(prefix, o_ref.shape)


def _tc_thresholds(scores, k):
    rows_per_block = 32
    k_arr = jnp.reshape(jnp.asarray(k, jnp.int32), (1,))
    out = pl.pallas_call(
        _tc_thresh_body,
        grid=(_TC_ROWS // rows_per_block,),
        in_specs=[
            pl.BlockSpec(memory_space=pltpu.SMEM),
            pl.BlockSpec((rows_per_block, _N), lambda i: (i, 0)),
        ],
        out_specs=pl.BlockSpec((rows_per_block, 128), lambda i: (i, 0)),
        out_shape=jax.ShapeDtypeStruct((_TC_ROWS, 128), jnp.int32),
        scratch_shapes=[pltpu.VMEM((rows_per_block, _N), jnp.int32)],
    )(k_arr, scores[:_TC_ROWS])
    return out[:, 0]


def _mask_body(x_ref, t_ref, o_ref):
    x = x_ref[...]
    bits = lax.bitcast_convert_type(jnp.abs(x), jnp.int32)
    o_ref[...] = jnp.where(bits >= t_ref[...], x, 0.0)


def kernel(scores, k):
    b, n = scores.shape
    thr_sc = _sc_thresholds(scores, k, _TC_ROWS, b - _TC_ROWS)
    thr_tc = _tc_thresholds(scores, k)
    thr = jnp.concatenate([thr_tc, thr_sc])[:, None]
    rows_per_block = 64
    return pl.pallas_call(
        _mask_body,
        grid=(b // rows_per_block,),
        in_specs=[
            pl.BlockSpec((rows_per_block, n), lambda i: (i, 0)),
            pl.BlockSpec((rows_per_block, 1), lambda i: (i, 0)),
        ],
        out_specs=pl.BlockSpec((rows_per_block, n), lambda i: (i, 0)),
        out_shape=jax.ShapeDtypeStruct((b, n), scores.dtype),
    )(scores, thr)

# --- scband reference (transcript-rebuilt; emitter-appended) ---
"""Pipeline reference for scband-optimizer-3040836846009 (READ-ONLY COPY).

The authoritative reference and input builder live on the scoring server;
editing this copy changes nothing except your own understanding.
"""

import jax, jax.numpy as jnp
import numpy as np


def setup_inputs(seed: int = 0) -> dict:
    key = jax.random.key(seed)
    scores = jax.random.normal(key, (128, 32768), dtype=jnp.float32)
    return {"scores": scores, "k": 3276}


def reference(scores, k):
    # Top-k magnitude masking, as in MaskGenerator.randk(grad, topk_ratio=0.1):
    # keep the k largest-|value| entries per row, zero out the rest.
    mag = jnp.abs(scores)
    sorted_mag = jnp.sort(mag, axis=1)[:, ::-1]  # descending, fixed shape [B, N]
    idx = jnp.broadcast_to(jnp.reshape(k - 1, (1, 1)), (mag.shape[0], 1))
    threshold = jnp.take_along_axis(sorted_mag, idx, axis=1)  # [B, 1], k-th largest magnitude per row
    mask = (mag >= threshold).astype(scores.dtype)
    masked_scores = scores * mask
    return masked_scores

if __name__ == "__main__":
    import jax
    _d = setup_inputs()
    print(jax.jit(kernel)(*tuple(_d.values())))

</pallas_src>

<mosaic_0001>
#map = affine_map<(d0, d1) -> (0, 0)>
#map1 = affine_map<(d0, d1) -> (0)>
module attributes {stable_mosaic.version = 14 : i64} {
  func.func @_sc_body(%arg0: i32, %arg1: i32, %arg2: memref<128x32768xf32, #tpu.memory_space<hbm>>, %arg3: memref<16xi32, #tpu.memory_space<hbm>>, %arg4: memref<32x16xi32, #tpu.memory_space<hbm>>, %arg5: memref<32768xf32, #tpu.memory_space<vmem>>, %arg6: memref<4096xi32, #tpu.memory_space<vmem>>, %arg7: memref<256xi32, #tpu.memory_space<vmem>>, %arg8: memref<16xi32, #tpu.memory_space<vmem>>, %arg9: memref<16xi32, #tpu.memory_space<vmem>>) attributes {dimension_semantics = [#tpu.dimension_semantics<core_parallel>, #tpu.dimension_semantics<subcore_parallel>], iteration_bounds = array<i64: 2, 16>, scalar_prefetch = 0 : i64, scratch_operands = 5 : i64, tpu.core_type = #tpu.core_type<sc_vector_subcore>, window_params = [{transform_indices = #map}, {transform_indices = #map1}, {transform_indices = #map}]} {
    %mul3A = arith.constant 2 : i32
    %mul3A_0 = arith.muli %arg1, %mul3A : i32
    %add3A = arith.addi %mul3A_0, %arg0 : i32
    %iota3A = tpu.iota {dimensions = array<i32: 0>} : vector<16xi32>
    %broadcast_in_dim3A = arith.constant 0 : i32
    %broadcast_in_dim3A_1 = vector.broadcast %broadcast_in_dim3A : i32 to vector<16xi32>
    %broadcast_in_dim3A_2 = arith.constant 1 : i32
    %broadcast_in_dim3A_3 = vector.broadcast %broadcast_in_dim3A_2 : i32 to vector<16xi32>
    "tpu.region"() ({
      %run_scoped3A = tpu.sem_alloc : memref<!tpu.dma_semaphore, #tpu.memory_space<semaphore_mem>>
      tpu.enqueue_dma source(%arg3 : memref<16xi32, #tpu.memory_space<hbm>>) target(%arg8 : memref<16xi32, #tpu.memory_space<vmem>>) target_semaphore(%run_scoped3A : memref<!tpu.dma_semaphore, #tpu.memory_space<semaphore_mem>>)
      tpu.wait_dma2 semaphore(%run_scoped3A : memref<!tpu.dma_semaphore, #tpu.memory_space<semaphore_mem>>) src(%arg3 : memref<16xi32, #tpu.memory_space<hbm>>) dst(%arg8 : memref<16xi32, #tpu.memory_space<vmem>>)
      tpu.yield
    }) : () -> ()
    %get3A = arith.constant 0 : index
    %get3A_4 = tpu.vector_load %arg8[%get3A] {strides = array<i32>} : memref<16xi32, #tpu.memory_space<vmem>>, vector<16xi32>,
    %mul3A_5 = arith.constant 1 : i32
    %mul3A_6 = arith.muli %add3A, %mul3A_5 : i32
    %add3A_7 = arith.constant 96 : i32
    %add3A_8 = arith.addi %add3A_7, %mul3A_6 : i32
    %add3A_9 = arith.constant 0 : i32
    %add3A_10 = arith.addi %add3A_8, %add3A_9 : i32
    "tpu.region"() ({
      %run_scoped3A = tpu.sem_alloc : memref<!tpu.dma_semaphore, #tpu.memory_space<semaphore_mem>>
      %dma_start3A = arith.constant 0 : i32
      %dma_start3A_479 = tpu.memref_slice %arg2[%add3A_10, %dma_start3A] : memref<128x32768xf32, #tpu.memory_space<hbm>> -> memref<1x32768xf32, #tpu.memory_space<hbm>>
      %dma_start3A_480 = tpu.memref_squeeze %dma_start3A_479 : memref<1x32768xf32, #tpu.memory_space<hbm>> -> memref<32768xf32, #tpu.memory_space<hbm>>
      %dma_start3A_481 = arith.constant 0 : i32
      %dma_start3A_482 = tpu.memref_slice %arg2[%add3A_10, %dma_start3A_481] : memref<128x32768xf32, #tpu.memory_space<hbm>> -> memref<1x32768xf32, #tpu.memory_space<hbm>>
      %dma_start3A_483 = tpu.memref_squeeze %dma_start3A_482 : memref<1x32768xf32, #tpu.memory_space<hbm>> -> memref<32768xf32, #tpu.memory_space<hbm>>
      tpu.enqueue_dma source(%dma_start3A_483 : memref<32768xf32, #tpu.memory_space<hbm>>) target(%arg5 : memref<32768xf32, #tpu.memory_space<vmem>>) target_semaphore(%run_scoped3A : memref<!tpu.dma_semaphore, #tpu.memory_space<semaphore_mem>>)
      %dma_wait3A = arith.constant 0 : i32
      %dma_wait3A_484 = tpu.memref_slice %arg2[%add3A_10, %dma_wait3A] : memref<128x32768xf32, #tpu.memory_space<hbm>> -> memref<1x32768xf32, #tpu.memory_space<hbm>>
      %dma_wait3A_485 = tpu.memref_squeeze %dma_wait3A_484 : memref<1x32768xf32, #tpu.memory_space<hbm>> -> memref<32768xf32, #tpu.memory_space<hbm>>
      %dma_wait3A_486 = arith.constant 0 : i32
      %dma_wait3A_487 = tpu.memref_slice %arg2[%add3A_10, %dma_wait3A_486] : memref<128x32768xf32, #tpu.memory_space<hbm>> -> memref<1x32768xf32, #tpu.memory_space<hbm>>
      %dma_wait3A_488 = tpu.memref_squeeze %dma_wait3A_487 : memref<1x32768xf32, #tpu.memory_space<hbm>> -> memref<32768xf32, #tpu.memory_space<hbm>>
      tpu.wait_dma2 semaphore(%run_scoped3A : memref<!tpu.dma_semaphore, #tpu.memory_space<semaphore_mem>>) src(%dma_wait3A_488 : memref<32768xf32, #tpu.memory_space<hbm>>) dst(%arg5 : memref<32768xf32, #tpu.memory_space<vmem>>)
      tpu.yield
    }) : () -> ()
    %scan3A = arith.constant 0 : i32
    %scan3A_11 = arith.constant 0 : i32
    %scan3A_12 = arith.constant 256 : i32
    %scan3A_13 = arith.addi %scan3A_11, %scan3A_12 : i32
    %scan3A_14 = arith.constant 1 : i32
    scf.for %scan3A_479 = %scan3A_11 to %scan3A_13 step %scan3A_14  : i32 {
      %mul3A_480 = arith.constant 16 : i32
      %mul3A_481 = arith.muli %scan3A_479, %mul3A_480 : i32
      %swap3A_482 = arith.index_cast %mul3A_481 : i32 to index
      %swap3A_483 = tpu.vector_load %arg6[%swap3A_482] {strides = array<i32>} : memref<4096xi32, #tpu.memory_space<vmem>>, vector<16xi32>,
      tpu.vector_store %arg6[%swap3A_482], %broadcast_in_dim3A_1 {strides = array<i32>} : memref<4096xi32, #tpu.memory_space<vmem>>, vector<16xi32>,
    }
    %scan3A_15 = arith.constant 256 : i32
    %scan3A_16 = arith.constant 0 : i32
    %scan3A_17 = arith.constant 0 : i32
    %scan3A_18 = arith.constant 256 : i32
    %scan3A_19 = arith.addi %scan3A_17, %scan3A_18 : i32
    %scan3A_20 = arith.constant 1 : i32
    scf.for %scan3A_479 = %scan3A_17 to %scan3A_19 step %scan3A_20  : i32 {
      %mul3A_480 = arith.constant 8 : i32
      %mul3A_481 = arith.muli %scan3A_479, %mul3A_480 : i32
      %add3A_482 = arith.constant 0 : i32
      %add3A_483 = arith.addi %mul3A_481, %add3A_482 : i32
      %mul3A_484 = arith.constant 16 : i32
      %mul3A_485 = arith.muli %add3A_483, %mul3A_484 : i32
      %get3A_486 = arith.index_cast %mul3A_485 : i32 to index
      %get3A_487 = tpu.vector_load %arg5[%get3A_486] {strides = array<i32>} : memref<32768xf32, #tpu.memory_space<vmem>>, vector<16xf32>,
      %abs3A = math.absf %get3A_487 : vector<16xf32>
      %bitcast_convert_type3A = tpu.bitcast %abs3A : vector<16xf32> -> vector<16xi32>
      %shift_right_logical3A = arith.constant 23 : i32
      %shift_right_logical3A_488 = vector.broadcast %shift_right_logical3A : i32 to vector<16xi32>
      %shift_right_logical3A_489 = arith.shrui %bitcast_convert_type3A, %shift_right_logical3A_488 : vector<16xi32>
      %and3A = arith.constant 255 : i32
      %and3A_490 = vector.broadcast %and3A : i32 to vector<16xi32>
      %and3A_491 = arith.andi %shift_right_logical3A_489, %and3A_490 : vector<16xi32>
      %mul3A_492 = arith.constant 16 : i32
      %mul3A_493 = vector.broadcast %mul3A_492 : i32 to vector<16xi32>
      %mul3A_494 = arith.muli %and3A_491, %mul3A_493 : vector<16xi32>
      %add3A_495 = arith.addi %mul3A_494, %iota3A : vector<16xi32>
      tpu.vector_store_idx %arg6[%add3A_495], %broadcast_in_dim3A_3 {add = true} : memref<4096xi32, #tpu.memory_space<vmem>>[vector<16xi32>], vector<16xi32>,
      %mul3A_496 = arith.constant 8 : i32
      %mul3A_497 = arith.muli %scan3A_479, %mul3A_496 : i32
      %add3A_498 = arith.constant 1 : i32
      %add3A_499 = arith.addi %mul3A_497, %add3A_498 : i32
      %mul3A_500 = arith.constant 16 : i32
      %mul3A_501 = arith.muli %add3A_499, %mul3A_500 : i32
      %get3A_502 = arith.index_cast %mul3A_501 : i32 to index
      %get3A_503 = tpu.vector_load %arg5[%get3A_502] {strides = array<i32>} : memref<32768xf32, #tpu.memory_space<vmem>>, vector<16xf32>,
      %abs3A_504 = math.absf %get3A_503 : vector<16xf32>
      %bitcast_convert_type3A_505 = tpu.bitcast %abs3A_504 : vector<16xf32> -> vector<16xi32>
      %shift_right_logical3A_506 = arith.constant 23 : i32
      %shift_right_logical3A_507 = vector.broadcast %shift_right_logical3A_506 : i32 to vector<16xi32>
      %shift_right_logical3A_508 = arith.shrui %bitcast_convert_type3A_505, %shift_right_logical3A_507 : vector<16xi32>
      %and3A_509 = arith.constant 255 : i32
      %and3A_510 = vector.broadcast %and3A_509 : i32 to vector<16xi32>
      %and3A_511 = arith.andi %shift_right_logical3A_508, %and3A_510 : vector<16xi32>
      %mul3A_512 = arith.constant 16 : i32
      %mul3A_513 = vector.broadcast %mul3A_512 : i32 to vector<16xi32>
      %mul3A_514 = arith.muli %and3A_511, %mul3A_513 : vector<16xi32>
      %add3A_515 = arith.addi %mul3A_514, %iota3A : vector<16xi32>
      tpu.vector_store_idx %arg6[%add3A_515], %broadcast_in_dim3A_3 {add = true} : memref<4096xi32, #tpu.memory_space<vmem>>[vector<16xi32>], vector<16xi32>,
      %mul3A_516 = arith.constant 8 : i32
      %mul3A_517 = arith.muli %scan3A_479, %mul3A_516 : i32
      %add3A_518 = arith.constant 2 : i32
      %add3A_519 = arith.addi %mul3A_517, %add3A_518 : i32
      %mul3A_520 = arith.constant 16 : i32
      %mul3A_521 = arith.muli %add3A_519, %mul3A_520 : i32
      %get3A_522 = arith.index_cast %mul3A_521 : i32 to index
      %get3A_523 = tpu.vector_load %arg5[%get3A_522] {strides = array<i32>} : memref<32768xf32, #tpu.memory_space<vmem>>, vector<16xf32>,
      %abs3A_524 = math.absf %get3A_523 : vector<16xf32>
      %bitcast_convert_type3A_525 = tpu.bitcast %abs3A_524 : vector<16xf32> -> vector<16xi32>
      %shift_right_logical3A_526 = arith.constant 23 : i32
      %shift_right_logical3A_527 = vector.broadcast %shift_right_logical3A_526 : i32 to vector<16xi32>
      %shift_right_logical3A_528 = arith.shrui %bitcast_convert_type3A_525, %shift_right_logical3A_527 : vector<16xi32>
      %and3A_529 = arith.constant 255 : i32
      %and3A_530 = vector.broadcast %and3A_529 : i32 to vector<16xi32>
      %and3A_531 = arith.andi %shift_right_logical3A_528, %and3A_530 : vector<16xi32>
      %mul3A_532 = arith.constant 16 : i32
      %mul3A_533 = vector.broadcast %mul3A_532 : i32 to vector<16xi32>
      %mul3A_534 = arith.muli %and3A_531, %mul3A_533 : vector<16xi32>
      %add3A_535 = arith.addi %mul3A_534, %iota3A : vector<16xi32>
      tpu.vector_store_idx %arg6[%add3A_535], %broadcast_in_dim3A_3 {add = true} : memref<4096xi32, #tpu.memory_space<vmem>>[vector<16xi32>], vector<16xi32>,
      %mul3A_536 = arith.constant 8 : i32
      %mul3A_537 = arith.muli %scan3A_479, %mul3A_536 : i32
      %add3A_538 = arith.constant 3 : i32
      %add3A_539 = arith.addi %mul3A_537, %add3A_538 : i32
      %mul3A_540 = arith.constant 16 : i32
      %mul3A_541 = arith.muli %add3A_539, %mul3A_540 : i32
      %get3A_542 = arith.index_cast %mul3A_541 : i32 to index
      %get3A_543 = tpu.vector_load %arg5[%get3A_542] {strides = array<i32>} : memref<32768xf32, #tpu.memory_space<vmem>>, vector<16xf32>,
      %abs3A_544 = math.absf %get3A_543 : vector<16xf32>
      %bitcast_convert_type3A_545 = tpu.bitcast %abs3A_544 : vector<16xf32> -> vector<16xi32>
      %shift_right_logical3A_546 = arith.constant 23 : i32
      %shift_right_logical3A_547 = vector.broadcast %shift_right_logical3A_546 : i32 to vector<16xi32>
      %shift_right_logical3A_548 = arith.shrui %bitcast_convert_type3A_545, %shift_right_logical3A_547 : vector<16xi32>
      %and3A_549 = arith.constant 255 : i32
      %and3A_550 = vector.broadcast %and3A_549 : i32 to vector<16xi32>
      %and3A_551 = arith.andi %shift_right_logical3A_548, %and3A_550 : vector<16xi32>
      %mul3A_552 = arith.constant 16 : i32
      %mul3A_553 = vector.broadcast %mul3A_552 : i32 to vector<16xi32>
      %mul3A_554 = arith.muli %and3A_551, %mul3A_553 : vector<16xi32>
      %add3A_555 = arith.addi %mul3A_554, %iota3A : vector<16xi32>
      tpu.vector_store_idx %arg6[%add3A_555], %broadcast_in_dim3A_3 {add = true} : memref<4096xi32, #tpu.memory_space<vmem>>[vector<16xi32>], vector<16xi32>,
      %mul3A_556 = arith.constant 8 : i32
      %mul3A_557 = arith.muli %scan3A_479, %mul3A_556 : i32
      %add3A_558 = arith.constant 4 : i32
      %add3A_559 = arith.addi %mul3A_557, %add3A_558 : i32
      %mul3A_560 = arith.constant 16 : i32
      %mul3A_561 = arith.muli %add3A_559, %mul3A_560 : i32
      %get3A_562 = arith.index_cast %mul3A_561 : i32 to index
      %get3A_563 = tpu.vector_load %arg5[%get3A_562] {strides = array<i32>} : memref<32768xf32, #tpu.memory_space<vmem>>, vector<16xf32>,
      %abs3A_564 = math.absf %get3A_563 : vector<16xf32>
      %bitcast_convert_type3A_565 = tpu.bitcast %abs3A_564 : vector<16xf32> -> vector<16xi32>
      %shift_right_logical3A_566 = arith.constant 23 : i32
      %shift_right_logical3A_567 = vector.broadcast %shift_right_logical3A_566 : i32 to vector<16xi32>
      %shift_right_logical3A_568 = arith.shrui %bitcast_convert_type3A_565, %shift_right_logical3A_567 : vector<16xi32>
      %and3A_569 = arith.constant 255 : i32
      %and3A_570 = vector.broadcast %and3A_569 : i32 to vector<16xi32>
      %and3A_571 = arith.andi %shift_right_logical3A_568, %and3A_570 : vector<16xi32>
      %mul3A_572 = arith.constant 16 : i32
      %mul3A_573 = vector.broadcast %mul3A_572 : i32 to vector<16xi32>
      %mul3A_574 = arith.muli %and3A_571, %mul3A_573 : vector<16xi32>
      %add3A_575 = arith.addi %mul3A_574, %iota3A : vector<16xi32>
      tpu.vector_store_idx %arg6[%add3A_575], %broadcast_in_dim3A_3 {add = true} : memref<4096xi32, #tpu.memory_space<vmem>>[vector<16xi32>], vector<16xi32>,
      %mul3A_576 = arith.constant 8 : i32
      %mul3A_577 = arith.muli %scan3A_479, %mul3A_576 : i32
      %add3A_578 = arith.constant 5 : i32
      %add3A_579 = arith.addi %mul3A_577, %add3A_578 : i32
      %mul3A_580 = arith.constant 16 : i32
      %mul3A_581 = arith.muli %add3A_579, %mul3A_580 : i32
      %get3A_582 = arith.index_cast %mul3A_581 : i32 to index
      %get3A_583 = tpu.vector_load %arg5[%get3A_582] {strides = array<i32>} : memref<32768xf32, #tpu.memory_space<vmem>>, vector<16xf32>,
      %abs3A_584 = math.absf %get3A_583 : vector<16xf32>
      %bitcast_convert_type3A_585 = tpu.bitcast %abs3A_584 : vector<16xf32> -> vector<16xi32>
      %shift_right_logical3A_586 = arith.constant 23 : i32
      %shift_right_logical3A_587 = vector.broadcast %shift_right_logical3A_586 : i32 to vector<16xi32>
      %shift_right_logical3A_588 = arith.shrui %bitcast_convert_type3A_585, %shift_right_logical3A_587 : vector<16xi32>
      %and3A_589 = arith.constant 255 : i32
      %and3A_590 = vector.broadcast %and3A_589 : i32 to vector<16xi32>
      %and3A_591 = arith.andi %shift_right_logical3A_588, %and3A_590 : vector<16xi32>
      %mul3A_592 = arith.constant 16 : i32
      %mul3A_593 = vector.broadcast %mul3A_592 : i32 to vector<16xi32>
      %mul3A_594 = arith.muli %and3A_591, %mul3A_593 : vector<16xi32>
      %add3A_595 = arith.addi %mul3A_594, %iota3A : vector<16xi32>
      tpu.vector_store_idx %arg6[%add3A_595], %broadcast_in_dim3A_3 {add = true} : memref<4096xi32, #tpu.memory_space<vmem>>[vector<16xi32>], vector<16xi32>,
      %mul3A_596 = arith.constant 8 : i32
      %mul3A_597 = arith.muli %scan3A_479, %mul3A_596 : i32
      %add3A_598 = arith.constant 6 : i32
      %add3A_599 = arith.addi %mul3A_597, %add3A_598 : i32
      %mul3A_600 = arith.constant 16 : i32
      %mul3A_601 = arith.muli %add3A_599, %mul3A_600 : i32
      %get3A_602 = arith.index_cast %mul3A_601 : i32 to index
      %get3A_603 = tpu.vector_load %arg5[%get3A_602] {strides = array<i32>} : memref<32768xf32, #tpu.memory_space<vmem>>, vector<16xf32>,
      %abs3A_604 = math.absf %get3A_603 : vector<16xf32>
      %bitcast_convert_type3A_605 = tpu.bitcast %abs3A_604 : vector<16xf32> -> vector<16xi32>
      %shift_right_logical3A_606 = arith.constant 23 : i32
      %shift_right_logical3A_607 = vector.broadcast %shift_right_logical3A_606 : i32 to vector<16xi32>
      %shift_right_logical3A_608 = arith.shrui %bitcast_convert_type3A_605, %shift_right_logical3A_607 : vector<16xi32>
      %and3A_609 = arith.constant 255 : i32
      %and3A_610 = vector.broadcast %and3A_609 : i32 to vector<16xi32>
      %and3A_611 = arith.andi %shift_right_logical3A_608, %and3A_610 : vector<16xi32>
      %mul3A_612 = arith.constant 16 : i32
      %mul3A_613 = vector.broadcast %mul3A_612 : i32 to vector<16xi32>
      %mul3A_614 = arith.muli %and3A_611, %mul3A_613 : vector<16xi32>
      %add3A_615 = arith.addi %mul3A_614, %iota3A : vector<16xi32>
      tpu.vector_store_idx %arg6[%add3A_615], %broadcast_in_dim3A_3 {add = true} : memref<4096xi32, #tpu.memory_space<vmem>>[vector<16xi32>], vector<16xi32>,
      %mul3A_616 = arith.constant 8 : i32
      %mul3A_617 = arith.muli %scan3A_479, %mul3A_616 : i32
      %add3A_618 = arith.constant 7 : i32
      %add3A_619 = arith.addi %mul3A_617, %add3A_618 : i32
      %mul3A_620 = arith.constant 16 : i32
      %mul3A_621 = arith.muli %add3A_619, %mul3A_620 : i32
      %get3A_622 = arith.index_cast %mul3A_621 : i32 to index
      %get3A_623 = tpu.vector_load %arg5[%get3A_622] {strides = array<i32>} : memref<32768xf32, #tpu.memory_space<vmem>>, vector<16xf32>,
      %abs3A_624 = math.absf %get3A_623 : vector<16xf32>
      %bitcast_convert_type3A_625 = tpu.bitcast %abs3A_624 : vector<16xf32> -> vector<16xi32>
      %shift_right_logical3A_626 = arith.constant 23 : i32
      %shift_right_logical3A_627 = vector.broadcast %shift_right_logical3A_626 : i32 to vector<16xi32>
      %shift_right_logical3A_628 = arith.shrui %bitcast_convert_type3A_625, %shift_right_logical3A_627 : vector<16xi32>
      %and3A_629 = arith.constant 255 : i32
      %and3A_630 = vector.broadcast %and3A_629 : i32 to vector<16xi32>
      %and3A_631 = arith.andi %shift_right_logical3A_628, %and3A_630 : vector<16xi32>
      %mul3A_632 = arith.constant 16 : i32
      %mul3A_633 = vector.broadcast %mul3A_632 : i32 to vector<16xi32>
      %mul3A_634 = arith.muli %and3A_631, %mul3A_633 : vector<16xi32>
      %add3A_635 = arith.addi %mul3A_634, %iota3A : vector<16xi32>
      tpu.vector_store_idx %arg6[%add3A_635], %broadcast_in_dim3A_3 {add = true} : memref<4096xi32, #tpu.memory_space<vmem>>[vector<16xi32>], vector<16xi32>,
    }
    %scan3A_21 = arith.constant 256 : i32
    %scan3A_22 = arith.constant 0 : i32
    %scan3A_23 = arith.constant 0 : i32
    %scan3A_24 = arith.constant 16 : i32
    %scan3A_25 = arith.addi %scan3A_23, %scan3A_24 : i32
    %scan3A_26 = arith.constant 1 : i32
    scf.for %scan3A_479 = %scan3A_23 to %scan3A_25 step %scan3A_26  : i32 {
      %mul3A_480 = arith.constant 16 : i32
      %mul3A_481 = arith.muli %scan3A_479, %mul3A_480 : i32
      %add3A_482 = vector.broadcast %mul3A_481 : i32 to vector<16xi32>
      %add3A_483 = arith.addi %add3A_482, %iota3A : vector<16xi32>
      %mul3A_484 = arith.constant 16 : i32
      %mul3A_485 = vector.broadcast %mul3A_484 : i32 to vector<16xi32>
      %mul3A_486 = arith.muli %add3A_483, %mul3A_485 : vector<16xi32>
      %add3A_487 = arith.constant 0 : i32
      %add3A_488 = vector.broadcast %add3A_487 : i32 to vector<16xi32>
      %add3A_489 = arith.addi %mul3A_486, %add3A_488 : vector<16xi32>
      %gather3A_490 = tpu.vector_load_idx %arg6[%add3A_489] : memref<4096xi32, #tpu.memory_space<vmem>>[vector<16xi32>], vector<16xi32>,
      %add3A_491 = arith.addi %broadcast_in_dim3A_1, %gather3A_490 : vector<16xi32>
      %mul3A_492 = arith.constant 16 : i32
      %mul3A_493 = arith.muli %scan3A_479, %mul3A_492 : i32
      %add3A_494 = vector.broadcast %mul3A_493 : i32 to vector<16xi32>
      %add3A_495 = arith.addi %add3A_494, %iota3A : vector<16xi32>
      %mul3A_496 = arith.constant 16 : i32
      %mul3A_497 = vector.broadcast %mul3A_496 : i32 to vector<16xi32>
      %mul3A_498 = arith.muli %add3A_495, %mul3A_497 : vector<16xi32>
      %add3A_499 = arith.constant 1 : i32
      %add3A_500 = vector.broadcast %add3A_499 : i32 to vector<16xi32>
      %add3A_501 = arith.addi %mul3A_498, %add3A_500 : vector<16xi32>
      %gather3A_502 = tpu.vector_load_idx %arg6[%add3A_501] : memref<4096xi32, #tpu.memory_space<vmem>>[vector<16xi32>], vector<16xi32>,
      %add3A_503 = arith.addi %add3A_491, %gather3A_502 : vector<16xi32>
      %mul3A_504 = arith.constant 16 : i32
      %mul3A_505 = arith.muli %scan3A_479, %mul3A_504 : i32
      %add3A_506 = vector.broadcast %mul3A_505 : i32 to vector<16xi32>
      %add3A_507 = arith.addi %add3A_506, %iota3A : vector<16xi32>
      %mul3A_508 = arith.constant 16 : i32
      %mul3A_509 = vector.broadcast %mul3A_508 : i32 to vector<16xi32>
      %mul3A_510 = arith.muli %add3A_507, %mul3A_509 : vector<16xi32>
      %add3A_511 = arith.constant 2 : i32
      %add3A_512 = vector.broadcast %add3A_511 : i32 to vector<16xi32>
      %add3A_513 = arith.addi %mul3A_510, %add3A_512 : vector<16xi32>
      %gather3A_514 = tpu.vector_load_idx %arg6[%add3A_513] : memref<4096xi32, #tpu.memory_space<vmem>>[vector<16xi32>], vector<16xi32>,
      %add3A_515 = arith.addi %add3A_503, %gather3A_514 : vector<16xi32>
      %mul3A_516 = arith.constant 16 : i32
      %mul3A_517 = arith.muli %scan3A_479, %mul3A_516 : i32
      %add3A_518 = vector.broadcast %mul3A_517 : i32 to vector<16xi32>
      %add3A_519 = arith.addi %add3A_518, %iota3A : vector<16xi32>
      %mul3A_520 = arith.constant 16 : i32
      %mul3A_521 = vector.broadcast %mul3A_520 : i32 to vector<16xi32>
      %mul3A_522 = arith.muli %add3A_519, %mul3A_521 : vector<16xi32>
      %add3A_523 = arith.constant 3 : i32
      %add3A_524 = vector.broadcast %add3A_523 : i32 to vector<16xi32>
      %add3A_525 = arith.addi %mul3A_522, %add3A_524 : vector<16xi32>
      %gather3A_526 = tpu.vector_load_idx %arg6[%add3A_525] : memref<4096xi32, #tpu.memory_space<vmem>>[vector<16xi32>], vector<16xi32>,
      %add3A_527 = arith.addi %add3A_515, %gather3A_526 : vector<16xi32>
      %mul3A_528 = arith.constant 16 : i32
      %mul3A_529 = arith.muli %scan3A_479, %mul3A_528 : i32
      %add3A_530 = vector.broadcast %mul3A_529 : i32 to vector<16xi32>
      %add3A_531 = arith.addi %add3A_530, %iota3A : vector<16xi32>
      %mul3A_532 = arith.constant 16 : i32
      %mul3A_533 = vector.broadcast %mul3A_532 : i32 to vector<16xi32>
      %mul3A_534 = arith.muli %add3A_531, %mul3A_533 : vector<16xi32>
      %add3A_535 = arith.constant 4 : i32
      %add3A_536 = vector.broadcast %add3A_535 : i32 to vector<16xi32>
      %add3A_537 = arith.addi %mul3A_534, %add3A_536 : vector<16xi32>
      %gather3A_538 = tpu.vector_load_idx %arg6[%add3A_537] : memref<4096xi32, #tpu.memory_space<vmem>>[vector<16xi32>], vector<16xi32>,
      %add3A_539 = arith.addi %add3A_527, %gather3A_538 : vector<16xi32>
      %mul3A_540 = arith.constant 16 : i32
      %mul3A_541 = arith.muli %scan3A_479, %mul3A_540 : i32
      %add3A_542 = vector.broadcast %mul3A_541 : i32 to vector<16xi32>
      %add3A_543 = arith.addi %add3A_542, %iota3A : vector<16xi32>
      %mul3A_544 = arith.constant 16 : i32
      %mul3A_545 = vector.broadcast %mul3A_544 : i32 to vector<16xi32>
      %mul3A_546 = arith.muli %add3A_543, %mul3A_545 : vector<16xi32>
      %add3A_547 = arith.constant 5 : i32
      %add3A_548 = vector.broadcast %add3A_547 : i32 to vector<16xi32>
      %add3A_549 = arith.addi %mul3A_546, %add3A_548 : vector<16xi32>
      %gather3A_550 = tpu.vector_load_idx %arg6[%add3A_549] : memref<4096xi32, #tpu.memory_space<vmem>>[vector<16xi32>], vector<16xi32>,
      %add3A_551 = arith.addi %add3A_539, %gather3A_550 : vector<16xi32>
      %mul3A_552 = arith.constant 16 : i32
      %mul3A_553 = arith.muli %scan3A_479, %mul3A_552 : i32
      %add3A_554 = vector.broadcast %mul3A_553 : i32 to vector<16xi32>
      %add3A_555 = arith.addi %add3A_554, %iota3A : vector<16xi32>
      %mul3A_556 = arith.constant 16 : i32
      %mul3A_557 = vector.broadcast %mul3A_556 : i32 to vector<16xi32>
      %mul3A_558 = arith.muli %add3A_555, %mul3A_557 : vector<16xi32>
      %add3A_559 = arith.constant 6 : i32
      %add3A_560 = vector.broadcast %add3A_559 : i32 to vector<16xi32>
      %add3A_561 = arith.addi %mul3A_558, %add3A_560 : vector<16xi32>
      %gather3A_562 = tpu.vector_load_idx %arg6[%add3A_561] : memref<4096xi32, #tpu.memory_space<vmem>>[vector<16xi32>], vector<16xi32>,
      %add3A_563 = arith.addi %add3A_551, %gather3A_562 : vector<16xi32>
      %mul3A_564 = arith.constant 16 : i32
      %mul3A_565 = arith.muli %scan3A_479, %mul3A_564 : i32
      %add3A_566 = vector.broadcast %mul3A_565 : i32 to vector<16xi32>
      %add3A_567 = arith.addi %add3A_566, %iota3A : vector<16xi32>
      %mul3A_568 = arith.constant 16 : i32
      %mul3A_569 = vector.broadcast %mul3A_568 : i32 to vector<16xi32>
      %mul3A_570 = arith.muli %add3A_567, %mul3A_569 : vector<16xi32>
      %add3A_571 = arith.constant 7 : i32
      %add3A_572 = vector.broadcast %add3A_571 : i32 to vector<16xi32>
      %add3A_573 = arith.addi %mul3A_570, %add3A_572 : vector<16xi32>
      %gather3A_574 = tpu.vector_load_idx %arg6[%add3A_573] : memref<4096xi32, #tpu.memory_space<vmem>>[vector<16xi32>], vector<16xi32>,
      %add3A_575 = arith.addi %add3A_563, %gather3A_574 : vector<16xi32>
      %mul3A_576 = arith.constant 16 : i32
      %mul3A_577 = arith.muli %scan3A_479, %mul3A_576 : i32
      %add3A_578 = vector.broadcast %mul3A_577 : i32 to vector<16xi32>
      %add3A_579 = arith.addi %add3A_578, %iota3A : vector<16xi32>
      %mul3A_580 = arith.constant 16 : i32
      %mul3A_581 = vector.broadcast %mul3A_580 : i32 to vector<16xi32>
      %mul3A_582 = arith.muli %add3A_579, %mul3A_581 : vector<16xi32>
      %add3A_583 = arith.constant 8 : i32
      %add3A_584 = vector.broadcast %add3A_583 : i32 to vector<16xi32>
      %add3A_585 = arith.addi %mul3A_582, %add3A_584 : vector<16xi32>
      %gather3A_586 = tpu.vector_load_idx %arg6[%add3A_585] : memref<4096xi32, #tpu.memory_space<vmem>>[vector<16xi32>], vector<16xi32>,
      %add3A_587 = arith.addi %add3A_575, %gather3A_586 : vector<16xi32>
      %mul3A_588 = arith.constant 16 : i32
      %mul3A_589 = arith.muli %scan3A_479, %mul3A_588 : i32
      %add3A_590 = vector.broadcast %mul3A_589 : i32 to vector<16xi32>
      %add3A_591 = arith.addi %add3A_590, %iota3A : vector<16xi32>
      %mul3A_592 = arith.constant 16 : i32
      %mul3A_593 = vector.broadcast %mul3A_592 : i32 to vector<16xi32>
      %mul3A_594 = arith.muli %add3A_591, %mul3A_593 : vector<16xi32>
      %add3A_595 = arith.constant 9 : i32
      %add3A_596 = vector.broadcast %add3A_595 : i32 to vector<16xi32>
      %add3A_597 = arith.addi %mul3A_594, %add3A_596 : vector<16xi32>
      %gather3A_598 = tpu.vector_load_idx %arg6[%add3A_597] : memref<4096xi32, #tpu.memory_space<vmem>>[vector<16xi32>], vector<16xi32>,
      %add3A_599 = arith.addi %add3A_587, %gather3A_598 : vector<16xi32>
      %mul3A_600 = arith.constant 16 : i32
      %mul3A_601 = arith.muli %scan3A_479, %mul3A_600 : i32
      %add3A_602 = vector.broadcast %mul3A_601 : i32 to vector<16xi32>
      %add3A_603 = arith.addi %add3A_602, %iota3A : vector<16xi32>
      %mul3A_604 = arith.constant 16 : i32
      %mul3A_605 = vector.broadcast %mul3A_604 : i32 to vector<16xi32>
      %mul3A_606 = arith.muli %add3A_603, %mul3A_605 : vector<16xi32>
      %add3A_607 = arith.constant 10 : i32
      %add3A_608 = vector.broadcast %add3A_607 : i32 to vector<16xi32>
      %add3A_609 = arith.addi %mul3A_606, %add3A_608 : vector<16xi32>
      %gather3A_610 = tpu.vector_load_idx %arg6[%add3A_609] : memref<4096xi32, #tpu.memory_space<vmem>>[vector<16xi32>], vector<16xi32>,
      %add3A_611 = arith.addi %add3A_599, %gather3A_610 : vector<16xi32>
      %mul3A_612 = arith.constant 16 : i32
      %mul3A_613 = arith.muli %scan3A_479, %mul3A_612 : i32
      %add3A_614 = vector.broadcast %mul3A_613 : i32 to vector<16xi32>
      %add3A_615 = arith.addi %add3A_614, %iota3A : vector<16xi32>
      %mul3A_616 = arith.constant 16 : i32
      %mul3A_617 = vector.broadcast %mul3A_616 : i32 to vector<16xi32>
      %mul3A_618 = arith.muli %add3A_615, %mul3A_617 : vector<16xi32>
      %add3A_619 = arith.constant 11 : i32
      %add3A_620 = vector.broadcast %add3A_619 : i32 to vector<16xi32>
      %add3A_621 = arith.addi %mul3A_618, %add3A_620 : vector<16xi32>
      %gather3A_622 = tpu.vector_load_idx %arg6[%add3A_621] : memref<4096xi32, #tpu.memory_space<vmem>>[vector<16xi32>], vector<16xi32>,
      %add3A_623 = arith.addi %add3A_611, %gather3A_622 : vector<16xi32>
      %mul3A_624 = arith.constant 16 : i32
      %mul3A_625 = arith.muli %scan3A_479, %mul3A_624 : i32
      %add3A_626 = vector.broadcast %mul3A_625 : i32 to vector<16xi32>
      %add3A_627 = arith.addi %add3A_626, %iota3A : vector<16xi32>
      %mul3A_628 = arith.constant 16 : i32
      %mul3A_629 = vector.broadcast %mul3A_628 : i32 to vector<16xi32>
      %mul3A_630 = arith.muli %add3A_627, %mul3A_629 : vector<16xi32>
      %add3A_631 = arith.constant 12 : i32
      %add3A_632 = vector.broadcast %add3A_631 : i32 to vector<16xi32>
      %add3A_633 = arith.addi %mul3A_630, %add3A_632 : vector<16xi32>
      %gather3A_634 = tpu.vector_load_idx %arg6[%add3A_633] : memref<4096xi32, #tpu.memory_space<vmem>>[vector<16xi32>], vector<16xi32>,
      %add3A_635 = arith.addi %add3A_623, %gather3A_634 : vector<16xi32>
      %mul3A_636 = arith.constant 16 : i32
      %mul3A_637 = arith.muli %scan3A_479, %mul3A_636 : i32
      %add3A_638 = vector.broadcast %mul3A_637 : i32 to vector<16xi32>
      %add3A_639 = arith.addi %add3A_638, %iota3A : vector<16xi32>
      %mul3A_640 = arith.constant 16 : i32
      %mul3A_641 = vector.broadcast %mul3A_640 : i32 to vector<16xi32>
      %mul3A_642 = arith.muli %add3A_639, %mul3A_641 : vector<16xi32>
      %add3A_643 = arith.constant 13 : i32
      %add3A_644 = vector.broadcast %add3A_643 : i32 to vector<16xi32>
      %add3A_645 = arith.addi %mul3A_642, %add3A_644 : vector<16xi32>
      %gather3A_646 = tpu.vector_load_idx %arg6[%add3A_645] : memref<4096xi32, #tpu.memory_space<vmem>>[vector<16xi32>], vector<16xi32>,
      %add3A_647 = arith.addi %add3A_635, %gather3A_646 : vector<16xi32>
      %mul3A_648 = arith.constant 16 : i32
      %mul3A_649 = arith.muli %scan3A_479, %mul3A_648 : i32
      %add3A_650 = vector.broadcast %mul3A_649 : i32 to vector<16xi32>
      %add3A_651 = arith.addi %add3A_650, %iota3A : vector<16xi32>
      %mul3A_652 = arith.constant 16 : i32
      %mul3A_653 = vector.broadcast %mul3A_652 : i32 to vector<16xi32>
      %mul3A_654 = arith.muli %add3A_651, %mul3A_653 : vector<16xi32>
      %add3A_655 = arith.constant 14 : i32
      %add3A_656 = vector.broadcast %add3A_655 : i32 to vector<16xi32>
      %add3A_657 = arith.addi %mul3A_654, %add3A_656 : vector<16xi32>
      %gather3A_658 = tpu.vector_load_idx %arg6[%add3A_657] : memref<4096xi32, #tpu.memory_space<vmem>>[vector<16xi32>], vector<16xi32>,
      %add3A_659 = arith.addi %add3A_647, %gather3A_658 : vector<16xi32>
      %mul3A_660 = arith.constant 16 : i32
      %mul3A_661 = arith.muli %scan3A_479, %mul3A_660 : i32
      %add3A_662 = vector.broadcast %mul3A_661 : i32 to vector<16xi32>
      %add3A_663 = arith.addi %add3A_662, %iota3A : vector<16xi32>
      %mul3A_664 = arith.constant 16 : i32
      %mul3A_665 = vector.broadcast %mul3A_664 : i32 to vector<16xi32>
      %mul3A_666 = arith.muli %add3A_663, %mul3A_665 : vector<16xi32>
      %add3A_667 = arith.constant 15 : i32
      %add3A_668 = vector.broadcast %add3A_667 : i32 to vector<16xi32>
      %add3A_669 = arith.addi %mul3A_666, %add3A_668 : vector<16xi32>
      %gather3A_670 = tpu.vector_load_idx %arg6[%add3A_669] : memref<4096xi32, #tpu.memory_space<vmem>>[vector<16xi32>], vector<16xi32>,
      %add3A_671 = arith.addi %add3A_659, %gather3A_670 : vector<16xi32>
      %mul3A_672 = arith.constant 16 : i32
      %mul3A_673 = arith.muli %scan3A_479, %mul3A_672 : i32
      %swap3A_674 = arith.index_cast %mul3A_673 : i32 to index
      %swap3A_675 = tpu.vector_load %arg7[%swap3A_674] {strides = array<i32>} : memref<256xi32, #tpu.memory_space<vmem>>, vector<16xi32>,
      tpu.vector_store %arg7[%swap3A_674], %add3A_671 {strides = array<i32>} : memref<256xi32, #tpu.memory_space<vmem>>, vector<16xi32>,
    }
    %scan3A_27 = arith.constant 16 : i32
    %scan3A_28 = arith.constant 0 : i32
    %scan3A_29 = arith.constant 16 : i32
    %scan3A_30 = arith.addi %scan3A_28, %scan3A_29 : i32
    %scan3A_31 = arith.constant 1 : i32
    %scan3A_32 = scf.for %scan3A_479 = %scan3A_28 to %scan3A_30 step %scan3A_31 iter_args(%scan3A_480 = %broadcast_in_dim3A_1) -> (vector<16xi32>)  : i32 {
      %mul3A_481 = arith.constant 16 : i32
      %mul3A_482 = vector.broadcast %mul3A_481 : i32 to vector<16xi32>
      %mul3A_483 = arith.muli %iota3A, %mul3A_482 : vector<16xi32>
      %add3A_484 = vector.broadcast %scan3A_479 : i32 to vector<16xi32>
      %add3A_485 = arith.addi %mul3A_483, %add3A_484 : vector<16xi32>
      %gather3A_486 = tpu.vector_load_idx %arg7[%add3A_485] : memref<256xi32, #tpu.memory_space<vmem>>[vector<16xi32>], vector<16xi32>,
      %add3A_487 = arith.addi %scan3A_480, %gather3A_486 : vector<16xi32>
      scf.yield %add3A_487 : vector<16xi32>
    }
    %scan3A_33 = arith.constant 16 : i32
    %rev3A = arith.constant 15 : i32
    %rev3A_34 = vector.broadcast %rev3A : i32 to vector<16xi32>
    %rev3A_35 = tpu.iota {dimensions = array<i32: 0>} : vector<16xi32>
    %rev3A_36 = arith.subi %rev3A_34, %rev3A_35 : vector<16xi32>
    %rev3A_37 = tpu.dynamic_gather %scan3A_32[%rev3A_36] in [0] : vector<16xi32>, vector<16xi32> -> vector<16xi32>
    %cumsum3A = arith.constant true
    %cumsum3A_38 = vector.broadcast %cumsum3A : i1 to vector<16xi1>
    %cumsum3A_39 = tpu.scan <sum>, %rev3A_37 masked %cumsum3A_38 : vector<16xi32>, vector<16xi1> -> vector<16xi32>
    %rev3A_40 = arith.constant 15 : i32
    %rev3A_41 = vector.broadcast %rev3A_40 : i32 to vector<16xi32>
    %rev3A_42 = tpu.iota {dimensions = array<i32: 0>} : vector<16xi32>
    %rev3A_43 = arith.subi %rev3A_41, %rev3A_42 : vector<16xi32>
    %rev3A_44 = tpu.dynamic_gather %cumsum3A_39[%rev3A_43] in [0] : vector<16xi32>, vector<16xi32> -> vector<16xi32>
    %add3A_45 = arith.addi %broadcast_in_dim3A_1, %rev3A_44 : vector<16xi32>
    %ge3A = arith.cmpi sge, %add3A_45, %get3A_4 : vector<16xi32>
    %all_reduce_population_count3A = tpu.all_reduce %ge3A {dim = 0 : i64, kind = #tpu.reduction_kind<sum>} : vector<16xi1> -> vector<16xi32>
    %sub3A = arith.constant 1 : i32
    %sub3A_46 = vector.broadcast %sub3A : i32 to vector<16xi32>
    %sub3A_47 = arith.subi %all_reduce_population_count3A, %sub3A_46 : vector<16xi32>
    %mul3A_48 = arith.constant 16 : i32
    %mul3A_49 = vector.broadcast %mul3A_48 : i32 to vector<16xi32>
    %mul3A_50 = arith.muli %sub3A_47, %mul3A_49 : vector<16xi32>
    %add3A_51 = arith.addi %mul3A_50, %iota3A : vector<16xi32>
    %gather3A = tpu.vector_load_idx %arg7[%add3A_51] : memref<256xi32, #tpu.memory_space<vmem>>[vector<16xi32>], vector<16xi32>,
    %rev3A_52 = arith.constant 15 : i32
    %rev3A_53 = vector.broadcast %rev3A_52 : i32 to vector<16xi32>
    %rev3A_54 = tpu.iota {dimensions = array<i32: 0>} : vector<16xi32>
    %rev3A_55 = arith.subi %rev3A_53, %rev3A_54 : vector<16xi32>
    %rev3A_56 = tpu.dynamic_gather %gather3A[%rev3A_55] in [0] : vector<16xi32>, vector<16xi32> -> vector<16xi32>
    %cumsum3A_57 = arith.constant true
    %cumsum3A_58 = vector.broadcast %cumsum3A_57 : i1 to vector<16xi1>
    %cumsum3A_59 = tpu.scan <sum>, %rev3A_56 masked %cumsum3A_58 : vector<16xi32>, vector<16xi1> -> vector<16xi32>
    %rev3A_60 = arith.constant 15 : i32
    %rev3A_61 = vector.broadcast %rev3A_60 : i32 to vector<16xi32>
    %rev3A_62 = tpu.iota {dimensions = array<i32: 0>} : vector<16xi32>
    %rev3A_63 = arith.subi %rev3A_61, %rev3A_62 : vector<16xi32>
    %rev3A_64 = tpu.dynamic_gather %cumsum3A_59[%rev3A_63] in [0] : vector<16xi32>, vector<16xi32> -> vector<16xi32>
    %iota3A_65 = tpu.iota {dimensions = array<i32: 0>} : vector<16xi32>
    %eq3A = arith.cmpi eq, %iota3A_65, %sub3A_47 : vector<16xi32>
    %jit3A = arith.constant 0 : i32
    %broadcast_in_dim3A_66 = vector.broadcast %jit3A : i32 to vector<16xi32>
    %select_n3A = arith.select %eq3A, %rev3A_44, %broadcast_in_dim3A_66 : vector<16xi1>, vector<16xi32>
    %reduce_sum3A = arith.constant true
    %reduce_sum3A_67 = vector.broadcast %reduce_sum3A : i1 to vector<16xi1>
    %reduce_sum3A_68 = tpu.scan <sum>, %select_n3A masked %reduce_sum3A_67 : vector<16xi32>, vector<16xi1> -> vector<16xi32>
    %reduce_sum3A_69 = vector.extract %reduce_sum3A_68[15] : i32 from vector<16xi32>
    %broadcast_in_dim3A_70 = vector.broadcast %reduce_sum3A_69 : i32 to vector<16xi32>
    %add3A_71 = arith.addi %broadcast_in_dim3A_1, %broadcast_in_dim3A_70 : vector<16xi32>
    %iota3A_72 = tpu.iota {dimensions = array<i32: 0>} : vector<16xi32>
    %eq3A_73 = arith.cmpi eq, %iota3A_72, %sub3A_47 : vector<16xi32>
    %jit3A_74 = arith.constant 0 : i32
    %broadcast_in_dim3A_75 = vector.broadcast %jit3A_74 : i32 to vector<16xi32>
    %select_n3A_76 = arith.select %eq3A_73, %scan3A_32, %broadcast_in_dim3A_75 : vector<16xi1>, vector<16xi32>
    %reduce_sum3A_77 = arith.constant true
    %reduce_sum3A_78 = vector.broadcast %reduce_sum3A_77 : i1 to vector<16xi1>
    %reduce_sum3A_79 = tpu.scan <sum>, %select_n3A_76 masked %reduce_sum3A_78 : vector<16xi32>, vector<16xi1> -> vector<16xi32>
    %reduce_sum3A_80 = vector.extract %reduce_sum3A_79[15] : i32 from vector<16xi32>
    %broadcast_in_dim3A_81 = vector.broadcast %reduce_sum3A_80 : i32 to vector<16xi32>
    %sub3A_82 = arith.subi %add3A_71, %broadcast_in_dim3A_81 : vector<16xi32>
    %add3A_83 = arith.addi %sub3A_82, %rev3A_64 : vector<16xi32>
    %ge3A_84 = arith.cmpi sge, %add3A_83, %get3A_4 : vector<16xi32>
    %all_reduce_population_count3A_85 = tpu.all_reduce %ge3A_84 {dim = 0 : i64, kind = #tpu.reduction_kind<sum>} : vector<16xi1> -> vector<16xi32>
    %sub3A_86 = arith.constant 1 : i32
    %sub3A_87 = vector.broadcast %sub3A_86 : i32 to vector<16xi32>
    %sub3A_88 = arith.subi %all_reduce_population_count3A_85, %sub3A_87 : vector<16xi32>
    %iota3A_89 = tpu.iota {dimensions = array<i32: 0>} : vector<16xi32>
    %eq3A_90 = arith.cmpi eq, %iota3A_89, %sub3A_88 : vector<16xi32>
    %jit3A_91 = arith.constant 0 : i32
    %broadcast_in_dim3A_92 = vector.broadcast %jit3A_91 : i32 to vector<16xi32>
    %select_n3A_93 = arith.select %eq3A_90, %rev3A_64, %broadcast_in_dim3A_92 : vector<16xi1>, vector<16xi32>
    %reduce_sum3A_94 = arith.constant true
    %reduce_sum3A_95 = vector.broadcast %reduce_sum3A_94 : i1 to vector<16xi1>
    %reduce_sum3A_96 = tpu.scan <sum>, %select_n3A_93 masked %reduce_sum3A_95 : vector<16xi32>, vector<16xi1> -> vector<16xi32>
    %reduce_sum3A_97 = vector.extract %reduce_sum3A_96[15] : i32 from vector<16xi32>
    %broadcast_in_dim3A_98 = vector.broadcast %reduce_sum3A_97 : i32 to vector<16xi32>
    %add3A_99 = arith.addi %sub3A_82, %broadcast_in_dim3A_98 : vector<16xi32>
    %iota3A_100 = tpu.iota {dimensions = array<i32: 0>} : vector<16xi32>
    %eq3A_101 = arith.cmpi eq, %iota3A_100, %sub3A_88 : vector<16xi32>
    %jit3A_102 = arith.constant 0 : i32
    %broadcast_in_dim3A_103 = vector.broadcast %jit3A_102 : i32 to vector<16xi32>
    %select_n3A_104 = arith.select %eq3A_101, %gather3A, %broadcast_in_dim3A_103 : vector<16xi1>, vector<16xi32>
    %reduce_sum3A_105 = arith.constant true
    %reduce_sum3A_106 = vector.broadcast %reduce_sum3A_105 : i1 to vector<16xi1>
    %reduce_sum3A_107 = tpu.scan <sum>, %select_n3A_104 masked %reduce_sum3A_106 : vector<16xi32>, vector<16xi1> -> vector<16xi32>
    %reduce_sum3A_108 = vector.extract %reduce_sum3A_107[15] : i32 from vector<16xi32>
    %broadcast_in_dim3A_109 = vector.broadcast %reduce_sum3A_108 : i32 to vector<16xi32>
    %sub3A_110 = arith.subi %add3A_99, %broadcast_in_dim3A_109 : vector<16xi32>
    %mul3A_111 = arith.constant 16 : i32
    %mul3A_112 = vector.broadcast %mul3A_111 : i32 to vector<16xi32>
    %mul3A_113 = arith.muli %sub3A_47, %mul3A_112 : vector<16xi32>
    %add3A_114 = arith.addi %mul3A_113, %sub3A_88 : vector<16xi32>
    %shift_left3A = arith.constant 8 : i32
    %shift_left3A_115 = vector.broadcast %shift_left3A : i32 to vector<16xi32>
    %shift_left3A_116 = arith.shli %broadcast_in_dim3A_1, %shift_left3A_115 : vector<16xi32>
    %or3A = arith.ori %shift_left3A_116, %add3A_114 : vector<16xi32>
    %scan3A_117 = arith.constant 0 : i32
    %scan3A_118 = arith.constant 0 : i32
    %scan3A_119 = arith.constant 256 : i32
    %scan3A_120 = arith.addi %scan3A_118, %scan3A_119 : i32
    %scan3A_121 = arith.constant 1 : i32
    scf.for %scan3A_479 = %scan3A_118 to %scan3A_120 step %scan3A_121  : i32 {
      %mul3A_480 = arith.constant 16 : i32
      %mul3A_481 = arith.muli %scan3A_479, %mul3A_480 : i32
      %swap3A_482 = arith.index_cast %mul3A_481 : i32 to index
      %swap3A_483 = tpu.vector_load %arg6[%swap3A_482] {strides = array<i32>} : memref<4096xi32, #tpu.memory_space<vmem>>, vector<16xi32>,
      tpu.vector_store %arg6[%swap3A_482], %broadcast_in_dim3A_1 {strides = array<i32>} : memref<4096xi32, #tpu.memory_space<vmem>>, vector<16xi32>,
    }
    %scan3A_122 = arith.constant 256 : i32
    %scan3A_123 = arith.constant 0 : i32
    %scan3A_124 = arith.constant 0 : i32
    %scan3A_125 = arith.constant 256 : i32
    %scan3A_126 = arith.addi %scan3A_124, %scan3A_125 : i32
    %scan3A_127 = arith.constant 1 : i32
    scf.for %scan3A_479 = %scan3A_124 to %scan3A_126 step %scan3A_127  : i32 {
      %mul3A_480 = arith.constant 8 : i32
      %mul3A_481 = arith.muli %scan3A_479, %mul3A_480 : i32
      %add3A_482 = arith.constant 0 : i32
      %add3A_483 = arith.addi %mul3A_481, %add3A_482 : i32
      %mul3A_484 = arith.constant 16 : i32
      %mul3A_485 = arith.muli %add3A_483, %mul3A_484 : i32
      %get3A_486 = arith.index_cast %mul3A_485 : i32 to index
      %get3A_487 = tpu.vector_load %arg5[%get3A_486] {strides = array<i32>} : memref<32768xf32, #tpu.memory_space<vmem>>, vector<16xf32>,
      %abs3A = math.absf %get3A_487 : vector<16xf32>
      %bitcast_convert_type3A = tpu.bitcast %abs3A : vector<16xf32> -> vector<16xi32>
      %shift_right_logical3A = arith.constant 15 : i32
      %shift_right_logical3A_488 = vector.broadcast %shift_right_logical3A : i32 to vector<16xi32>
      %shift_right_logical3A_489 = arith.shrui %bitcast_convert_type3A, %shift_right_logical3A_488 : vector<16xi32>
      %and3A = arith.constant 255 : i32
      %and3A_490 = vector.broadcast %and3A : i32 to vector<16xi32>
      %and3A_491 = arith.andi %shift_right_logical3A_489, %and3A_490 : vector<16xi32>
      %shift_right_logical3A_492 = arith.constant 23 : i32
      %shift_right_logical3A_493 = vector.broadcast %shift_right_logical3A_492 : i32 to vector<16xi32>
      %shift_right_logical3A_494 = arith.shrui %bitcast_convert_type3A, %shift_right_logical3A_493 : vector<16xi32>
      %eq3A_495 = arith.cmpi eq, %shift_right_logical3A_494, %or3A : vector<16xi32>
      %mul3A_496 = arith.constant 8 : i32
      %mul3A_497 = arith.muli %scan3A_479, %mul3A_496 : i32
      %add3A_498 = arith.constant 1 : i32
      %add3A_499 = arith.addi %mul3A_497, %add3A_498 : i32
      %mul3A_500 = arith.constant 16 : i32
      %mul3A_501 = arith.muli %add3A_499, %mul3A_500 : i32
      %get3A_502 = arith.index_cast %mul3A_501 : i32 to index
      %get3A_503 = tpu.vector_load %arg5[%get3A_502] {strides = array<i32>} : memref<32768xf32, #tpu.memory_space<vmem>>, vector<16xf32>,
      %abs3A_504 = math.absf %get3A_503 : vector<16xf32>
      %bitcast_convert_type3A_505 = tpu.bitcast %abs3A_504 : vector<16xf32> -> vector<16xi32>
      %shift_right_logical3A_506 = arith.constant 15 : i32
      %shift_right_logical3A_507 = vector.broadcast %shift_right_logical3A_506 : i32 to vector<16xi32>
      %shift_right_logical3A_508 = arith.shrui %bitcast_convert_type3A_505, %shift_right_logical3A_507 : vector<16xi32>
      %and3A_509 = arith.constant 255 : i32
      %and3A_510 = vector.broadcast %and3A_509 : i32 to vector<16xi32>
      %and3A_511 = arith.andi %shift_right_logical3A_508, %and3A_510 : vector<16xi32>
      %shift_right_logical3A_512 = arith.constant 23 : i32
      %shift_right_logical3A_513 = vector.broadcast %shift_right_logical3A_512 : i32 to vector<16xi32>
      %shift_right_logical3A_514 = arith.shrui %bitcast_convert_type3A_505, %shift_right_logical3A_513 : vector<16xi32>
      %eq3A_515 = arith.cmpi eq, %shift_right_logical3A_514, %or3A : vector<16xi32>
      %or3A_516 = arith.ori %eq3A_495, %eq3A_515 : vector<16xi1>
      %mul3A_517 = arith.constant 8 : i32
      %mul3A_518 = arith.muli %scan3A_479, %mul3A_517 : i32
      %add3A_519 = arith.constant 2 : i32
      %add3A_520 = arith.addi %mul3A_518, %add3A_519 : i32
      %mul3A_521 = arith.constant 16 : i32
      %mul3A_522 = arith.muli %add3A_520, %mul3A_521 : i32
      %get3A_523 = arith.index_cast %mul3A_522 : i32 to index
      %get3A_524 = tpu.vector_load %arg5[%get3A_523] {strides = array<i32>} : memref<32768xf32, #tpu.memory_space<vmem>>, vector<16xf32>,
      %abs3A_525 = math.absf %get3A_524 : vector<16xf32>
      %bitcast_convert_type3A_526 = tpu.bitcast %abs3A_525 : vector<16xf32> -> vector<16xi32>
      %shift_right_logical3A_527 = arith.constant 15 : i32
      %shift_right_logical3A_528 = vector.broadcast %shift_right_logical3A_527 : i32 to vector<16xi32>
      %shift_right_logical3A_529 = arith.shrui %bitcast_convert_type3A_526, %shift_right_logical3A_528 : vector<16xi32>
      %and3A_530 = arith.constant 255 : i32
      %and3A_531 = vector.broadcast %and3A_530 : i32 to vector<16xi32>
      %and3A_532 = arith.andi %shift_right_logical3A_529, %and3A_531 : vector<16xi32>
      %shift_right_logical3A_533 = arith.constant 23 : i32
      %shift_right_logical3A_534 = vector.broadcast %shift_right_logical3A_533 : i32 to vector<16xi32>
      %shift_right_logical3A_535 = arith.shrui %bitcast_convert_type3A_526, %shift_right_logical3A_534 : vector<16xi32>
      %eq3A_536 = arith.cmpi eq, %shift_right_logical3A_535, %or3A : vector<16xi32>
      %or3A_537 = arith.ori %or3A_516, %eq3A_536 : vector<16xi1>
      %mul3A_538 = arith.constant 8 : i32
      %mul3A_539 = arith.muli %scan3A_479, %mul3A_538 : i32
      %add3A_540 = arith.constant 3 : i32
      %add3A_541 = arith.addi %mul3A_539, %add3A_540 : i32
      %mul3A_542 = arith.constant 16 : i32
      %mul3A_543 = arith.muli %add3A_541, %mul3A_542 : i32
      %get3A_544 = arith.index_cast %mul3A_543 : i32 to index
      %get3A_545 = tpu.vector_load %arg5[%get3A_544] {strides = array<i32>} : memref<32768xf32, #tpu.memory_space<vmem>>, vector<16xf32>,
      %abs3A_546 = math.absf %get3A_545 : vector<16xf32>
      %bitcast_convert_type3A_547 = tpu.bitcast %abs3A_546 : vector<16xf32> -> vector<16xi32>
      %shift_right_logical3A_548 = arith.constant 15 : i32
      %shift_right_logical3A_549 = vector.broadcast %shift_right_logical3A_548 : i32 to vector<16xi32>
      %shift_right_logical3A_550 = arith.shrui %bitcast_convert_type3A_547, %shift_right_logical3A_549 : vector<16xi32>
      %and3A_551 = arith.constant 255 : i32
      %and3A_552 = vector.broadcast %and3A_551 : i32 to vector<16xi32>
      %and3A_553 = arith.andi %shift_right_logical3A_550, %and3A_552 : vector<16xi32>
      %shift_right_logical3A_554 = arith.constant 23 : i32
      %shift_right_logical3A_555 = vector.broadcast %shift_right_logical3A_554 : i32 to vector<16xi32>
      %shift_right_logical3A_556 = arith.shrui %bitcast_convert_type3A_547, %shift_right_logical3A_555 : vector<16xi32>
      %eq3A_557 = arith.cmpi eq, %shift_right_logical3A_556, %or3A : vector<16xi32>
      %or3A_558 = arith.ori %or3A_537, %eq3A_557 : vector<16xi1>
      %mul3A_559 = arith.constant 8 : i32
      %mul3A_560 = arith.muli %scan3A_479, %mul3A_559 : i32
      %add3A_561 = arith.constant 4 : i32
      %add3A_562 = arith.addi %mul3A_560, %add3A_561 : i32
      %mul3A_563 = arith.constant 16 : i32
      %mul3A_564 = arith.muli %add3A_562, %mul3A_563 : i32
      %get3A_565 = arith.index_cast %mul3A_564 : i32 to index
      %get3A_566 = tpu.vector_load %arg5[%get3A_565] {strides = array<i32>} : memref<32768xf32, #tpu.memory_space<vmem>>, vector<16xf32>,
      %abs3A_567 = math.absf %get3A_566 : vector<16xf32>
      %bitcast_convert_type3A_568 = tpu.bitcast %abs3A_567 : vector<16xf32> -> vector<16xi32>
      %shift_right_logical3A_569 = arith.constant 15 : i32
      %shift_right_logical3A_570 = vector.broadcast %shift_right_logical3A_569 : i32 to vector<16xi32>
      %shift_right_logical3A_571 = arith.shrui %bitcast_convert_type3A_568, %shift_right_logical3A_570 : vector<16xi32>
      %and3A_572 = arith.constant 255 : i32
      %and3A_573 = vector.broadcast %and3A_572 : i32 to vector<16xi32>
      %and3A_574 = arith.andi %shift_right_logical3A_571, %and3A_573 : vector<16xi32>
      %shift_right_logical3A_575 = arith.constant 23 : i32
      %shift_right_logical3A_576 = vector.broadcast %shift_right_logical3A_575 : i32 to vector<16xi32>
      %shift_right_logical3A_577 = arith.shrui %bitcast_convert_type3A_568, %shift_right_logical3A_576 : vector<16xi32>
      %eq3A_578 = arith.cmpi eq, %shift_right_logical3A_577, %or3A : vector<16xi32>
      %or3A_579 = arith.ori %or3A_558, %eq3A_578 : vector<16xi1>
      %mul3A_580 = arith.constant 8 : i32
      %mul3A_581 = arith.muli %scan3A_479, %mul3A_580 : i32
      %add3A_582 = arith.constant 5 : i32
      %add3A_583 = arith.addi %mul3A_581, %add3A_582 : i32
      %mul3A_584 = arith.constant 16 : i32
      %mul3A_585 = arith.muli %add3A_583, %mul3A_584 : i32
      %get3A_586 = arith.index_cast %mul3A_585 : i32 to index
      %get3A_587 = tpu.vector_load %arg5[%get3A_586] {strides = array<i32>} : memref<32768xf32, #tpu.memory_space<vmem>>, vector<16xf32>,
      %abs3A_588 = math.absf %get3A_587 : vector<16xf32>
      %bitcast_convert_type3A_589 = tpu.bitcast %abs3A_588 : vector<16xf32> -> vector<16xi32>
      %shift_right_logical3A_590 = arith.constant 15 : i32
      %shift_right_logical3A_591 = vector.broadcast %shift_right_logical3A_590 : i32 to vector<16xi32>
      %shift_right_logical3A_592 = arith.shrui %bitcast_convert_type3A_589, %shift_right_logical3A_591 : vector<16xi32>
      %and3A_593 = arith.constant 255 : i32
      %and3A_594 = vector.broadcast %and3A_593 : i32 to vector<16xi32>
      %and3A_595 = arith.andi %shift_right_logical3A_592, %and3A_594 : vector<16xi32>
      %shift_right_logical3A_596 = arith.constant 23 : i32
      %shift_right_logical3A_597 = vector.broadcast %shift_right_logical3A_596 : i32 to vector<16xi32>
      %shift_right_logical3A_598 = arith.shrui %bitcast_convert_type3A_589, %shift_right_logical3A_597 : vector<16xi32>
      %eq3A_599 = arith.cmpi eq, %shift_right_logical3A_598, %or3A : vector<16xi32>
      %or3A_600 = arith.ori %or3A_579, %eq3A_599 : vector<16xi1>
      %mul3A_601 = arith.constant 8 : i32
      %mul3A_602 = arith.muli %scan3A_479, %mul3A_601 : i32
      %add3A_603 = arith.constant 6 : i32
      %add3A_604 = arith.addi %mul3A_602, %add3A_603 : i32
      %mul3A_605 = arith.constant 16 : i32
      %mul3A_606 = arith.muli %add3A_604, %mul3A_605 : i32
      %get3A_607 = arith.index_cast %mul3A_606 : i32 to index
      %get3A_608 = tpu.vector_load %arg5[%get3A_607] {strides = array<i32>} : memref<32768xf32, #tpu.memory_space<vmem>>, vector<16xf32>,
      %abs3A_609 = math.absf %get3A_608 : vector<16xf32>
      %bitcast_convert_type3A_610 = tpu.bitcast %abs3A_609 : vector<16xf32> -> vector<16xi32>
      %shift_right_logical3A_611 = arith.constant 15 : i32
      %shift_right_logical3A_612 = vector.broadcast %shift_right_logical3A_611 : i32 to vector<16xi32>
      %shift_right_logical3A_613 = arith.shrui %bitcast_convert_type3A_610, %shift_right_logical3A_612 : vector<16xi32>
      %and3A_614 = arith.constant 255 : i32
      %and3A_615 = vector.broadcast %and3A_614 : i32 to vector<16xi32>
      %and3A_616 = arith.andi %shift_right_logical3A_613, %and3A_615 : vector<16xi32>
      %shift_right_logical3A_617 = arith.constant 23 : i32
      %shift_right_logical3A_618 = vector.broadcast %shift_right_logical3A_617 : i32 to vector<16xi32>
      %shift_right_logical3A_619 = arith.shrui %bitcast_convert_type3A_610, %shift_right_logical3A_618 : vector<16xi32>
      %eq3A_620 = arith.cmpi eq, %shift_right_logical3A_619, %or3A : vector<16xi32>
      %or3A_621 = arith.ori %or3A_600, %eq3A_620 : vector<16xi1>
      %mul3A_622 = arith.constant 8 : i32
      %mul3A_623 = arith.muli %scan3A_479, %mul3A_622 : i32
      %add3A_624 = arith.constant 7 : i32
      %add3A_625 = arith.addi %mul3A_623, %add3A_624 : i32
      %mul3A_626 = arith.constant 16 : i32
      %mul3A_627 = arith.muli %add3A_625, %mul3A_626 : i32
      %get3A_628 = arith.index_cast %mul3A_627 : i32 to index
      %get3A_629 = tpu.vector_load %arg5[%get3A_628] {strides = array<i32>} : memref<32768xf32, #tpu.memory_space<vmem>>, vector<16xf32>,
      %abs3A_630 = math.absf %get3A_629 : vector<16xf32>
      %bitcast_convert_type3A_631 = tpu.bitcast %abs3A_630 : vector<16xf32> -> vector<16xi32>
      %shift_right_logical3A_632 = arith.constant 15 : i32
      %shift_right_logical3A_633 = vector.broadcast %shift_right_logical3A_632 : i32 to vector<16xi32>
      %shift_right_logical3A_634 = arith.shrui %bitcast_convert_type3A_631, %shift_right_logical3A_633 : vector<16xi32>
      %and3A_635 = arith.constant 255 : i32
      %and3A_636 = vector.broadcast %and3A_635 : i32 to vector<16xi32>
      %and3A_637 = arith.andi %shift_right_logical3A_634, %and3A_636 : vector<16xi32>
      %shift_right_logical3A_638 = arith.constant 23 : i32
      %shift_right_logical3A_639 = vector.broadcast %shift_right_logical3A_638 : i32 to vector<16xi32>
      %shift_right_logical3A_640 = arith.shrui %bitcast_convert_type3A_631, %shift_right_logical3A_639 : vector<16xi32>
      %eq3A_641 = arith.cmpi eq, %shift_right_logical3A_640, %or3A : vector<16xi32>
      %or3A_642 = arith.ori %or3A_621, %eq3A_641 : vector<16xi1>
      %reduce_or3A = arith.constant 1.000000e+00 : f32
      %reduce_or3A_643 = arith.constant 0.000000e+00 : f32
      %reduce_or3A_644 = vector.broadcast %reduce_or3A : f32 to vector<16xf32>
      %reduce_or3A_645 = vector.broadcast %reduce_or3A_643 : f32 to vector<16xf32>
      %reduce_or3A_646 = arith.select %or3A_642, %reduce_or3A_644, %reduce_or3A_645 : vector<16xi1>, vector<16xf32>
      %reduce_or3A_647 = arith.constant true
      %reduce_or3A_648 = vector.broadcast %reduce_or3A_647 : i1 to vector<16xi1>
      %reduce_or3A_649 = tpu.scan <max>, %reduce_or3A_646 masked %reduce_or3A_648 : vector<16xf32>, vector<16xi1> -> vector<16xf32>
      %reduce_or3A_650 = vector.extract %reduce_or3A_649[15] : f32 from vector<16xf32>
      %reduce_or3A_651 = arith.constant 0.000000e+00 : f32
      %reduce_or3A_652 = arith.cmpf ogt, %reduce_or3A_650, %reduce_or3A_651 : f32
      %convert_element_type3A = arith.extui %reduce_or3A_652 : i1 to i32
      %cond3A = arith.constant 0 : i32
      %cond3A_653 = arith.constant 0 : i32
      %cond3A_654 = arith.cmpi ne, %convert_element_type3A, %cond3A_653 : i32
      %cond3A_655 = scf.if %cond3A_654 -> (i32) {
        %mul3A_656 = arith.constant 16 : i32
        %mul3A_657 = vector.broadcast %mul3A_656 : i32 to vector<16xi32>
        %mul3A_658 = arith.muli %and3A_491, %mul3A_657 : vector<16xi32>
        %add3A_659 = arith.addi %mul3A_658, %iota3A : vector<16xi32>
        tpu.vector_store_idx %arg6[%add3A_659], %broadcast_in_dim3A_3 masked %eq3A_495 {add = true} : memref<4096xi32, #tpu.memory_space<vmem>>[vector<16xi32>], vector<16xi32>, vector<16xi1>
        %mul3A_660 = arith.constant 16 : i32
        %mul3A_661 = vector.broadcast %mul3A_660 : i32 to vector<16xi32>
        %mul3A_662 = arith.muli %and3A_511, %mul3A_661 : vector<16xi32>
        %add3A_663 = arith.addi %mul3A_662, %iota3A : vector<16xi32>
        tpu.vector_store_idx %arg6[%add3A_663], %broadcast_in_dim3A_3 masked %eq3A_515 {add = true} : memref<4096xi32, #tpu.memory_space<vmem>>[vector<16xi32>], vector<16xi32>, vector<16xi1>
        %mul3A_664 = arith.constant 16 : i32
        %mul3A_665 = vector.broadcast %mul3A_664 : i32 to vector<16xi32>
        %mul3A_666 = arith.muli %and3A_532, %mul3A_665 : vector<16xi32>
        %add3A_667 = arith.addi %mul3A_666, %iota3A : vector<16xi32>
        tpu.vector_store_idx %arg6[%add3A_667], %broadcast_in_dim3A_3 masked %eq3A_536 {add = true} : memref<4096xi32, #tpu.memory_space<vmem>>[vector<16xi32>], vector<16xi32>, vector<16xi1>
        %mul3A_668 = arith.constant 16 : i32
        %mul3A_669 = vector.broadcast %mul3A_668 : i32 to vector<16xi32>
        %mul3A_670 = arith.muli %and3A_553, %mul3A_669 : vector<16xi32>
        %add3A_671 = arith.addi %mul3A_670, %iota3A : vector<16xi32>
        tpu.vector_store_idx %arg6[%add3A_671], %broadcast_in_dim3A_3 masked %eq3A_557 {add = true} : memref<4096xi32, #tpu.memory_space<vmem>>[vector<16xi32>], vector<16xi32>, vector<16xi1>
        %mul3A_672 = arith.constant 16 : i32
        %mul3A_673 = vector.broadcast %mul3A_672 : i32 to vector<16xi32>
        %mul3A_674 = arith.muli %and3A_574, %mul3A_673 : vector<16xi32>
        %add3A_675 = arith.addi %mul3A_674, %iota3A : vector<16xi32>
        tpu.vector_store_idx %arg6[%add3A_675], %broadcast_in_dim3A_3 masked %eq3A_578 {add = true} : memref<4096xi32, #tpu.memory_space<vmem>>[vector<16xi32>], vector<16xi32>, vector<16xi1>
        %mul3A_676 = arith.constant 16 : i32
        %mul3A_677 = vector.broadcast %mul3A_676 : i32 to vector<16xi32>
        %mul3A_678 = arith.muli %and3A_595, %mul3A_677 : vector<16xi32>
        %add3A_679 = arith.addi %mul3A_678, %iota3A : vector<16xi32>
        tpu.vector_store_idx %arg6[%add3A_679], %broadcast_in_dim3A_3 masked %eq3A_599 {add = true} : memref<4096xi32, #tpu.memory_space<vmem>>[vector<16xi32>], vector<16xi32>, vector<16xi1>
        %mul3A_680 = arith.constant 16 : i32
        %mul3A_681 = vector.broadcast %mul3A_680 : i32 to vector<16xi32>
        %mul3A_682 = arith.muli %and3A_616, %mul3A_681 : vector<16xi32>
        %add3A_683 = arith.addi %mul3A_682, %iota3A : vector<16xi32>
        tpu.vector_store_idx %arg6[%add3A_683], %broadcast_in_dim3A_3 masked %eq3A_620 {add = true} : memref<4096xi32, #tpu.memory_space<vmem>>[vector<16xi32>], vector<16xi32>, vector<16xi1>
        %mul3A_684 = arith.constant 16 : i32
        %mul3A_685 = vector.broadcast %mul3A_684 : i32 to vector<16xi32>
        %mul3A_686 = arith.muli %and3A_637, %mul3A_685 : vector<16xi32>
        %add3A_687 = arith.addi %mul3A_686, %iota3A : vector<16xi32>
        tpu.vector_store_idx %arg6[%add3A_687], %broadcast_in_dim3A_3 masked %eq3A_641 {add = true} : memref<4096xi32, #tpu.memory_space<vmem>>[vector<16xi32>], vector<16xi32>, vector<16xi1>
        %cond3A_688 = arith.constant 0 : i32
        scf.yield %cond3A_688 : i32
      } else {
        %cond3A_656 = arith.constant 0 : i32
        scf.yield %cond3A_656 : i32
      }
    }
    %scan3A_128 = arith.constant 256 : i32
    %scan3A_129 = arith.constant 0 : i32
    %scan3A_130 = arith.constant 0 : i32
    %scan3A_131 = arith.constant 16 : i32
    %scan3A_132 = arith.addi %scan3A_130, %scan3A_131 : i32
    %scan3A_133 = arith.constant 1 : i32
    scf.for %scan3A_479 = %scan3A_130 to %scan3A_132 step %scan3A_133  : i32 {
      %mul3A_480 = arith.constant 16 : i32
      %mul3A_481 = arith.muli %scan3A_479, %mul3A_480 : i32
      %add3A_482 = vector.broadcast %mul3A_481 : i32 to vector<16xi32>
      %add3A_483 = arith.addi %add3A_482, %iota3A : vector<16xi32>
      %mul3A_484 = arith.constant 16 : i32
      %mul3A_485 = vector.broadcast %mul3A_484 : i32 to vector<16xi32>
      %mul3A_486 = arith.muli %add3A_483, %mul3A_485 : vector<16xi32>
      %add3A_487 = arith.constant 0 : i32
      %add3A_488 = vector.broadcast %add3A_487 : i32 to vector<16xi32>
      %add3A_489 = arith.addi %mul3A_486, %add3A_488 : vector<16xi32>
      %gather3A_490 = tpu.vector_load_idx %arg6[%add3A_489] : memref<4096xi32, #tpu.memory_space<vmem>>[vector<16xi32>], vector<16xi32>,
      %add3A_491 = arith.addi %broadcast_in_dim3A_1, %gather3A_490 : vector<16xi32>
      %mul3A_492 = arith.constant 16 : i32
      %mul3A_493 = arith.muli %scan3A_479, %mul3A_492 : i32
      %add3A_494 = vector.broadcast %mul3A_493 : i32 to vector<16xi32>
      %add3A_495 = arith.addi %add3A_494, %iota3A : vector<16xi32>
      %mul3A_496 = arith.constant 16 : i32
      %mul3A_497 = vector.broadcast %mul3A_496 : i32 to vector<16xi32>
      %mul3A_498 = arith.muli %add3A_495, %mul3A_497 : vector<16xi32>
      %add3A_499 = arith.constant 1 : i32
      %add3A_500 = vector.broadcast %add3A_499 : i32 to vector<16xi32>
      %add3A_501 = arith.addi %mul3A_498, %add3A_500 : vector<16xi32>
      %gather3A_502 = tpu.vector_load_idx %arg6[%add3A_501] : memref<4096xi32, #tpu.memory_space<vmem>>[vector<16xi32>], vector<16xi32>,
      %add3A_503 = arith.addi %add3A_491, %gather3A_502 : vector<16xi32>
      %mul3A_504 = arith.constant 16 : i32
      %mul3A_505 = arith.muli %scan3A_479, %mul3A_504 : i32
      %add3A_506 = vector.broadcast %mul3A_505 : i32 to vector<16xi32>
      %add3A_507 = arith.addi %add3A_506, %iota3A : vector<16xi32>
      %mul3A_508 = arith.constant 16 : i32
      %mul3A_509 = vector.broadcast %mul3A_508 : i32 to vector<16xi32>
      %mul3A_510 = arith.muli %add3A_507, %mul3A_509 : vector<16xi32>
      %add3A_511 = arith.constant 2 : i32
      %add3A_512 = vector.broadcast %add3A_511 : i32 to vector<16xi32>
      %add3A_513 = arith.addi %mul3A_510, %add3A_512 : vector<16xi32>
      %gather3A_514 = tpu.vector_load_idx %arg6[%add3A_513] : memref<4096xi32, #tpu.memory_space<vmem>>[vector<16xi32>], vector<16xi32>,
      %add3A_515 = arith.addi %add3A_503, %gather3A_514 : vector<16xi32>
      %mul3A_516 = arith.constant 16 : i32
      %mul3A_517 = arith.muli %scan3A_479, %mul3A_516 : i32
      %add3A_518 = vector.broadcast %mul3A_517 : i32 to vector<16xi32>
      %add3A_519 = arith.addi %add3A_518, %iota3A : vector<16xi32>
      %mul3A_520 = arith.constant 16 : i32
      %mul3A_521 = vector.broadcast %mul3A_520 : i32 to vector<16xi32>
      %mul3A_522 = arith.muli %add3A_519, %mul3A_521 : vector<16xi32>
      %add3A_523 = arith.constant 3 : i32
      %add3A_524 = vector.broadcast %add3A_523 : i32 to vector<16xi32>
      %add3A_525 = arith.addi %mul3A_522, %add3A_524 : vector<16xi32>
      %gather3A_526 = tpu.vector_load_idx %arg6[%add3A_525] : memref<4096xi32, #tpu.memory_space<vmem>>[vector<16xi32>], vector<16xi32>,
      %add3A_527 = arith.addi %add3A_515, %gather3A_526 : vector<16xi32>
      %mul3A_528 = arith.constant 16 : i32
      %mul3A_529 = arith.muli %scan3A_479, %mul3A_528 : i32
      %add3A_530 = vector.broadcast %mul3A_529 : i32 to vector<16xi32>
      %add3A_531 = arith.addi %add3A_530, %iota3A : vector<16xi32>
      %mul3A_532 = arith.constant 16 : i32
      %mul3A_533 = vector.broadcast %mul3A_532 : i32 to vector<16xi32>
      %mul3A_534 = arith.muli %add3A_531, %mul3A_533 : vector<16xi32>
      %add3A_535 = arith.constant 4 : i32
      %add3A_536 = vector.broadcast %add3A_535 : i32 to vector<16xi32>
      %add3A_537 = arith.addi %mul3A_534, %add3A_536 : vector<16xi32>
      %gather3A_538 = tpu.vector_load_idx %arg6[%add3A_537] : memref<4096xi32, #tpu.memory_space<vmem>>[vector<16xi32>], vector<16xi32>,
      %add3A_539 = arith.addi %add3A_527, %gather3A_538 : vector<16xi32>
      %mul3A_540 = arith.constant 16 : i32
      %mul3A_541 = arith.muli %scan3A_479, %mul3A_540 : i32
      %add3A_542 = vector.broadcast %mul3A_541 : i32 to vector<16xi32>
      %add3A_543 = arith.addi %add3A_542, %iota3A : vector<16xi32>
      %mul3A_544 = arith.constant 16 : i32
      %mul3A_545 = vector.broadcast %mul3A_544 : i32 to vector<16xi32>
      %mul3A_546 = arith.muli %add3A_543, %mul3A_545 : vector<16xi32>
      %add3A_547 = arith.constant 5 : i32
      %add3A_548 = vector.broadcast %add3A_547 : i32 to vector<16xi32>
      %add3A_549 = arith.addi %mul3A_546, %add3A_548 : vector<16xi32>
      %gather3A_550 = tpu.vector_load_idx %arg6[%add3A_549] : memref<4096xi32, #tpu.memory_space<vmem>>[vector<16xi32>], vector<16xi32>,
      %add3A_551 = arith.addi %add3A_539, %gather3A_550 : vector<16xi32>
      %mul3A_552 = arith.constant 16 : i32
      %mul3A_553 = arith.muli %scan3A_479, %mul3A_552 : i32
      %add3A_554 = vector.broadcast %mul3A_553 : i32 to vector<16xi32>
      %add3A_555 = arith.addi %add3A_554, %iota3A : vector<16xi32>
      %mul3A_556 = arith.constant 16 : i32
      %mul3A_557 = vector.broadcast %mul3A_556 : i32 to vector<16xi32>
      %mul3A_558 = arith.muli %add3A_555, %mul3A_557 : vector<16xi32>
      %add3A_559 = arith.constant 6 : i32
      %add3A_560 = vector.broadcast %add3A_559 : i32 to vector<16xi32>
      %add3A_561 = arith.addi %mul3A_558, %add3A_560 : vector<16xi32>
      %gather3A_562 = tpu.vector_load_idx %arg6[%add3A_561] : memref<4096xi32, #tpu.memory_space<vmem>>[vector<16xi32>], vector<16xi32>,
      %add3A_563 = arith.addi %add3A_551, %gather3A_562 : vector<16xi32>
      %mul3A_564 = arith.constant 16 : i32
      %mul3A_565 = arith.muli %scan3A_479, %mul3A_564 : i32
      %add3A_566 = vector.broadcast %mul3A_565 : i32 to vector<16xi32>
      %add3A_567 = arith.addi %add3A_566, %iota3A : vector<16xi32>
      %mul3A_568 = arith.constant 16 : i32
      %mul3A_569 = vector.broadcast %mul3A_568 : i32 to vector<16xi32>
      %mul3A_570 = arith.muli %add3A_567, %mul3A_569 : vector<16xi32>
      %add3A_571 = arith.constant 7 : i32
      %add3A_572 = vector.broadcast %add3A_571 : i32 to vector<16xi32>
      %add3A_573 = arith.addi %mul3A_570, %add3A_572 : vector<16xi32>
      %gather3A_574 = tpu.vector_load_idx %arg6[%add3A_573] : memref<4096xi32, #tpu.memory_space<vmem>>[vector<16xi32>], vector<16xi32>,
      %add3A_575 = arith.addi %add3A_563, %gather3A_574 : vector<16xi32>
      %mul3A_576 = arith.constant 16 : i32
      %mul3A_577 = arith.muli %scan3A_479, %mul3A_576 : i32
      %add3A_578 = vector.broadcast %mul3A_577 : i32 to vector<16xi32>
      %add3A_579 = arith.addi %add3A_578, %iota3A : vector<16xi32>
      %mul3A_580 = arith.constant 16 : i32
      %mul3A_581 = vector.broadcast %mul3A_580 : i32 to vector<16xi32>
      %mul3A_582 = arith.muli %add3A_579, %mul3A_581 : vector<16xi32>
      %add3A_583 = arith.constant 8 : i32
      %add3A_584 = vector.broadcast %add3A_583 : i32 to vector<16xi32>
      %add3A_585 = arith.addi %mul3A_582, %add3A_584 : vector<16xi32>
      %gather3A_586 = tpu.vector_load_idx %arg6[%add3A_585] : memref<4096xi32, #tpu.memory_space<vmem>>[vector<16xi32>], vector<16xi32>,
      %add3A_587 = arith.addi %add3A_575, %gather3A_586 : vector<16xi32>
      %mul3A_588 = arith.constant 16 : i32
      %mul3A_589 = arith.muli %scan3A_479, %mul3A_588 : i32
      %add3A_590 = vector.broadcast %mul3A_589 : i32 to vector<16xi32>
      %add3A_591 = arith.addi %add3A_590, %iota3A : vector<16xi32>
      %mul3A_592 = arith.constant 16 : i32
      %mul3A_593 = vector.broadcast %mul3A_592 : i32 to vector<16xi32>
      %mul3A_594 = arith.muli %add3A_591, %mul3A_593 : vector<16xi32>
      %add3A_595 = arith.constant 9 : i32
      %add3A_596 = vector.broadcast %add3A_595 : i32 to vector<16xi32>
      %add3A_597 = arith.addi %mul3A_594, %add3A_596 : vector<16xi32>
      %gather3A_598 = tpu.vector_load_idx %arg6[%add3A_597] : memref<4096xi32, #tpu.memory_space<vmem>>[vector<16xi32>], vector<16xi32>,
      %add3A_599 = arith.addi %add3A_587, %gather3A_598 : vector<16xi32>
      %mul3A_600 = arith.constant 16 : i32
      %mul3A_601 = arith.muli %scan3A_479, %mul3A_600 : i32
      %add3A_602 = vector.broadcast %mul3A_601 : i32 to vector<16xi32>
      %add3A_603 = arith.addi %add3A_602, %iota3A : vector<16xi32>
      %mul3A_604 = arith.constant 16 : i32
      %mul3A_605 = vector.broadcast %mul3A_604 : i32 to vector<16xi32>
      %mul3A_606 = arith.muli %add3A_603, %mul3A_605 : vector<16xi32>
      %add3A_607 = arith.constant 10 : i32
      %add3A_608 = vector.broadcast %add3A_607 : i32 to vector<16xi32>
      %add3A_609 = arith.addi %mul3A_606, %add3A_608 : vector<16xi32>
      %gather3A_610 = tpu.vector_load_idx %arg6[%add3A_609] : memref<4096xi32, #tpu.memory_space<vmem>>[vector<16xi32>], vector<16xi32>,
      %add3A_611 = arith.addi %add3A_599, %gather3A_610 : vector<16xi32>
      %mul3A_612 = arith.constant 16 : i32
      %mul3A_613 = arith.muli %scan3A_479, %mul3A_612 : i32
      %add3A_614 = vector.broadcast %mul3A_613 : i32 to vector<16xi32>
      %add3A_615 = arith.addi %add3A_614, %iota3A : vector<16xi32>
      %mul3A_616 = arith.constant 16 : i32
      %mul3A_617 = vector.broadcast %mul3A_616 : i32 to vector<16xi32>
      %mul3A_618 = arith.muli %add3A_615, %mul3A_617 : vector<16xi32>
      %add3A_619 = arith.constant 11 : i32
      %add3A_620 = vector.broadcast %add3A_619 : i32 to vector<16xi32>
      %add3A_621 = arith.addi %mul3A_618, %add3A_620 : vector<16xi32>
      %gather3A_622 = tpu.vector_load_idx %arg6[%add3A_621] : memref<4096xi32, #tpu.memory_space<vmem>>[vector<16xi32>], vector<16xi32>,
      %add3A_623 = arith.addi %add3A_611, %gather3A_622 : vector<16xi32>
      %mul3A_624 = arith.constant 16 : i32
      %mul3A_625 = arith.muli %scan3A_479, %mul3A_624 : i32
      %add3A_626 = vector.broadcast %mul3A_625 : i32 to vector<16xi32>
      %add3A_627 = arith.addi %add3A_626, %iota3A : vector<16xi32>
      %mul3A_628 = arith.constant 16 : i32
      %mul3A_629 = vector.broadcast %mul3A_628 : i32 to vector<16xi32>
      %mul3A_630 = arith.muli %add3A_627, %mul3A_629 : vector<16xi32>
      %add3A_631 = arith.constant 12 : i32
      %add3A_632 = vector.broadcast %add3A_631 : i32 to vector<16xi32>
      %add3A_633 = arith.addi %mul3A_630, %add3A_632 : vector<16xi32>
      %gather3A_634 = tpu.vector_load_idx %arg6[%add3A_633] : memref<4096xi32, #tpu.memory_space<vmem>>[vector<16xi32>], vector<16xi32>,
      %add3A_635 = arith.addi %add3A_623, %gather3A_634 : vector<16xi32>
      %mul3A_636 = arith.constant 16 : i32
      %mul3A_637 = arith.muli %scan3A_479, %mul3A_636 : i32
      %add3A_638 = vector.broadcast %mul3A_637 : i32 to vector<16xi32>
      %add3A_639 = arith.addi %add3A_638, %iota3A : vector<16xi32>
      %mul3A_640 = arith.constant 16 : i32
      %mul3A_641 = vector.broadcast %mul3A_640 : i32 to vector<16xi32>
      %mul3A_642 = arith.muli %add3A_639, %mul3A_641 : vector<16xi32>
      %add3A_643 = arith.constant 13 : i32
      %add3A_644 = vector.broadcast %add3A_643 : i32 to vector<16xi32>
      %add3A_645 = arith.addi %mul3A_642, %add3A_644 : vector<16xi32>
      %gather3A_646 = tpu.vector_load_idx %arg6[%add3A_645] : memref<4096xi32, #tpu.memory_space<vmem>>[vector<16xi32>], vector<16xi32>,
      %add3A_647 = arith.addi %add3A_635, %gather3A_646 : vector<16xi32>
      %mul3A_648 = arith.constant 16 : i32
      %mul3A_649 = arith.muli %scan3A_479, %mul3A_648 : i32
      %add3A_650 = vector.broadcast %mul3A_649 : i32 to vector<16xi32>
      %add3A_651 = arith.addi %add3A_650, %iota3A : vector<16xi32>
      %mul3A_652 = arith.constant 16 : i32
      %mul3A_653 = vector.broadcast %mul3A_652 : i32 to vector<16xi32>
      %mul3A_654 = arith.muli %add3A_651, %mul3A_653 : vector<16xi32>
      %add3A_655 = arith.constant 14 : i32
      %add3A_656 = vector.broadcast %add3A_655 : i32 to vector<16xi32>
      %add3A_657 = arith.addi %mul3A_654, %add3A_656 : vector<16xi32>
      %gather3A_658 = tpu.vector_load_idx %arg6[%add3A_657] : memref<4096xi32, #tpu.memory_space<vmem>>[vector<16xi32>], vector<16xi32>,
      %add3A_659 = arith.addi %add3A_647, %gather3A_658 : vector<16xi32>
      %mul3A_660 = arith.constant 16 : i32
      %mul3A_661 = arith.muli %scan3A_479, %mul3A_660 : i32
      %add3A_662 = vector.broadcast %mul3A_661 : i32 to vector<16xi32>
      %add3A_663 = arith.addi %add3A_662, %iota3A : vector<16xi32>
      %mul3A_664 = arith.constant 16 : i32
      %mul3A_665 = vector.broadcast %mul3A_664 : i32 to vector<16xi32>
      %mul3A_666 = arith.muli %add3A_663, %mul3A_665 : vector<16xi32>
      %add3A_667 = arith.constant 15 : i32
      %add3A_668 = vector.broadcast %add3A_667 : i32 to vector<16xi32>
      %add3A_669 = arith.addi %mul3A_666, %add3A_668 : vector<16xi32>
      %gather3A_670 = tpu.vector_load_idx %arg6[%add3A_669] : memref<4096xi32, #tpu.memory_space<vmem>>[vector<16xi32>], vector<16xi32>,
      %add3A_671 = arith.addi %add3A_659, %gather3A_670 : vector<16xi32>
      %mul3A_672 = arith.constant 16 : i32
      %mul3A_673 = arith.muli %scan3A_479, %mul3A_672 : i32
      %swap3A_674 = arith.index_cast %mul3A_673 : i32 to index
      %swap3A_675 = tpu.vector_load %arg7[%swap3A_674] {strides = array<i32>} : memref<256xi32, #tpu.memory_space<vmem>>, vector<16xi32>,
      tpu.vector_store %arg7[%swap3A_674], %add3A_671 {strides = array<i32>} : memref<256xi32, #tpu.memory_space<vmem>>, vector<16xi32>,
    }
    %scan3A_134 = arith.constant 16 : i32
    %scan3A_135 = arith.constant 0 : i32
    %scan3A_136 = arith.constant 16 : i32
    %scan3A_137 = arith.addi %scan3A_135, %scan3A_136 : i32
    %scan3A_138 = arith.constant 1 : i32
    %scan3A_139 = scf.for %scan3A_479 = %scan3A_135 to %scan3A_137 step %scan3A_138 iter_args(%scan3A_480 = %broadcast_in_dim3A_1) -> (vector<16xi32>)  : i32 {
      %mul3A_481 = arith.constant 16 : i32
      %mul3A_482 = vector.broadcast %mul3A_481 : i32 to vector<16xi32>
      %mul3A_483 = arith.muli %iota3A, %mul3A_482 : vector<16xi32>
      %add3A_484 = vector.broadcast %scan3A_479 : i32 to vector<16xi32>
      %add3A_485 = arith.addi %mul3A_483, %add3A_484 : vector<16xi32>
      %gather3A_486 = tpu.vector_load_idx %arg7[%add3A_485] : memref<256xi32, #tpu.memory_space<vmem>>[vector<16xi32>], vector<16xi32>,
      %add3A_487 = arith.addi %scan3A_480, %gather3A_486 : vector<16xi32>
      scf.yield %add3A_487 : vector<16xi32>
    }
    %scan3A_140 = arith.constant 16 : i32
    %rev3A_141 = arith.constant 15 : i32
    %rev3A_142 = vector.broadcast %rev3A_141 : i32 to vector<16xi32>
    %rev3A_143 = tpu.iota {dimensions = array<i32: 0>} : vector<16xi32>
    %rev3A_144 = arith.subi %rev3A_142, %rev3A_143 : vector<16xi32>
    %rev3A_145 = tpu.dynamic_gather %scan3A_139[%rev3A_144] in [0] : vector<16xi32>, vector<16xi32> -> vector<16xi32>
    %cumsum3A_146 = arith.constant true
    %cumsum3A_147 = vector.broadcast %cumsum3A_146 : i1 to vector<16xi1>
    %cumsum3A_148 = tpu.scan <sum>, %rev3A_145 masked %cumsum3A_147 : vector<16xi32>, vector<16xi1> -> vector<16xi32>
    %rev3A_149 = arith.constant 15 : i32
    %rev3A_150 = vector.broadcast %rev3A_149 : i32 to vector<16xi32>
    %rev3A_151 = tpu.iota {dimensions = array<i32: 0>} : vector<16xi32>
    %rev3A_152 = arith.subi %rev3A_150, %rev3A_151 : vector<16xi32>
    %rev3A_153 = tpu.dynamic_gather %cumsum3A_148[%rev3A_152] in [0] : vector<16xi32>, vector<16xi32> -> vector<16xi32>
    %add3A_154 = arith.addi %sub3A_110, %rev3A_153 : vector<16xi32>
    %ge3A_155 = arith.cmpi sge, %add3A_154, %get3A_4 : vector<16xi32>
    %all_reduce_population_count3A_156 = tpu.all_reduce %ge3A_155 {dim = 0 : i64, kind = #tpu.reduction_kind<sum>} : vector<16xi1> -> vector<16xi32>
    %sub3A_157 = arith.constant 1 : i32
    %sub3A_158 = vector.broadcast %sub3A_157 : i32 to vector<16xi32>
    %sub3A_159 = arith.subi %all_reduce_population_count3A_156, %sub3A_158 : vector<16xi32>
    %mul3A_160 = arith.constant 16 : i32
    %mul3A_161 = vector.broadcast %mul3A_160 : i32 to vector<16xi32>
    %mul3A_162 = arith.muli %sub3A_159, %mul3A_161 : vector<16xi32>
    %add3A_163 = arith.addi %mul3A_162, %iota3A : vector<16xi32>
    %gather3A_164 = tpu.vector_load_idx %arg7[%add3A_163] : memref<256xi32, #tpu.memory_space<vmem>>[vector<16xi32>], vector<16xi32>,
    %rev3A_165 = arith.constant 15 : i32
    %rev3A_166 = vector.broadcast %rev3A_165 : i32 to vector<16xi32>
    %rev3A_167 = tpu.iota {dimensions = array<i32: 0>} : vector<16xi32>
    %rev3A_168 = arith.subi %rev3A_166, %rev3A_167 : vector<16xi32>
    %rev3A_169 = tpu.dynamic_gather %gather3A_164[%rev3A_168] in [0] : vector<16xi32>, vector<16xi32> -> vector<16xi32>
    %cumsum3A_170 = arith.constant true
    %cumsum3A_171 = vector.broadcast %cumsum3A_170 : i1 to vector<16xi1>
    %cumsum3A_172 = tpu.scan <sum>, %rev3A_169 masked %cumsum3A_171 : vector<16xi32>, vector<16xi1> -> vector<16xi32>
    %rev3A_173 = arith.constant 15 : i32
    %rev3A_174 = vector.broadcast %rev3A_173 : i32 to vector<16xi32>
    %rev3A_175 = tpu.iota {dimensions = array<i32: 0>} : vector<16xi32>
    %rev3A_176 = arith.subi %rev3A_174, %rev3A_175 : vector<16xi32>
    %rev3A_177 = tpu.dynamic_gather %cumsum3A_172[%rev3A_176] in [0] : vector<16xi32>, vector<16xi32> -> vector<16xi32>
    %iota3A_178 = tpu.iota {dimensions = array<i32: 0>} : vector<16xi32>
    %eq3A_179 = arith.cmpi eq, %iota3A_178, %sub3A_159 : vector<16xi32>
    %jit3A_180 = arith.constant 0 : i32
    %broadcast_in_dim3A_181 = vector.broadcast %jit3A_180 : i32 to vector<16xi32>
    %select_n3A_182 = arith.select %eq3A_179, %rev3A_153, %broadcast_in_dim3A_181 : vector<16xi1>, vector<16xi32>
    %reduce_sum3A_183 = arith.constant true
    %reduce_sum3A_184 = vector.broadcast %reduce_sum3A_183 : i1 to vector<16xi1>
    %reduce_sum3A_185 = tpu.scan <sum>, %select_n3A_182 masked %reduce_sum3A_184 : vector<16xi32>, vector<16xi1> -> vector<16xi32>
    %reduce_sum3A_186 = vector.extract %reduce_sum3A_185[15] : i32 from vector<16xi32>
    %broadcast_in_dim3A_187 = vector.broadcast %reduce_sum3A_186 : i32 to vector<16xi32>
    %add3A_188 = arith.addi %sub3A_110, %broadcast_in_dim3A_187 : vector<16xi32>
    %iota3A_189 = tpu.iota {dimensions = array<i32: 0>} : vector<16xi32>
    %eq3A_190 = arith.cmpi eq, %iota3A_189, %sub3A_159 : vector<16xi32>
    %jit3A_191 = arith.constant 0 : i32
    %broadcast_in_dim3A_192 = vector.broadcast %jit3A_191 : i32 to vector<16xi32>
    %select_n3A_193 = arith.select %eq3A_190, %scan3A_139, %broadcast_in_dim3A_192 : vector<16xi1>, vector<16xi32>
    %reduce_sum3A_194 = arith.constant true
    %reduce_sum3A_195 = vector.broadcast %reduce_sum3A_194 : i1 to vector<16xi1>
    %reduce_sum3A_196 = tpu.scan <sum>, %select_n3A_193 masked %reduce_sum3A_195 : vector<16xi32>, vector<16xi1> -> vector<16xi32>
    %reduce_sum3A_197 = vector.extract %reduce_sum3A_196[15] : i32 from vector<16xi32>
    %broadcast_in_dim3A_198 = vector.broadcast %reduce_sum3A_197 : i32 to vector<16xi32>
    %sub3A_199 = arith.subi %add3A_188, %broadcast_in_dim3A_198 : vector<16xi32>
    %add3A_200 = arith.addi %sub3A_199, %rev3A_177 : vector<16xi32>
    %ge3A_201 = arith.cmpi sge, %add3A_200, %get3A_4 : vector<16xi32>
    %all_reduce_population_count3A_202 = tpu.all_reduce %ge3A_201 {dim = 0 : i64, kind = #tpu.reduction_kind<sum>} : vector<16xi1> -> vector<16xi32>
    %sub3A_203 = arith.constant 1 : i32
    %sub3A_204 = vector.broadcast %sub3A_203 : i32 to vector<16xi32>
    %sub3A_205 = arith.subi %all_reduce_population_count3A_202, %sub3A_204 : vector<16xi32>
    %iota3A_206 = tpu.iota {dimensions = array<i32: 0>} : vector<16xi32>
    %eq3A_207 = arith.cmpi eq, %iota3A_206, %sub3A_205 : vector<16xi32>
    %jit3A_208 = arith.constant 0 : i32
    %broadcast_in_dim3A_209 = vector.broadcast %jit3A_208 : i32 to vector<16xi32>
    %select_n3A_210 = arith.select %eq3A_207, %rev3A_177, %broadcast_in_dim3A_209 : vector<16xi1>, vector<16xi32>
    %reduce_sum3A_211 = arith.constant true
    %reduce_sum3A_212 = vector.broadcast %reduce_sum3A_211 : i1 to vector<16xi1>
    %reduce_sum3A_213 = tpu.scan <sum>, %select_n3A_210 masked %reduce_sum3A_212 : vector<16xi32>, vector<16xi1> -> vector<16xi32>
    %reduce_sum3A_214 = vector.extract %reduce_sum3A_213[15] : i32 from vector<16xi32>
    %broadcast_in_dim3A_215 = vector.broadcast %reduce_sum3A_214 : i32 to vector<16xi32>
    %add3A_216 = arith.addi %sub3A_199, %broadcast_in_dim3A_215 : vector<16xi32>
    %iota3A_217 = tpu.iota {dimensions = array<i32: 0>} : vector<16xi32>
    %eq3A_218 = arith.cmpi eq, %iota3A_217, %sub3A_205 : vector<16xi32>
    %jit3A_219 = arith.constant 0 : i32
    %broadcast_in_dim3A_220 = vector.broadcast %jit3A_219 : i32 to vector<16xi32>
    %select_n3A_221 = arith.select %eq3A_218, %gather3A_164, %broadcast_in_dim3A_220 : vector<16xi1>, vector<16xi32>
    %reduce_sum3A_222 = arith.constant true
    %reduce_sum3A_223 = vector.broadcast %reduce_sum3A_222 : i1 to vector<16xi1>
    %reduce_sum3A_224 = tpu.scan <sum>, %select_n3A_221 masked %reduce_sum3A_223 : vector<16xi32>, vector<16xi1> -> vector<16xi32>
    %reduce_sum3A_225 = vector.extract %reduce_sum3A_224[15] : i32 from vector<16xi32>
    %broadcast_in_dim3A_226 = vector.broadcast %reduce_sum3A_225 : i32 to vector<16xi32>
    %sub3A_227 = arith.subi %add3A_216, %broadcast_in_dim3A_226 : vector<16xi32>
    %mul3A_228 = arith.constant 16 : i32
    %mul3A_229 = vector.broadcast %mul3A_228 : i32 to vector<16xi32>
    %mul3A_230 = arith.muli %sub3A_159, %mul3A_229 : vector<16xi32>
    %add3A_231 = arith.addi %mul3A_230, %sub3A_205 : vector<16xi32>
    %shift_left3A_232 = arith.constant 8 : i32
    %shift_left3A_233 = vector.broadcast %shift_left3A_232 : i32 to vector<16xi32>
    %shift_left3A_234 = arith.shli %or3A, %shift_left3A_233 : vector<16xi32>
    %or3A_235 = arith.ori %shift_left3A_234, %add3A_231 : vector<16xi32>
    %scan3A_236 = arith.constant 0 : i32
    %scan3A_237 = arith.constant 0 : i32
    %scan3A_238 = arith.constant 256 : i32
    %scan3A_239 = arith.addi %scan3A_237, %scan3A_238 : i32
    %scan3A_240 = arith.constant 1 : i32
    scf.for %scan3A_479 = %scan3A_237 to %scan3A_239 step %scan3A_240  : i32 {
      %mul3A_480 = arith.constant 16 : i32
      %mul3A_481 = arith.muli %scan3A_479, %mul3A_480 : i32
      %swap3A_482 = arith.index_cast %mul3A_481 : i32 to index
      %swap3A_483 = tpu.vector_load %arg6[%swap3A_482] {strides = array<i32>} : memref<4096xi32, #tpu.memory_space<vmem>>, vector<16xi32>,
      tpu.vector_store %arg6[%swap3A_482], %broadcast_in_dim3A_1 {strides = array<i32>} : memref<4096xi32, #tpu.memory_space<vmem>>, vector<16xi32>,
    }
    %scan3A_241 = arith.constant 256 : i32
    %scan3A_242 = arith.constant 0 : i32
    %scan3A_243 = arith.constant 0 : i32
    %scan3A_244 = arith.constant 256 : i32
    %scan3A_245 = arith.addi %scan3A_243, %scan3A_244 : i32
    %scan3A_246 = arith.constant 1 : i32
    scf.for %scan3A_479 = %scan3A_243 to %scan3A_245 step %scan3A_246  : i32 {
      %mul3A_480 = arith.constant 8 : i32
      %mul3A_481 = arith.muli %scan3A_479, %mul3A_480 : i32
      %add3A_482 = arith.constant 0 : i32
      %add3A_483 = arith.addi %mul3A_481, %add3A_482 : i32
      %mul3A_484 = arith.constant 16 : i32
      %mul3A_485 = arith.muli %add3A_483, %mul3A_484 : i32
      %get3A_486 = arith.index_cast %mul3A_485 : i32 to index
      %get3A_487 = tpu.vector_load %arg5[%get3A_486] {strides = array<i32>} : memref<32768xf32, #tpu.memory_space<vmem>>, vector<16xf32>,
      %abs3A = math.absf %get3A_487 : vector<16xf32>
      %bitcast_convert_type3A = tpu.bitcast %abs3A : vector<16xf32> -> vector<16xi32>
      %shift_right_logical3A = arith.constant 7 : i32
      %shift_right_logical3A_488 = vector.broadcast %shift_right_logical3A : i32 to vector<16xi32>
      %shift_right_logical3A_489 = arith.shrui %bitcast_convert_type3A, %shift_right_logical3A_488 : vector<16xi32>
      %and3A = arith.constant 255 : i32
      %and3A_490 = vector.broadcast %and3A : i32 to vector<16xi32>
      %and3A_491 = arith.andi %shift_right_logical3A_489, %and3A_490 : vector<16xi32>
      %shift_right_logical3A_492 = arith.constant 15 : i32
      %shift_right_logical3A_493 = vector.broadcast %shift_right_logical3A_492 : i32 to vector<16xi32>
      %shift_right_logical3A_494 = arith.shrui %bitcast_convert_type3A, %shift_right_logical3A_493 : vector<16xi32>
      %eq3A_495 = arith.cmpi eq, %shift_right_logical3A_494, %or3A_235 : vector<16xi32>
      %mul3A_496 = arith.constant 8 : i32
      %mul3A_497 = arith.muli %scan3A_479, %mul3A_496 : i32
      %add3A_498 = arith.constant 1 : i32
      %add3A_499 = arith.addi %mul3A_497, %add3A_498 : i32
      %mul3A_500 = arith.constant 16 : i32
      %mul3A_501 = arith.muli %add3A_499, %mul3A_500 : i32
      %get3A_502 = arith.index_cast %mul3A_501 : i32 to index
      %get3A_503 = tpu.vector_load %arg5[%get3A_502] {strides = array<i32>} : memref<32768xf32, #tpu.memory_space<vmem>>, vector<16xf32>,
      %abs3A_504 = math.absf %get3A_503 : vector<16xf32>
      %bitcast_convert_type3A_505 = tpu.bitcast %abs3A_504 : vector<16xf32> -> vector<16xi32>
      %shift_right_logical3A_506 = arith.constant 7 : i32
      %shift_right_logical3A_507 = vector.broadcast %shift_right_logical3A_506 : i32 to vector<16xi32>
      %shift_right_logical3A_508 = arith.shrui %bitcast_convert_type3A_505, %shift_right_logical3A_507 : vector<16xi32>
      %and3A_509 = arith.constant 255 : i32
      %and3A_510 = vector.broadcast %and3A_509 : i32 to vector<16xi32>
      %and3A_511 = arith.andi %shift_right_logical3A_508, %and3A_510 : vector<16xi32>
      %shift_right_logical3A_512 = arith.constant 15 : i32
      %shift_right_logical3A_513 = vector.broadcast %shift_right_logical3A_512 : i32 to vector<16xi32>
      %shift_right_logical3A_514 = arith.shrui %bitcast_convert_type3A_505, %shift_right_logical3A_513 : vector<16xi32>
      %eq3A_515 = arith.cmpi eq, %shift_right_logical3A_514, %or3A_235 : vector<16xi32>
      %or3A_516 = arith.ori %eq3A_495, %eq3A_515 : vector<16xi1>
      %mul3A_517 = arith.constant 8 : i32
      %mul3A_518 = arith.muli %scan3A_479, %mul3A_517 : i32
      %add3A_519 = arith.constant 2 : i32
      %add3A_520 = arith.addi %mul3A_518, %add3A_519 : i32
      %mul3A_521 = arith.constant 16 : i32
      %mul3A_522 = arith.muli %add3A_520, %mul3A_521 : i32
      %get3A_523 = arith.index_cast %mul3A_522 : i32 to index
      %get3A_524 = tpu.vector_load %arg5[%get3A_523] {strides = array<i32>} : memref<32768xf32, #tpu.memory_space<vmem>>, vector<16xf32>,
      %abs3A_525 = math.absf %get3A_524 : vector<16xf32>
      %bitcast_convert_type3A_526 = tpu.bitcast %abs3A_525 : vector<16xf32> -> vector<16xi32>
      %shift_right_logical3A_527 = arith.constant 7 : i32
      %shift_right_logical3A_528 = vector.broadcast %shift_right_logical3A_527 : i32 to vector<16xi32>
      %shift_right_logical3A_529 = arith.shrui %bitcast_convert_type3A_526, %shift_right_logical3A_528 : vector<16xi32>
      %and3A_530 = arith.constant 255 : i32
      %and3A_531 = vector.broadcast %and3A_530 : i32 to vector<16xi32>
      %and3A_532 = arith.andi %shift_right_logical3A_529, %and3A_531 : vector<16xi32>
      %shift_right_logical3A_533 = arith.constant 15 : i32
      %shift_right_logical3A_534 = vector.broadcast %shift_right_logical3A_533 : i32 to vector<16xi32>
      %shift_right_logical3A_535 = arith.shrui %bitcast_convert_type3A_526, %shift_right_logical3A_534 : vector<16xi32>
      %eq3A_536 = arith.cmpi eq, %shift_right_logical3A_535, %or3A_235 : vector<16xi32>
      %or3A_537 = arith.ori %or3A_516, %eq3A_536 : vector<16xi1>
      %mul3A_538 = arith.constant 8 : i32
      %mul3A_539 = arith.muli %scan3A_479, %mul3A_538 : i32
      %add3A_540 = arith.constant 3 : i32
      %add3A_541 = arith.addi %mul3A_539, %add3A_540 : i32
      %mul3A_542 = arith.constant 16 : i32
      %mul3A_543 = arith.muli %add3A_541, %mul3A_542 : i32
      %get3A_544 = arith.index_cast %mul3A_543 : i32 to index
      %get3A_545 = tpu.vector_load %arg5[%get3A_544] {strides = array<i32>} : memref<32768xf32, #tpu.memory_space<vmem>>, vector<16xf32>,
      %abs3A_546 = math.absf %get3A_545 : vector<16xf32>
      %bitcast_convert_type3A_547 = tpu.bitcast %abs3A_546 : vector<16xf32> -> vector<16xi32>
      %shift_right_logical3A_548 = arith.constant 7 : i32
      %shift_right_logical3A_549 = vector.broadcast %shift_right_logical3A_548 : i32 to vector<16xi32>
      %shift_right_logical3A_550 = arith.shrui %bitcast_convert_type3A_547, %shift_right_logical3A_549 : vector<16xi32>
      %and3A_551 = arith.constant 255 : i32
      %and3A_552 = vector.broadcast %and3A_551 : i32 to vector<16xi32>
      %and3A_553 = arith.andi %shift_right_logical3A_550, %and3A_552 : vector<16xi32>
      %shift_right_logical3A_554 = arith.constant 15 : i32
      %shift_right_logical3A_555 = vector.broadcast %shift_right_logical3A_554 : i32 to vector<16xi32>
      %shift_right_logical3A_556 = arith.shrui %bitcast_convert_type3A_547, %shift_right_logical3A_555 : vector<16xi32>
      %eq3A_557 = arith.cmpi eq, %shift_right_logical3A_556, %or3A_235 : vector<16xi32>
      %or3A_558 = arith.ori %or3A_537, %eq3A_557 : vector<16xi1>
      %mul3A_559 = arith.constant 8 : i32
      %mul3A_560 = arith.muli %scan3A_479, %mul3A_559 : i32
      %add3A_561 = arith.constant 4 : i32
      %add3A_562 = arith.addi %mul3A_560, %add3A_561 : i32
      %mul3A_563 = arith.constant 16 : i32
      %mul3A_564 = arith.muli %add3A_562, %mul3A_563 : i32
      %get3A_565 = arith.index_cast %mul3A_564 : i32 to index
      %get3A_566 = tpu.vector_load %arg5[%get3A_565] {strides = array<i32>} : memref<32768xf32, #tpu.memory_space<vmem>>, vector<16xf32>,
      %abs3A_567 = math.absf %get3A_566 : vector<16xf32>
      %bitcast_convert_type3A_568 = tpu.bitcast %abs3A_567 : vector<16xf32> -> vector<16xi32>
      %shift_right_logical3A_569 = arith.constant 7 : i32
      %shift_right_logical3A_570 = vector.broadcast %shift_right_logical3A_569 : i32 to vector<16xi32>
      %shift_right_logical3A_571 = arith.shrui %bitcast_convert_type3A_568, %shift_right_logical3A_570 : vector<16xi32>
      %and3A_572 = arith.constant 255 : i32
      %and3A_573 = vector.broadcast %and3A_572 : i32 to vector<16xi32>
      %and3A_574 = arith.andi %shift_right_logical3A_571, %and3A_573 : vector<16xi32>
      %shift_right_logical3A_575 = arith.constant 15 : i32
      %shift_right_logical3A_576 = vector.broadcast %shift_right_logical3A_575 : i32 to vector<16xi32>
      %shift_right_logical3A_577 = arith.shrui %bitcast_convert_type3A_568, %shift_right_logical3A_576 : vector<16xi32>
      %eq3A_578 = arith.cmpi eq, %shift_right_logical3A_577, %or3A_235 : vector<16xi32>
      %or3A_579 = arith.ori %or3A_558, %eq3A_578 : vector<16xi1>
      %mul3A_580 = arith.constant 8 : i32
      %mul3A_581 = arith.muli %scan3A_479, %mul3A_580 : i32
      %add3A_582 = arith.constant 5 : i32
      %add3A_583 = arith.addi %mul3A_581, %add3A_582 : i32
      %mul3A_584 = arith.constant 16 : i32
      %mul3A_585 = arith.muli %add3A_583, %mul3A_584 : i32
      %get3A_586 = arith.index_cast %mul3A_585 : i32 to index
      %get3A_587 = tpu.vector_load %arg5[%get3A_586] {strides = array<i32>} : memref<32768xf32, #tpu.memory_space<vmem>>, vector<16xf32>,
      %abs3A_588 = math.absf %get3A_587 : vector<16xf32>
      %bitcast_convert_type3A_589 = tpu.bitcast %abs3A_588 : vector<16xf32> -> vector<16xi32>
      %shift_right_logical3A_590 = arith.constant 7 : i32
      %shift_right_logical3A_591 = vector.broadcast %shift_right_logical3A_590 : i32 to vector<16xi32>
      %shift_right_logical3A_592 = arith.shrui %bitcast_convert_type3A_589, %shift_right_logical3A_591 : vector<16xi32>
      %and3A_593 = arith.constant 255 : i32
      %and3A_594 = vector.broadcast %and3A_593 : i32 to vector<16xi32>
      %and3A_595 = arith.andi %shift_right_logical3A_592, %and3A_594 : vector<16xi32>
      %shift_right_logical3A_596 = arith.constant 15 : i32
      %shift_right_logical3A_597 = vector.broadcast %shift_right_logical3A_596 : i32 to vector<16xi32>
      %shift_right_logical3A_598 = arith.shrui %bitcast_convert_type3A_589, %shift_right_logical3A_597 : vector<16xi32>
      %eq3A_599 = arith.cmpi eq, %shift_right_logical3A_598, %or3A_235 : vector<16xi32>
      %or3A_600 = arith.ori %or3A_579, %eq3A_599 : vector<16xi1>
      %mul3A_601 = arith.constant 8 : i32
      %mul3A_602 = arith.muli %scan3A_479, %mul3A_601 : i32
      %add3A_603 = arith.constant 6 : i32
      %add3A_604 = arith.addi %mul3A_602, %add3A_603 : i32
      %mul3A_605 = arith.constant 16 : i32
      %mul3A_606 = arith.muli %add3A_604, %mul3A_605 : i32
      %get3A_607 = arith.index_cast %mul3A_606 : i32 to index
      %get3A_608 = tpu.vector_load %arg5[%get3A_607] {strides = array<i32>} : memref<32768xf32, #tpu.memory_space<vmem>>, vector<16xf32>,
      %abs3A_609 = math.absf %get3A_608 : vector<16xf32>
      %bitcast_convert_type3A_610 = tpu.bitcast %abs3A_609 : vector<16xf32> -> vector<16xi32>
      %shift_right_logical3A_611 = arith.constant 7 : i32
      %shift_right_logical3A_612 = vector.broadcast %shift_right_logical3A_611 : i32 to vector<16xi32>
      %shift_right_logical3A_613 = arith.shrui %bitcast_convert_type3A_610, %shift_right_logical3A_612 : vector<16xi32>
      %and3A_614 = arith.constant 255 : i32
      %and3A_615 = vector.broadcast %and3A_614 : i32 to vector<16xi32>
      %and3A_616 = arith.andi %shift_right_logical3A_613, %and3A_615 : vector<16xi32>
      %shift_right_logical3A_617 = arith.constant 15 : i32
      %shift_right_logical3A_618 = vector.broadcast %shift_right_logical3A_617 : i32 to vector<16xi32>
      %shift_right_logical3A_619 = arith.shrui %bitcast_convert_type3A_610, %shift_right_logical3A_618 : vector<16xi32>
      %eq3A_620 = arith.cmpi eq, %shift_right_logical3A_619, %or3A_235 : vector<16xi32>
      %or3A_621 = arith.ori %or3A_600, %eq3A_620 : vector<16xi1>
      %mul3A_622 = arith.constant 8 : i32
      %mul3A_623 = arith.muli %scan3A_479, %mul3A_622 : i32
      %add3A_624 = arith.constant 7 : i32
      %add3A_625 = arith.addi %mul3A_623, %add3A_624 : i32
      %mul3A_626 = arith.constant 16 : i32
      %mul3A_627 = arith.muli %add3A_625, %mul3A_626 : i32
      %get3A_628 = arith.index_cast %mul3A_627 : i32 to index
      %get3A_629 = tpu.vector_load %arg5[%get3A_628] {strides = array<i32>} : memref<32768xf32, #tpu.memory_space<vmem>>, vector<16xf32>,
      %abs3A_630 = math.absf %get3A_629 : vector<16xf32>
      %bitcast_convert_type3A_631 = tpu.bitcast %abs3A_630 : vector<16xf32> -> vector<16xi32>
      %shift_right_logical3A_632 = arith.constant 7 : i32
      %shift_right_logical3A_633 = vector.broadcast %shift_right_logical3A_632 : i32 to vector<16xi32>
      %shift_right_logical3A_634 = arith.shrui %bitcast_convert_type3A_631, %shift_right_logical3A_633 : vector<16xi32>
      %and3A_635 = arith.constant 255 : i32
      %and3A_636 = vector.broadcast %and3A_635 : i32 to vector<16xi32>
      %and3A_637 = arith.andi %shift_right_logical3A_634, %and3A_636 : vector<16xi32>
      %shift_right_logical3A_638 = arith.constant 15 : i32
      %shift_right_logical3A_639 = vector.broadcast %shift_right_logical3A_638 : i32 to vector<16xi32>
      %shift_right_logical3A_640 = arith.shrui %bitcast_convert_type3A_631, %shift_right_logical3A_639 : vector<16xi32>
      %eq3A_641 = arith.cmpi eq, %shift_right_logical3A_640, %or3A_235 : vector<16xi32>
      %or3A_642 = arith.ori %or3A_621, %eq3A_641 : vector<16xi1>
      %reduce_or3A = arith.constant 1.000000e+00 : f32
      %reduce_or3A_643 = arith.constant 0.000000e+00 : f32
      %reduce_or3A_644 = vector.broadcast %reduce_or3A : f32 to vector<16xf32>
      %reduce_or3A_645 = vector.broadcast %reduce_or3A_643 : f32 to vector<16xf32>
      %reduce_or3A_646 = arith.select %or3A_642, %reduce_or3A_644, %reduce_or3A_645 : vector<16xi1>, vector<16xf32>
      %reduce_or3A_647 = arith.constant true
      %reduce_or3A_648 = vector.broadcast %reduce_or3A_647 : i1 to vector<16xi1>
      %reduce_or3A_649 = tpu.scan <max>, %reduce_or3A_646 masked %reduce_or3A_648 : vector<16xf32>, vector<16xi1> -> vector<16xf32>
      %reduce_or3A_650 = vector.extract %reduce_or3A_649[15] : f32 from vector<16xf32>
      %reduce_or3A_651 = arith.constant 0.000000e+00 : f32
      %reduce_or3A_652 = arith.cmpf ogt, %reduce_or3A_650, %reduce_or3A_651 : f32
      %convert_element_type3A = arith.extui %reduce_or3A_652 : i1 to i32
      %cond3A = arith.constant 0 : i32
      %cond3A_653 = arith.constant 0 : i32
      %cond3A_654 = arith.cmpi ne, %convert_element_type3A, %cond3A_653 : i32
      %cond3A_655 = scf.if %cond3A_654 -> (i32) {
        %mul3A_656 = arith.constant 16 : i32
        %mul3A_657 = vector.broadcast %mul3A_656 : i32 to vector<16xi32>
        %mul3A_658 = arith.muli %and3A_491, %mul3A_657 : vector<16xi32>
        %add3A_659 = arith.addi %mul3A_658, %iota3A : vector<16xi32>
        tpu.vector_store_idx %arg6[%add3A_659], %broadcast_in_dim3A_3 masked %eq3A_495 {add = true} : memref<4096xi32, #tpu.memory_space<vmem>>[vector<16xi32>], vector<16xi32>, vector<16xi1>
        %mul3A_660 = arith.constant 16 : i32
        %mul3A_661 = vector.broadcast %mul3A_660 : i32 to vector<16xi32>
        %mul3A_662 = arith.muli %and3A_511, %mul3A_661 : vector<16xi32>
        %add3A_663 = arith.addi %mul3A_662, %iota3A : vector<16xi32>
        tpu.vector_store_idx %arg6[%add3A_663], %broadcast_in_dim3A_3 masked %eq3A_515 {add = true} : memref<4096xi32, #tpu.memory_space<vmem>>[vector<16xi32>], vector<16xi32>, vector<16xi1>
        %mul3A_664 = arith.constant 16 : i32
        %mul3A_665 = vector.broadcast %mul3A_664 : i32 to vector<16xi32>
        %mul3A_666 = arith.muli %and3A_532, %mul3A_665 : vector<16xi32>
        %add3A_667 = arith.addi %mul3A_666, %iota3A : vector<16xi32>
        tpu.vector_store_idx %arg6[%add3A_667], %broadcast_in_dim3A_3 masked %eq3A_536 {add = true} : memref<4096xi32, #tpu.memory_space<vmem>>[vector<16xi32>], vector<16xi32>, vector<16xi1>
        %mul3A_668 = arith.constant 16 : i32
        %mul3A_669 = vector.broadcast %mul3A_668 : i32 to vector<16xi32>
        %mul3A_670 = arith.muli %and3A_553, %mul3A_669 : vector<16xi32>
        %add3A_671 = arith.addi %mul3A_670, %iota3A : vector<16xi32>
        tpu.vector_store_idx %arg6[%add3A_671], %broadcast_in_dim3A_3 masked %eq3A_557 {add = true} : memref<4096xi32, #tpu.memory_space<vmem>>[vector<16xi32>], vector<16xi32>, vector<16xi1>
        %mul3A_672 = arith.constant 16 : i32
        %mul3A_673 = vector.broadcast %mul3A_672 : i32 to vector<16xi32>
        %mul3A_674 = arith.muli %and3A_574, %mul3A_673 : vector<16xi32>
        %add3A_675 = arith.addi %mul3A_674, %iota3A : vector<16xi32>
        tpu.vector_store_idx %arg6[%add3A_675], %broadcast_in_dim3A_3 masked %eq3A_578 {add = true} : memref<4096xi32, #tpu.memory_space<vmem>>[vector<16xi32>], vector<16xi32>, vector<16xi1>
        %mul3A_676 = arith.constant 16 : i32
        %mul3A_677 = vector.broadcast %mul3A_676 : i32 to vector<16xi32>
        %mul3A_678 = arith.muli %and3A_595, %mul3A_677 : vector<16xi32>
        %add3A_679 = arith.addi %mul3A_678, %iota3A : vector<16xi32>
        tpu.vector_store_idx %arg6[%add3A_679], %broadcast_in_dim3A_3 masked %eq3A_599 {add = true} : memref<4096xi32, #tpu.memory_space<vmem>>[vector<16xi32>], vector<16xi32>, vector<16xi1>
        %mul3A_680 = arith.constant 16 : i32
        %mul3A_681 = vector.broadcast %mul3A_680 : i32 to vector<16xi32>
        %mul3A_682 = arith.muli %and3A_616, %mul3A_681 : vector<16xi32>
        %add3A_683 = arith.addi %mul3A_682, %iota3A : vector<16xi32>
        tpu.vector_store_idx %arg6[%add3A_683], %broadcast_in_dim3A_3 masked %eq3A_620 {add = true} : memref<4096xi32, #tpu.memory_space<vmem>>[vector<16xi32>], vector<16xi32>, vector<16xi1>
        %mul3A_684 = arith.constant 16 : i32
        %mul3A_685 = vector.broadcast %mul3A_684 : i32 to vector<16xi32>
        %mul3A_686 = arith.muli %and3A_637, %mul3A_685 : vector<16xi32>
        %add3A_687 = arith.addi %mul3A_686, %iota3A : vector<16xi32>
        tpu.vector_store_idx %arg6[%add3A_687], %broadcast_in_dim3A_3 masked %eq3A_641 {add = true} : memref<4096xi32, #tpu.memory_space<vmem>>[vector<16xi32>], vector<16xi32>, vector<16xi1>
        %cond3A_688 = arith.constant 0 : i32
        scf.yield %cond3A_688 : i32
      } else {
        %cond3A_656 = arith.constant 0 : i32
        scf.yield %cond3A_656 : i32
      }
    }
    %scan3A_247 = arith.constant 256 : i32
    %scan3A_248 = arith.constant 0 : i32
    %scan3A_249 = arith.constant 0 : i32
    %scan3A_250 = arith.constant 16 : i32
    %scan3A_251 = arith.addi %scan3A_249, %scan3A_250 : i32
    %scan3A_252 = arith.constant 1 : i32
    scf.for %scan3A_479 = %scan3A_249 to %scan3A_251 step %scan3A_252  : i32 {
      %mul3A_480 = arith.constant 16 : i32
      %mul3A_481 = arith.muli %scan3A_479, %mul3A_480 : i32
      %add3A_482 = vector.broadcast %mul3A_481 : i32 to vector<16xi32>
      %add3A_483 = arith.addi %add3A_482, %iota3A : vector<16xi32>
      %mul3A_484 = arith.constant 16 : i32
      %mul3A_485 = vector.broadcast %mul3A_484 : i32 to vector<16xi32>
      %mul3A_486 = arith.muli %add3A_483, %mul3A_485 : vector<16xi32>
      %add3A_487 = arith.constant 0 : i32
      %add3A_488 = vector.broadcast %add3A_487 : i32 to vector<16xi32>
      %add3A_489 = arith.addi %mul3A_486, %add3A_488 : vector<16xi32>
      %gather3A_490 = tpu.vector_load_idx %arg6[%add3A_489] : memref<4096xi32, #tpu.memory_space<vmem>>[vector<16xi32>], vector<16xi32>,
      %add3A_491 = arith.addi %broadcast_in_dim3A_1, %gather3A_490 : vector<16xi32>
      %mul3A_492 = arith.constant 16 : i32
      %mul3A_493 = arith.muli %scan3A_479, %mul3A_492 : i32
      %add3A_494 = vector.broadcast %mul3A_493 : i32 to vector<16xi32>
      %add3A_495 = arith.addi %add3A_494, %iota3A : vector<16xi32>
      %mul3A_496 = arith.constant 16 : i32
      %mul3A_497 = vector.broadcast %mul3A_496 : i32 to vector<16xi32>
      %mul3A_498 = arith.muli %add3A_495, %mul3A_497 : vector<16xi32>
      %add3A_499 = arith.constant 1 : i32
      %add3A_500 = vector.broadcast %add3A_499 : i32 to vector<16xi32>
      %add3A_501 = arith.addi %mul3A_498, %add3A_500 : vector<16xi32>
      %gather3A_502 = tpu.vector_load_idx %arg6[%add3A_501] : memref<4096xi32, #tpu.memory_space<vmem>>[vector<16xi32>], vector<16xi32>,
      %add3A_503 = arith.addi %add3A_491, %gather3A_502 : vector<16xi32>
      %mul3A_504 = arith.constant 16 : i32
      %mul3A_505 = arith.muli %scan3A_479, %mul3A_504 : i32
      %add3A_506 = vector.broadcast %mul3A_505 : i32 to vector<16xi32>
      %add3A_507 = arith.addi %add3A_506, %iota3A : vector<16xi32>
      %mul3A_508 = arith.constant 16 : i32
      %mul3A_509 = vector.broadcast %mul3A_508 : i32 to vector<16xi32>
      %mul3A_510 = arith.muli %add3A_507, %mul3A_509 : vector<16xi32>
      %add3A_511 = arith.constant 2 : i32
      %add3A_512 = vector.broadcast %add3A_511 : i32 to vector<16xi32>
      %add3A_513 = arith.addi %mul3A_510, %add3A_512 : vector<16xi32>
      %gather3A_514 = tpu.vector_load_idx %arg6[%add3A_513] : memref<4096xi32, #tpu.memory_space<vmem>>[vector<16xi32>], vector<16xi32>,
      %add3A_515 = arith.addi %add3A_503, %gather3A_514 : vector<16xi32>
      %mul3A_516 = arith.constant 16 : i32
      %mul3A_517 = arith.muli %scan3A_479, %mul3A_516 : i32
      %add3A_518 = vector.broadcast %mul3A_517 : i32 to vector<16xi32>
      %add3A_519 = arith.addi %add3A_518, %iota3A : vector<16xi32>
      %mul3A_520 = arith.constant 16 : i32
      %mul3A_521 = vector.broadcast %mul3A_520 : i32 to vector<16xi32>
      %mul3A_522 = arith.muli %add3A_519, %mul3A_521 : vector<16xi32>
      %add3A_523 = arith.constant 3 : i32
      %add3A_524 = vector.broadcast %add3A_523 : i32 to vector<16xi32>
      %add3A_525 = arith.addi %mul3A_522, %add3A_524 : vector<16xi32>
      %gather3A_526 = tpu.vector_load_idx %arg6[%add3A_525] : memref<4096xi32, #tpu.memory_space<vmem>>[vector<16xi32>], vector<16xi32>,
      %add3A_527 = arith.addi %add3A_515, %gather3A_526 : vector<16xi32>
      %mul3A_528 = arith.constant 16 : i32
      %mul3A_529 = arith.muli %scan3A_479, %mul3A_528 : i32
      %add3A_530 = vector.broadcast %mul3A_529 : i32 to vector<16xi32>
      %add3A_531 = arith.addi %add3A_530, %iota3A : vector<16xi32>
      %mul3A_532 = arith.constant 16 : i32
      %mul3A_533 = vector.broadcast %mul3A_532 : i32 to vector<16xi32>
      %mul3A_534 = arith.muli %add3A_531, %mul3A_533 : vector<16xi32>
      %add3A_535 = arith.constant 4 : i32
      %add3A_536 = vector.broadcast %add3A_535 : i32 to vector<16xi32>
      %add3A_537 = arith.addi %mul3A_534, %add3A_536 : vector<16xi32>
      %gather3A_538 = tpu.vector_load_idx %arg6[%add3A_537] : memref<4096xi32, #tpu.memory_space<vmem>>[vector<16xi32>], vector<16xi32>,
      %add3A_539 = arith.addi %add3A_527, %gather3A_538 : vector<16xi32>
      %mul3A_540 = arith.constant 16 : i32
      %mul3A_541 = arith.muli %scan3A_479, %mul3A_540 : i32
      %add3A_542 = vector.broadcast %mul3A_541 : i32 to vector<16xi32>
      %add3A_543 = arith.addi %add3A_542, %iota3A : vector<16xi32>
      %mul3A_544 = arith.constant 16 : i32
      %mul3A_545 = vector.broadcast %mul3A_544 : i32 to vector<16xi32>
      %mul3A_546 = arith.muli %add3A_543, %mul3A_545 : vector<16xi32>
      %add3A_547 = arith.constant 5 : i32
      %add3A_548 = vector.broadcast %add3A_547 : i32 to vector<16xi32>
      %add3A_549 = arith.addi %mul3A_546, %add3A_548 : vector<16xi32>
      %gather3A_550 = tpu.vector_load_idx %arg6[%add3A_549] : memref<4096xi32, #tpu.memory_space<vmem>>[vector<16xi32>], vector<16xi32>,
      %add3A_551 = arith.addi %add3A_539, %gather3A_550 : vector<16xi32>
      %mul3A_552 = arith.constant 16 : i32
      %mul3A_553 = arith.muli %scan3A_479, %mul3A_552 : i32
      %add3A_554 = vector.broadcast %mul3A_553 : i32 to vector<16xi32>
      %add3A_555 = arith.addi %add3A_554, %iota3A : vector<16xi32>
      %mul3A_556 = arith.constant 16 : i32
      %mul3A_557 = vector.broadcast %mul3A_556 : i32 to vector<16xi32>
      %mul3A_558 = arith.muli %add3A_555, %mul3A_557 : vector<16xi32>
      %add3A_559 = arith.constant 6 : i32
      %add3A_560 = vector.broadcast %add3A_559 : i32 to vector<16xi32>
      %add3A_561 = arith.addi %mul3A_558, %add3A_560 : vector<16xi32>
      %gather3A_562 = tpu.vector_load_idx %arg6[%add3A_561] : memref<4096xi32, #tpu.memory_space<vmem>>[vector<16xi32>], vector<16xi32>,
      %add3A_563 = arith.addi %add3A_551, %gather3A_562 : vector<16xi32>
      %mul3A_564 = arith.constant 16 : i32
      %mul3A_565 = arith.muli %scan3A_479, %mul3A_564 : i32
      %add3A_566 = vector.broadcast %mul3A_565 : i32 to vector<16xi32>
      %add3A_567 = arith.addi %add3A_566, %iota3A : vector<16xi32>
      %mul3A_568 = arith.constant 16 : i32
      %mul3A_569 = vector.broadcast %mul3A_568 : i32 to vector<16xi32>
      %mul3A_570 = arith.muli %add3A_567, %mul3A_569 : vector<16xi32>
      %add3A_571 = arith.constant 7 : i32
      %add3A_572 = vector.broadcast %add3A_571 : i32 to vector<16xi32>
      %add3A_573 = arith.addi %mul3A_570, %add3A_572 : vector<16xi32>
      %gather3A_574 = tpu.vector_load_idx %arg6[%add3A_573] : memref<4096xi32, #tpu.memory_space<vmem>>[vector<16xi32>], vector<16xi32>,
      %add3A_575 = arith.addi %add3A_563, %gather3A_574 : vector<16xi32>
      %mul3A_576 = arith.constant 16 : i32
      %mul3A_577 = arith.muli %scan3A_479, %mul3A_576 : i32
      %add3A_578 = vector.broadcast %mul3A_577 : i32 to vector<16xi32>
      %add3A_579 = arith.addi %add3A_578, %iota3A : vector<16xi32>
      %mul3A_580 = arith.constant 16 : i32
      %mul3A_581 = vector.broadcast %mul3A_580 : i32 to vector<16xi32>
      %mul3A_582 = arith.muli %add3A_579, %mul3A_581 : vector<16xi32>
      %add3A_583 = arith.constant 8 : i32
      %add3A_584 = vector.broadcast %add3A_583 : i32 to vector<16xi32>
      %add3A_585 = arith.addi %mul3A_582, %add3A_584 : vector<16xi32>
      %gather3A_586 = tpu.vector_load_idx %arg6[%add3A_585] : memref<4096xi32, #tpu.memory_space<vmem>>[vector<16xi32>], vector<16xi32>,
      %add3A_587 = arith.addi %add3A_575, %gather3A_586 : vector<16xi32>
      %mul3A_588 = arith.constant 16 : i32
      %mul3A_589 = arith.muli %scan3A_479, %mul3A_588 : i32
      %add3A_590 = vector.broadcast %mul3A_589 : i32 to vector<16xi32>
      %add3A_591 = arith.addi %add3A_590, %iota3A : vector<16xi32>
      %mul3A_592 = arith.constant 16 : i32
      %mul3A_593 = vector.broadcast %mul3A_592 : i32 to vector<16xi32>
      %mul3A_594 = arith.muli %add3A_591, %mul3A_593 : vector<16xi32>
      %add3A_595 = arith.constant 9 : i32
      %add3A_596 = vector.broadcast %add3A_595 : i32 to vector<16xi32>
      %add3A_597 = arith.addi %mul3A_594, %add3A_596 : vector<16xi32>
      %gather3A_598 = tpu.vector_load_idx %arg6[%add3A_597] : memref<4096xi32, #tpu.memory_space<vmem>>[vector<16xi32>], vector<16xi32>,
      %add3A_599 = arith.addi %add3A_587, %gather3A_598 : vector<16xi32>
      %mul3A_600 = arith.constant 16 : i32
      %mul3A_601 = arith.muli %scan3A_479, %mul3A_600 : i32
      %add3A_602 = vector.broadcast %mul3A_601 : i32 to vector<16xi32>
      %add3A_603 = arith.addi %add3A_602, %iota3A : vector<16xi32>
      %mul3A_604 = arith.constant 16 : i32
      %mul3A_605 = vector.broadcast %mul3A_604 : i32 to vector<16xi32>
      %mul3A_606 = arith.muli %add3A_603, %mul3A_605 : vector<16xi32>
      %add3A_607 = arith.constant 10 : i32
      %add3A_608 = vector.broadcast %add3A_607 : i32 to vector<16xi32>
      %add3A_609 = arith.addi %mul3A_606, %add3A_608 : vector<16xi32>
      %gather3A_610 = tpu.vector_load_idx %arg6[%add3A_609] : memref<4096xi32, #tpu.memory_space<vmem>>[vector<16xi32>], vector<16xi32>,
      %add3A_611 = arith.addi %add3A_599, %gather3A_610 : vector<16xi32>
      %mul3A_612 = arith.constant 16 : i32
      %mul3A_613 = arith.muli %scan3A_479, %mul3A_612 : i32
      %add3A_614 = vector.broadcast %mul3A_613 : i32 to vector<16xi32>
      %add3A_615 = arith.addi %add3A_614, %iota3A : vector<16xi32>
      %mul3A_616 = arith.constant 16 : i32
      %mul3A_617 = vector.broadcast %mul3A_616 : i32 to vector<16xi32>
      %mul3A_618 = arith.muli %add3A_615, %mul3A_617 : vector<16xi32>
      %add3A_619 = arith.constant 11 : i32
      %add3A_620 = vector.broadcast %add3A_619 : i32 to vector<16xi32>
      %add3A_621 = arith.addi %mul3A_618, %add3A_620 : vector<16xi32>
      %gather3A_622 = tpu.vector_load_idx %arg6[%add3A_621] : memref<4096xi32, #tpu.memory_space<vmem>>[vector<16xi32>], vector<16xi32>,
      %add3A_623 = arith.addi %add3A_611, %gather3A_622 : vector<16xi32>
      %mul3A_624 = arith.constant 16 : i32
      %mul3A_625 = arith.muli %scan3A_479, %mul3A_624 : i32
      %add3A_626 = vector.broadcast %mul3A_625 : i32 to vector<16xi32>
      %add3A_627 = arith.addi %add3A_626, %iota3A : vector<16xi32>
      %mul3A_628 = arith.constant 16 : i32
      %mul3A_629 = vector.broadcast %mul3A_628 : i32 to vector<16xi32>
      %mul3A_630 = arith.muli %add3A_627, %mul3A_629 : vector<16xi32>
      %add3A_631 = arith.constant 12 : i32
      %add3A_632 = vector.broadcast %add3A_631 : i32 to vector<16xi32>
      %add3A_633 = arith.addi %mul3A_630, %add3A_632 : vector<16xi32>
      %gather3A_634 = tpu.vector_load_idx %arg6[%add3A_633] : memref<4096xi32, #tpu.memory_space<vmem>>[vector<16xi32>], vector<16xi32>,
      %add3A_635 = arith.addi %add3A_623, %gather3A_634 : vector<16xi32>
      %mul3A_636 = arith.constant 16 : i32
      %mul3A_637 = arith.muli %scan3A_479, %mul3A_636 : i32
      %add3A_638 = vector.broadcast %mul3A_637 : i32 to vector<16xi32>
      %add3A_639 = arith.addi %add3A_638, %iota3A : vector<16xi32>
      %mul3A_640 = arith.constant 16 : i32
      %mul3A_641 = vector.broadcast %mul3A_640 : i32 to vector<16xi32>
      %mul3A_642 = arith.muli %add3A_639, %mul3A_641 : vector<16xi32>
      %add3A_643 = arith.constant 13 : i32
      %add3A_644 = vector.broadcast %add3A_643 : i32 to vector<16xi32>
      %add3A_645 = arith.addi %mul3A_642, %add3A_644 : vector<16xi32>
      %gather3A_646 = tpu.vector_load_idx %arg6[%add3A_645] : memref<4096xi32, #tpu.memory_space<vmem>>[vector<16xi32>], vector<16xi32>,
      %add3A_647 = arith.addi %add3A_635, %gather3A_646 : vector<16xi32>
      %mul3A_648 = arith.constant 16 : i32
      %mul3A_649 = arith.muli %scan3A_479, %mul3A_648 : i32
      %add3A_650 = vector.broadcast %mul3A_649 : i32 to vector<16xi32>
      %add3A_651 = arith.addi %add3A_650, %iota3A : vector<16xi32>
      %mul3A_652 = arith.constant 16 : i32
      %mul3A_653 = vector.broadcast %mul3A_652 : i32 to vector<16xi32>
      %mul3A_654 = arith.muli %add3A_651, %mul3A_653 : vector<16xi32>
      %add3A_655 = arith.constant 14 : i32
      %add3A_656 = vector.broadcast %add3A_655 : i32 to vector<16xi32>
      %add3A_657 = arith.addi %mul3A_654, %add3A_656 : vector<16xi32>
      %gather3A_658 = tpu.vector_load_idx %arg6[%add3A_657] : memref<4096xi32, #tpu.memory_space<vmem>>[vector<16xi32>], vector<16xi32>,
      %add3A_659 = arith.addi %add3A_647, %gather3A_658 : vector<16xi32>
      %mul3A_660 = arith.constant 16 : i32
      %mul3A_661 = arith.muli %scan3A_479, %mul3A_660 : i32
      %add3A_662 = vector.broadcast %mul3A_661 : i32 to vector<16xi32>
      %add3A_663 = arith.addi %add3A_662, %iota3A : vector<16xi32>
      %mul3A_664 = arith.constant 16 : i32
      %mul3A_665 = vector.broadcast %mul3A_664 : i32 to vector<16xi32>
      %mul3A_666 = arith.muli %add3A_663, %mul3A_665 : vector<16xi32>
      %add3A_667 = arith.constant 15 : i32
      %add3A_668 = vector.broadcast %add3A_667 : i32 to vector<16xi32>
      %add3A_669 = arith.addi %mul3A_666, %add3A_668 : vector<16xi32>
      %gather3A_670 = tpu.vector_load_idx %arg6[%add3A_669] : memref<4096xi32, #tpu.memory_space<vmem>>[vector<16xi32>], vector<16xi32>,
      %add3A_671 = arith.addi %add3A_659, %gather3A_670 : vector<16xi32>
      %mul3A_672 = arith.constant 16 : i32
      %mul3A_673 = arith.muli %scan3A_479, %mul3A_672 : i32
      %swap3A_674 = arith.index_cast %mul3A_673 : i32 to index
      %swap3A_675 = tpu.vector_load %arg7[%swap3A_674] {strides = array<i32>} : memref<256xi32, #tpu.memory_space<vmem>>, vector<16xi32>,
      tpu.vector_store %arg7[%swap3A_674], %add3A_671 {strides = array<i32>} : memref<256xi32, #tpu.memory_space<vmem>>, vector<16xi32>,
    }
    %scan3A_253 = arith.constant 16 : i32
    %scan3A_254 = arith.constant 0 : i32
    %scan3A_255 = arith.constant 16 : i32
    %scan3A_256 = arith.addi %scan3A_254, %scan3A_255 : i32
    %scan3A_257 = arith.constant 1 : i32
    %scan3A_258 = scf.for %scan3A_479 = %scan3A_254 to %scan3A_256 step %scan3A_257 iter_args(%scan3A_480 = %broadcast_in_dim3A_1) -> (vector<16xi32>)  : i32 {
      %mul3A_481 = arith.constant 16 : i32
      %mul3A_482 = vector.broadcast %mul3A_481 : i32 to vector<16xi32>
      %mul3A_483 = arith.muli %iota3A, %mul3A_482 : vector<16xi32>
      %add3A_484 = vector.broadcast %scan3A_479 : i32 to vector<16xi32>
      %add3A_485 = arith.addi %mul3A_483, %add3A_484 : vector<16xi32>
      %gather3A_486 = tpu.vector_load_idx %arg7[%add3A_485] : memref<256xi32, #tpu.memory_space<vmem>>[vector<16xi32>], vector<16xi32>,
      %add3A_487 = arith.addi %scan3A_480, %gather3A_486 : vector<16xi32>
      scf.yield %add3A_487 : vector<16xi32>
    }
    %scan3A_259 = arith.constant 16 : i32
    %rev3A_260 = arith.constant 15 : i32
    %rev3A_261 = vector.broadcast %rev3A_260 : i32 to vector<16xi32>
    %rev3A_262 = tpu.iota {dimensions = array<i32: 0>} : vector<16xi32>
    %rev3A_263 = arith.subi %rev3A_261, %rev3A_262 : vector<16xi32>
    %rev3A_264 = tpu.dynamic_gather %scan3A_258[%rev3A_263] in [0] : vector<16xi32>, vector<16xi32> -> vector<16xi32>
    %cumsum3A_265 = arith.constant true
    %cumsum3A_266 = vector.broadcast %cumsum3A_265 : i1 to vector<16xi1>
    %cumsum3A_267 = tpu.scan <sum>, %rev3A_264 masked %cumsum3A_266 : vector<16xi32>, vector<16xi1> -> vector<16xi32>
    %rev3A_268 = arith.constant 15 : i32
    %rev3A_269 = vector.broadcast %rev3A_268 : i32 to vector<16xi32>
    %rev3A_270 = tpu.iota {dimensions = array<i32: 0>} : vector<16xi32>
    %rev3A_271 = arith.subi %rev3A_269, %rev3A_270 : vector<16xi32>
    %rev3A_272 = tpu.dynamic_gather %cumsum3A_267[%rev3A_271] in [0] : vector<16xi32>, vector<16xi32> -> vector<16xi32>
    %add3A_273 = arith.addi %sub3A_227, %rev3A_272 : vector<16xi32>
    %ge3A_274 = arith.cmpi sge, %add3A_273, %get3A_4 : vector<16xi32>
    %all_reduce_population_count3A_275 = tpu.all_reduce %ge3A_274 {dim = 0 : i64, kind = #tpu.reduction_kind<sum>} : vector<16xi1> -> vector<16xi32>
    %sub3A_276 = arith.constant 1 : i32
    %sub3A_277 = vector.broadcast %sub3A_276 : i32 to vector<16xi32>
    %sub3A_278 = arith.subi %all_reduce_population_count3A_275, %sub3A_277 : vector<16xi32>
    %mul3A_279 = arith.constant 16 : i32
    %mul3A_280 = vector.broadcast %mul3A_279 : i32 to vector<16xi32>
    %mul3A_281 = arith.muli %sub3A_278, %mul3A_280 : vector<16xi32>
    %add3A_282 = arith.addi %mul3A_281, %iota3A : vector<16xi32>
    %gather3A_283 = tpu.vector_load_idx %arg7[%add3A_282] : memref<256xi32, #tpu.memory_space<vmem>>[vector<16xi32>], vector<16xi32>,
    %rev3A_284 = arith.constant 15 : i32
    %rev3A_285 = vector.broadcast %rev3A_284 : i32 to vector<16xi32>
    %rev3A_286 = tpu.iota {dimensions = array<i32: 0>} : vector<16xi32>
    %rev3A_287 = arith.subi %rev3A_285, %rev3A_286 : vector<16xi32>
    %rev3A_288 = tpu.dynamic_gather %gather3A_283[%rev3A_287] in [0] : vector<16xi32>, vector<16xi32> -> vector<16xi32>
    %cumsum3A_289 = arith.constant true
    %cumsum3A_290 = vector.broadcast %cumsum3A_289 : i1 to vector<16xi1>
    %cumsum3A_291 = tpu.scan <sum>, %rev3A_288 masked %cumsum3A_290 : vector<16xi32>, vector<16xi1> -> vector<16xi32>
    %rev3A_292 = arith.constant 15 : i32
    %rev3A_293 = vector.broadcast %rev3A_292 : i32 to vector<16xi32>
    %rev3A_294 = tpu.iota {dimensions = array<i32: 0>} : vector<16xi32>
    %rev3A_295 = arith.subi %rev3A_293, %rev3A_294 : vector<16xi32>
    %rev3A_296 = tpu.dynamic_gather %cumsum3A_291[%rev3A_295] in [0] : vector<16xi32>, vector<16xi32> -> vector<16xi32>
    %iota3A_297 = tpu.iota {dimensions = array<i32: 0>} : vector<16xi32>
    %eq3A_298 = arith.cmpi eq, %iota3A_297, %sub3A_278 : vector<16xi32>
    %jit3A_299 = arith.constant 0 : i32
    %broadcast_in_dim3A_300 = vector.broadcast %jit3A_299 : i32 to vector<16xi32>
    %select_n3A_301 = arith.select %eq3A_298, %rev3A_272, %broadcast_in_dim3A_300 : vector<16xi1>, vector<16xi32>
    %reduce_sum3A_302 = arith.constant true
    %reduce_sum3A_303 = vector.broadcast %reduce_sum3A_302 : i1 to vector<16xi1>
    %reduce_sum3A_304 = tpu.scan <sum>, %select_n3A_301 masked %reduce_sum3A_303 : vector<16xi32>, vector<16xi1> -> vector<16xi32>
    %reduce_sum3A_305 = vector.extract %reduce_sum3A_304[15] : i32 from vector<16xi32>
    %broadcast_in_dim3A_306 = vector.broadcast %reduce_sum3A_305 : i32 to vector<16xi32>
    %add3A_307 = arith.addi %sub3A_227, %broadcast_in_dim3A_306 : vector<16xi32>
    %iota3A_308 = tpu.iota {dimensions = array<i32: 0>} : vector<16xi32>
    %eq3A_309 = arith.cmpi eq, %iota3A_308, %sub3A_278 : vector<16xi32>
    %jit3A_310 = arith.constant 0 : i32
    %broadcast_in_dim3A_311 = vector.broadcast %jit3A_310 : i32 to vector<16xi32>
    %select_n3A_312 = arith.select %eq3A_309, %scan3A_258, %broadcast_in_dim3A_311 : vector<16xi1>, vector<16xi32>
    %reduce_sum3A_313 = arith.constant true
    %reduce_sum3A_314 = vector.broadcast %reduce_sum3A_313 : i1 to vector<16xi1>
    %reduce_sum3A_315 = tpu.scan <sum>, %select_n3A_312 masked %reduce_sum3A_314 : vector<16xi32>, vector<16xi1> -> vector<16xi32>
    %reduce_sum3A_316 = vector.extract %reduce_sum3A_315[15] : i32 from vector<16xi32>
    %broadcast_in_dim3A_317 = vector.broadcast %reduce_sum3A_316 : i32 to vector<16xi32>
    %sub3A_318 = arith.subi %add3A_307, %broadcast_in_dim3A_317 : vector<16xi32>
    %add3A_319 = arith.addi %sub3A_318, %rev3A_296 : vector<16xi32>
    %ge3A_320 = arith.cmpi sge, %add3A_319, %get3A_4 : vector<16xi32>
    %all_reduce_population_count3A_321 = tpu.all_reduce %ge3A_320 {dim = 0 : i64, kind = #tpu.reduction_kind<sum>} : vector<16xi1> -> vector<16xi32>
    %sub3A_322 = arith.constant 1 : i32
    %sub3A_323 = vector.broadcast %sub3A_322 : i32 to vector<16xi32>
    %sub3A_324 = arith.subi %all_reduce_population_count3A_321, %sub3A_323 : vector<16xi32>
    %iota3A_325 = tpu.iota {dimensions = array<i32: 0>} : vector<16xi32>
    %eq3A_326 = arith.cmpi eq, %iota3A_325, %sub3A_324 : vector<16xi32>
    %jit3A_327 = arith.constant 0 : i32
    %broadcast_in_dim3A_328 = vector.broadcast %jit3A_327 : i32 to vector<16xi32>
    %select_n3A_329 = arith.select %eq3A_326, %rev3A_296, %broadcast_in_dim3A_328 : vector<16xi1>, vector<16xi32>
    %reduce_sum3A_330 = arith.constant true
    %reduce_sum3A_331 = vector.broadcast %reduce_sum3A_330 : i1 to vector<16xi1>
    %reduce_sum3A_332 = tpu.scan <sum>, %select_n3A_329 masked %reduce_sum3A_331 : vector<16xi32>, vector<16xi1> -> vector<16xi32>
    %reduce_sum3A_333 = vector.extract %reduce_sum3A_332[15] : i32 from vector<16xi32>
    %broadcast_in_dim3A_334 = vector.broadcast %reduce_sum3A_333 : i32 to vector<16xi32>
    %add3A_335 = arith.addi %sub3A_318, %broadcast_in_dim3A_334 : vector<16xi32>
    %iota3A_336 = tpu.iota {dimensions = array<i32: 0>} : vector<16xi32>
    %eq3A_337 = arith.cmpi eq, %iota3A_336, %sub3A_324 : vector<16xi32>
    %jit3A_338 = arith.constant 0 : i32
    %broadcast_in_dim3A_339 = vector.broadcast %jit3A_338 : i32 to vector<16xi32>
    %select_n3A_340 = arith.select %eq3A_337, %gather3A_283, %broadcast_in_dim3A_339 : vector<16xi1>, vector<16xi32>
    %reduce_sum3A_341 = arith.constant true
    %reduce_sum3A_342 = vector.broadcast %reduce_sum3A_341 : i1 to vector<16xi1>
    %reduce_sum3A_343 = tpu.scan <sum>, %select_n3A_340 masked %reduce_sum3A_342 : vector<16xi32>, vector<16xi1> -> vector<16xi32>
    %reduce_sum3A_344 = vector.extract %reduce_sum3A_343[15] : i32 from vector<16xi32>
    %broadcast_in_dim3A_345 = vector.broadcast %reduce_sum3A_344 : i32 to vector<16xi32>
    %sub3A_346 = arith.subi %add3A_335, %broadcast_in_dim3A_345 : vector<16xi32>
    %mul3A_347 = arith.constant 16 : i32
    %mul3A_348 = vector.broadcast %mul3A_347 : i32 to vector<16xi32>
    %mul3A_349 = arith.muli %sub3A_278, %mul3A_348 : vector<16xi32>
    %add3A_350 = arith.addi %mul3A_349, %sub3A_324 : vector<16xi32>
    %shift_left3A_351 = arith.constant 8 : i32
    %shift_left3A_352 = vector.broadcast %shift_left3A_351 : i32 to vector<16xi32>
    %shift_left3A_353 = arith.shli %or3A_235, %shift_left3A_352 : vector<16xi32>
    %or3A_354 = arith.ori %shift_left3A_353, %add3A_350 : vector<16xi32>
    %scan3A_355 = arith.constant 0 : i32
    %scan3A_356 = arith.constant 0 : i32
    %scan3A_357 = arith.constant 256 : i32
    %scan3A_358 = arith.addi %scan3A_356, %scan3A_357 : i32
    %scan3A_359 = arith.constant 1 : i32
    scf.for %scan3A_479 = %scan3A_356 to %scan3A_358 step %scan3A_359  : i32 {
      %mul3A_480 = arith.constant 16 : i32
      %mul3A_481 = arith.muli %scan3A_479, %mul3A_480 : i32
      %swap3A_482 = arith.index_cast %mul3A_481 : i32 to index
      %swap3A_483 = tpu.vector_load %arg6[%swap3A_482] {strides = array<i32>} : memref<4096xi32, #tpu.memory_space<vmem>>, vector<16xi32>,
      tpu.vector_store %arg6[%swap3A_482], %broadcast_in_dim3A_1 {strides = array<i32>} : memref<4096xi32, #tpu.memory_space<vmem>>, vector<16xi32>,
    }
    %scan3A_360 = arith.constant 256 : i32
    %scan3A_361 = arith.constant 0 : i32
    %scan3A_362 = arith.constant 0 : i32
    %scan3A_363 = arith.constant 256 : i32
    %scan3A_364 = arith.addi %scan3A_362, %scan3A_363 : i32
    %scan3A_365 = arith.constant 1 : i32
    scf.for %scan3A_479 = %scan3A_362 to %scan3A_364 step %scan3A_365  : i32 {
      %mul3A_480 = arith.constant 8 : i32
      %mul3A_481 = arith.muli %scan3A_479, %mul3A_480 : i32
      %add3A_482 = arith.constant 0 : i32
      %add3A_483 = arith.addi %mul3A_481, %add3A_482 : i32
      %mul3A_484 = arith.constant 16 : i32
      %mul3A_485 = arith.muli %add3A_483, %mul3A_484 : i32
      %get3A_486 = arith.index_cast %mul3A_485 : i32 to index
      %get3A_487 = tpu.vector_load %arg5[%get3A_486] {strides = array<i32>} : memref<32768xf32, #tpu.memory_space<vmem>>, vector<16xf32>,
      %abs3A = math.absf %get3A_487 : vector<16xf32>
      %bitcast_convert_type3A = tpu.bitcast %abs3A : vector<16xf32> -> vector<16xi32>
      %shift_right_logical3A = arith.constant 0 : i32
      %shift_right_logical3A_488 = vector.broadcast %shift_right_logical3A : i32 to vector<16xi32>
      %shift_right_logical3A_489 = arith.shrui %bitcast_convert_type3A, %shift_right_logical3A_488 : vector<16xi32>
      %and3A = arith.constant 127 : i32
      %and3A_490 = vector.broadcast %and3A : i32 to vector<16xi32>
      %and3A_491 = arith.andi %shift_right_logical3A_489, %and3A_490 : vector<16xi32>
      %shift_right_logical3A_492 = arith.constant 7 : i32
      %shift_right_logical3A_493 = vector.broadcast %shift_right_logical3A_492 : i32 to vector<16xi32>
      %shift_right_logical3A_494 = arith.shrui %bitcast_convert_type3A, %shift_right_logical3A_493 : vector<16xi32>
      %eq3A_495 = arith.cmpi eq, %shift_right_logical3A_494, %or3A_354 : vector<16xi32>
      %mul3A_496 = arith.constant 8 : i32
      %mul3A_497 = arith.muli %scan3A_479, %mul3A_496 : i32
      %add3A_498 = arith.constant 1 : i32
      %add3A_499 = arith.addi %mul3A_497, %add3A_498 : i32
      %mul3A_500 = arith.constant 16 : i32
      %mul3A_501 = arith.muli %add3A_499, %mul3A_500 : i32
      %get3A_502 = arith.index_cast %mul3A_501 : i32 to index
      %get3A_503 = tpu.vector_load %arg5[%get3A_502] {strides = array<i32>} : memref<32768xf32, #tpu.memory_space<vmem>>, vector<16xf32>,
      %abs3A_504 = math.absf %get3A_503 : vector<16xf32>
      %bitcast_convert_type3A_505 = tpu.bitcast %abs3A_504 : vector<16xf32> -> vector<16xi32>
      %shift_right_logical3A_506 = arith.constant 0 : i32
      %shift_right_logical3A_507 = vector.broadcast %shift_right_logical3A_506 : i32 to vector<16xi32>
      %shift_right_logical3A_508 = arith.shrui %bitcast_convert_type3A_505, %shift_right_logical3A_507 : vector<16xi32>
      %and3A_509 = arith.constant 127 : i32
      %and3A_510 = vector.broadcast %and3A_509 : i32 to vector<16xi32>
      %and3A_511 = arith.andi %shift_right_logical3A_508, %and3A_510 : vector<16xi32>
      %shift_right_logical3A_512 = arith.constant 7 : i32
      %shift_right_logical3A_513 = vector.broadcast %shift_right_logical3A_512 : i32 to vector<16xi32>
      %shift_right_logical3A_514 = arith.shrui %bitcast_convert_type3A_505, %shift_right_logical3A_513 : vector<16xi32>
      %eq3A_515 = arith.cmpi eq, %shift_right_logical3A_514, %or3A_354 : vector<16xi32>
      %or3A_516 = arith.ori %eq3A_495, %eq3A_515 : vector<16xi1>
      %mul3A_517 = arith.constant 8 : i32
      %mul3A_518 = arith.muli %scan3A_479, %mul3A_517 : i32
      %add3A_519 = arith.constant 2 : i32
      %add3A_520 = arith.addi %mul3A_518, %add3A_519 : i32
      %mul3A_521 = arith.constant 16 : i32
      %mul3A_522 = arith.muli %add3A_520, %mul3A_521 : i32
      %get3A_523 = arith.index_cast %mul3A_522 : i32 to index
      %get3A_524 = tpu.vector_load %arg5[%get3A_523] {strides = array<i32>} : memref<32768xf32, #tpu.memory_space<vmem>>, vector<16xf32>,
      %abs3A_525 = math.absf %get3A_524 : vector<16xf32>
      %bitcast_convert_type3A_526 = tpu.bitcast %abs3A_525 : vector<16xf32> -> vector<16xi32>
      %shift_right_logical3A_527 = arith.constant 0 : i32
      %shift_right_logical3A_528 = vector.broadcast %shift_right_logical3A_527 : i32 to vector<16xi32>
      %shift_right_logical3A_529 = arith.shrui %bitcast_convert_type3A_526, %shift_right_logical3A_528 : vector<16xi32>
      %and3A_530 = arith.constant 127 : i32
      %and3A_531 = vector.broadcast %and3A_530 : i32 to vector<16xi32>
      %and3A_532 = arith.andi %shift_right_logical3A_529, %and3A_531 : vector<16xi32>
      %shift_right_logical3A_533 = arith.constant 7 : i32
      %shift_right_logical3A_534 = vector.broadcast %shift_right_logical3A_533 : i32 to vector<16xi32>
      %shift_right_logical3A_535 = arith.shrui %bitcast_convert_type3A_526, %shift_right_logical3A_534 : vector<16xi32>
      %eq3A_536 = arith.cmpi eq, %shift_right_logical3A_535, %or3A_354 : vector<16xi32>
      %or3A_537 = arith.ori %or3A_516, %eq3A_536 : vector<16xi1>
      %mul3A_538 = arith.constant 8 : i32
      %mul3A_539 = arith.muli %scan3A_479, %mul3A_538 : i32
      %add3A_540 = arith.constant 3 : i32
      %add3A_541 = arith.addi %mul3A_539, %add3A_540 : i32
      %mul3A_542 = arith.constant 16 : i32
      %mul3A_543 = arith.muli %add3A_541, %mul3A_542 : i32
      %get3A_544 = arith.index_cast %mul3A_543 : i32 to index
      %get3A_545 = tpu.vector_load %arg5[%get3A_544] {strides = array<i32>} : memref<32768xf32, #tpu.memory_space<vmem>>, vector<16xf32>,
      %abs3A_546 = math.absf %get3A_545 : vector<16xf32>
      %bitcast_convert_type3A_547 = tpu.bitcast %abs3A_546 : vector<16xf32> -> vector<16xi32>
      %shift_right_logical3A_548 = arith.constant 0 : i32
      %shift_right_logical3A_549 = vector.broadcast %shift_right_logical3A_548 : i32 to vector<16xi32>
      %shift_right_logical3A_550 = arith.shrui %bitcast_convert_type3A_547, %shift_right_logical3A_549 : vector<16xi32>
      %and3A_551 = arith.constant 127 : i32
      %and3A_552 = vector.broadcast %and3A_551 : i32 to vector<16xi32>
      %and3A_553 = arith.andi %shift_right_logical3A_550, %and3A_552 : vector<16xi32>
      %shift_right_logical3A_554 = arith.constant 7 : i32
      %shift_right_logical3A_555 = vector.broadcast %shift_right_logical3A_554 : i32 to vector<16xi32>
      %shift_right_logical3A_556 = arith.shrui %bitcast_convert_type3A_547, %shift_right_logical3A_555 : vector<16xi32>
      %eq3A_557 = arith.cmpi eq, %shift_right_logical3A_556, %or3A_354 : vector<16xi32>
      %or3A_558 = arith.ori %or3A_537, %eq3A_557 : vector<16xi1>
      %mul3A_559 = arith.constant 8 : i32
      %mul3A_560 = arith.muli %scan3A_479, %mul3A_559 : i32
      %add3A_561 = arith.constant 4 : i32
      %add3A_562 = arith.addi %mul3A_560, %add3A_561 : i32
      %mul3A_563 = arith.constant 16 : i32
      %mul3A_564 = arith.muli %add3A_562, %mul3A_563 : i32
      %get3A_565 = arith.index_cast %mul3A_564 : i32 to index
      %get3A_566 = tpu.vector_load %arg5[%get3A_565] {strides = array<i32>} : memref<32768xf32, #tpu.memory_space<vmem>>, vector<16xf32>,
      %abs3A_567 = math.absf %get3A_566 : vector<16xf32>
      %bitcast_convert_type3A_568 = tpu.bitcast %abs3A_567 : vector<16xf32> -> vector<16xi32>
      %shift_right_logical3A_569 = arith.constant 0 : i32
      %shift_right_logical3A_570 = vector.broadcast %shift_right_logical3A_569 : i32 to vector<16xi32>
      %shift_right_logical3A_571 = arith.shrui %bitcast_convert_type3A_568, %shift_right_logical3A_570 : vector<16xi32>
      %and3A_572 = arith.constant 127 : i32
      %and3A_573 = vector.broadcast %and3A_572 : i32 to vector<16xi32>
      %and3A_574 = arith.andi %shift_right_logical3A_571, %and3A_573 : vector<16xi32>
      %shift_right_logical3A_575 = arith.constant 7 : i32
      %shift_right_logical3A_576 = vector.broadcast %shift_right_logical3A_575 : i32 to vector<16xi32>
      %shift_right_logical3A_577 = arith.shrui %bitcast_convert_type3A_568, %shift_right_logical3A_576 : vector<16xi32>
      %eq3A_578 = arith.cmpi eq, %shift_right_logical3A_577, %or3A_354 : vector<16xi32>
      %or3A_579 = arith.ori %or3A_558, %eq3A_578 : vector<16xi1>
      %mul3A_580 = arith.constant 8 : i32
      %mul3A_581 = arith.muli %scan3A_479, %mul3A_580 : i32
      %add3A_582 = arith.constant 5 : i32
      %add3A_583 = arith.addi %mul3A_581, %add3A_582 : i32
      %mul3A_584 = arith.constant 16 : i32
      %mul3A_585 = arith.muli %add3A_583, %mul3A_584 : i32
      %get3A_586 = arith.index_cast %mul3A_585 : i32 to index
      %get3A_587 = tpu.vector_load %arg5[%get3A_586] {strides = array<i32>} : memref<32768xf32, #tpu.memory_space<vmem>>, vector<16xf32>,
      %abs3A_588 = math.absf %get3A_587 : vector<16xf32>
      %bitcast_convert_type3A_589 = tpu.bitcast %abs3A_588 : vector<16xf32> -> vector<16xi32>
      %shift_right_logical3A_590 = arith.constant 0 : i32
      %shift_right_logical3A_591 = vector.broadcast %shift_right_logical3A_590 : i32 to vector<16xi32>
      %shift_right_logical3A_592 = arith.shrui %bitcast_convert_type3A_589, %shift_right_logical3A_591 : vector<16xi32>
      %and3A_593 = arith.constant 127 : i32
      %and3A_594 = vector.broadcast %and3A_593 : i32 to vector<16xi32>
      %and3A_595 = arith.andi %shift_right_logical3A_592, %and3A_594 : vector<16xi32>
      %shift_right_logical3A_596 = arith.constant 7 : i32
      %shift_right_logical3A_597 = vector.broadcast %shift_right_logical3A_596 : i32 to vector<16xi32>
      %shift_right_logical3A_598 = arith.shrui %bitcast_convert_type3A_589, %shift_right_logical3A_597 : vector<16xi32>
      %eq3A_599 = arith.cmpi eq, %shift_right_logical3A_598, %or3A_354 : vector<16xi32>
      %or3A_600 = arith.ori %or3A_579, %eq3A_599 : vector<16xi1>
      %mul3A_601 = arith.constant 8 : i32
      %mul3A_602 = arith.muli %scan3A_479, %mul3A_601 : i32
      %add3A_603 = arith.constant 6 : i32
      %add3A_604 = arith.addi %mul3A_602, %add3A_603 : i32
      %mul3A_605 = arith.constant 16 : i32
      %mul3A_606 = arith.muli %add3A_604, %mul3A_605 : i32
      %get3A_607 = arith.index_cast %mul3A_606 : i32 to index
      %get3A_608 = tpu.vector_load %arg5[%get3A_607] {strides = array<i32>} : memref<32768xf32, #tpu.memory_space<vmem>>, vector<16xf32>,
      %abs3A_609 = math.absf %get3A_608 : vector<16xf32>
      %bitcast_convert_type3A_610 = tpu.bitcast %abs3A_609 : vector<16xf32> -> vector<16xi32>
      %shift_right_logical3A_611 = arith.constant 0 : i32
      %shift_right_logical3A_612 = vector.broadcast %shift_right_logical3A_611 : i32 to vector<16xi32>
      %shift_right_logical3A_613 = arith.shrui %bitcast_convert_type3A_610, %shift_right_logical3A_612 : vector<16xi32>
      %and3A_614 = arith.constant 127 : i32
      %and3A_615 = vector.broadcast %and3A_614 : i32 to vector<16xi32>
      %and3A_616 = arith.andi %shift_right_logical3A_613, %and3A_615 : vector<16xi32>
      %shift_right_logical3A_617 = arith.constant 7 : i32
      %shift_right_logical3A_618 = vector.broadcast %shift_right_logical3A_617 : i32 to vector<16xi32>
      %shift_right_logical3A_619 = arith.shrui %bitcast_convert_type3A_610, %shift_right_logical3A_618 : vector<16xi32>
      %eq3A_620 = arith.cmpi eq, %shift_right_logical3A_619, %or3A_354 : vector<16xi32>
      %or3A_621 = arith.ori %or3A_600, %eq3A_620 : vector<16xi1>
      %mul3A_622 = arith.constant 8 : i32
      %mul3A_623 = arith.muli %scan3A_479, %mul3A_622 : i32
      %add3A_624 = arith.constant 7 : i32
      %add3A_625 = arith.addi %mul3A_623, %add3A_624 : i32
      %mul3A_626 = arith.constant 16 : i32
      %mul3A_627 = arith.muli %add3A_625, %mul3A_626 : i32
      %get3A_628 = arith.index_cast %mul3A_627 : i32 to index
      %get3A_629 = tpu.vector_load %arg5[%get3A_628] {strides = array<i32>} : memref<32768xf32, #tpu.memory_space<vmem>>, vector<16xf32>,
      %abs3A_630 = math.absf %get3A_629 : vector<16xf32>
      %bitcast_convert_type3A_631 = tpu.bitcast %abs3A_630 : vector<16xf32> -> vector<16xi32>
      %shift_right_logical3A_632 = arith.constant 0 : i32
      %shift_right_logical3A_633 = vector.broadcast %shift_right_logical3A_632 : i32 to vector<16xi32>
      %shift_right_logical3A_634 = arith.shrui %bitcast_convert_type3A_631, %shift_right_logical3A_633 : vector<16xi32>
      %and3A_635 = arith.constant 127 : i32
      %and3A_636 = vector.broadcast %and3A_635 : i32 to vector<16xi32>
      %and3A_637 = arith.andi %shift_right_logical3A_634, %and3A_636 : vector<16xi32>
      %shift_right_logical3A_638 = arith.constant 7 : i32
      %shift_right_logical3A_639 = vector.broadcast %shift_right_logical3A_638 : i32 to vector<16xi32>
      %shift_right_logical3A_640 = arith.shrui %bitcast_convert_type3A_631, %shift_right_logical3A_639 : vector<16xi32>
      %eq3A_641 = arith.cmpi eq, %shift_right_logical3A_640, %or3A_354 : vector<16xi32>
      %or3A_642 = arith.ori %or3A_621, %eq3A_641 : vector<16xi1>
      %reduce_or3A = arith.constant 1.000000e+00 : f32
      %reduce_or3A_643 = arith.constant 0.000000e+00 : f32
      %reduce_or3A_644 = vector.broadcast %reduce_or3A : f32 to vector<16xf32>
      %reduce_or3A_645 = vector.broadcast %reduce_or3A_643 : f32 to vector<16xf32>
      %reduce_or3A_646 = arith.select %or3A_642, %reduce_or3A_644, %reduce_or3A_645 : vector<16xi1>, vector<16xf32>
      %reduce_or3A_647 = arith.constant true
      %reduce_or3A_648 = vector.broadcast %reduce_or3A_647 : i1 to vector<16xi1>
      %reduce_or3A_649 = tpu.scan <max>, %reduce_or3A_646 masked %reduce_or3A_648 : vector<16xf32>, vector<16xi1> -> vector<16xf32>
      %reduce_or3A_650 = vector.extract %reduce_or3A_649[15] : f32 from vector<16xf32>
      %reduce_or3A_651 = arith.constant 0.000000e+00 : f32
      %reduce_or3A_652 = arith.cmpf ogt, %reduce_or3A_650, %reduce_or3A_651 : f32
      %convert_element_type3A = arith.extui %reduce_or3A_652 : i1 to i32
      %cond3A = arith.constant 0 : i32
      %cond3A_653 = arith.constant 0 : i32
      %cond3A_654 = arith.cmpi ne, %convert_element_type3A, %cond3A_653 : i32
      %cond3A_655 = scf.if %cond3A_654 -> (i32) {
        %mul3A_656 = arith.constant 16 : i32
        %mul3A_657 = vector.broadcast %mul3A_656 : i32 to vector<16xi32>
        %mul3A_658 = arith.muli %and3A_491, %mul3A_657 : vector<16xi32>
        %add3A_659 = arith.addi %mul3A_658, %iota3A : vector<16xi32>
        tpu.vector_store_idx %arg6[%add3A_659], %broadcast_in_dim3A_3 masked %eq3A_495 {add = true} : memref<4096xi32, #tpu.memory_space<vmem>>[vector<16xi32>], vector<16xi32>, vector<16xi1>
        %mul3A_660 = arith.constant 16 : i32
        %mul3A_661 = vector.broadcast %mul3A_660 : i32 to vector<16xi32>
        %mul3A_662 = arith.muli %and3A_511, %mul3A_661 : vector<16xi32>
        %add3A_663 = arith.addi %mul3A_662, %iota3A : vector<16xi32>
        tpu.vector_store_idx %arg6[%add3A_663], %broadcast_in_dim3A_3 masked %eq3A_515 {add = true} : memref<4096xi32, #tpu.memory_space<vmem>>[vector<16xi32>], vector<16xi32>, vector<16xi1>
        %mul3A_664 = arith.constant 16 : i32
        %mul3A_665 = vector.broadcast %mul3A_664 : i32 to vector<16xi32>
        %mul3A_666 = arith.muli %and3A_532, %mul3A_665 : vector<16xi32>
        %add3A_667 = arith.addi %mul3A_666, %iota3A : vector<16xi32>
        tpu.vector_store_idx %arg6[%add3A_667], %broadcast_in_dim3A_3 masked %eq3A_536 {add = true} : memref<4096xi32, #tpu.memory_space<vmem>>[vector<16xi32>], vector<16xi32>, vector<16xi1>
        %mul3A_668 = arith.constant 16 : i32
        %mul3A_669 = vector.broadcast %mul3A_668 : i32 to vector<16xi32>
        %mul3A_670 = arith.muli %and3A_553, %mul3A_669 : vector<16xi32>
        %add3A_671 = arith.addi %mul3A_670, %iota3A : vector<16xi32>
        tpu.vector_store_idx %arg6[%add3A_671], %broadcast_in_dim3A_3 masked %eq3A_557 {add = true} : memref<4096xi32, #tpu.memory_space<vmem>>[vector<16xi32>], vector<16xi32>, vector<16xi1>
        %mul3A_672 = arith.constant 16 : i32
        %mul3A_673 = vector.broadcast %mul3A_672 : i32 to vector<16xi32>
        %mul3A_674 = arith.muli %and3A_574, %mul3A_673 : vector<16xi32>
        %add3A_675 = arith.addi %mul3A_674, %iota3A : vector<16xi32>
        tpu.vector_store_idx %arg6[%add3A_675], %broadcast_in_dim3A_3 masked %eq3A_578 {add = true} : memref<4096xi32, #tpu.memory_space<vmem>>[vector<16xi32>], vector<16xi32>, vector<16xi1>
        %mul3A_676 = arith.constant 16 : i32
        %mul3A_677 = vector.broadcast %mul3A_676 : i32 to vector<16xi32>
        %mul3A_678 = arith.muli %and3A_595, %mul3A_677 : vector<16xi32>
        %add3A_679 = arith.addi %mul3A_678, %iota3A : vector<16xi32>
        tpu.vector_store_idx %arg6[%add3A_679], %broadcast_in_dim3A_3 masked %eq3A_599 {add = true} : memref<4096xi32, #tpu.memory_space<vmem>>[vector<16xi32>], vector<16xi32>, vector<16xi1>
        %mul3A_680 = arith.constant 16 : i32
        %mul3A_681 = vector.broadcast %mul3A_680 : i32 to vector<16xi32>
        %mul3A_682 = arith.muli %and3A_616, %mul3A_681 : vector<16xi32>
        %add3A_683 = arith.addi %mul3A_682, %iota3A : vector<16xi32>
        tpu.vector_store_idx %arg6[%add3A_683], %broadcast_in_dim3A_3 masked %eq3A_620 {add = true} : memref<4096xi32, #tpu.memory_space<vmem>>[vector<16xi32>], vector<16xi32>, vector<16xi1>
        %mul3A_684 = arith.constant 16 : i32
        %mul3A_685 = vector.broadcast %mul3A_684 : i32 to vector<16xi32>
        %mul3A_686 = arith.muli %and3A_637, %mul3A_685 : vector<16xi32>
        %add3A_687 = arith.addi %mul3A_686, %iota3A : vector<16xi32>
        tpu.vector_store_idx %arg6[%add3A_687], %broadcast_in_dim3A_3 masked %eq3A_641 {add = true} : memref<4096xi32, #tpu.memory_space<vmem>>[vector<16xi32>], vector<16xi32>, vector<16xi1>
        %cond3A_688 = arith.constant 0 : i32
        scf.yield %cond3A_688 : i32
      } else {
        %cond3A_656 = arith.constant 0 : i32
        scf.yield %cond3A_656 : i32
      }
    }
    %scan3A_366 = arith.constant 256 : i32
    %scan3A_367 = arith.constant 0 : i32
    %scan3A_368 = arith.constant 0 : i32
    %scan3A_369 = arith.constant 16 : i32
    %scan3A_370 = arith.addi %scan3A_368, %scan3A_369 : i32
    %scan3A_371 = arith.constant 1 : i32
    scf.for %scan3A_479 = %scan3A_368 to %scan3A_370 step %scan3A_371  : i32 {
      %mul3A_480 = arith.constant 16 : i32
      %mul3A_481 = arith.muli %scan3A_479, %mul3A_480 : i32
      %add3A_482 = vector.broadcast %mul3A_481 : i32 to vector<16xi32>
      %add3A_483 = arith.addi %add3A_482, %iota3A : vector<16xi32>
      %mul3A_484 = arith.constant 16 : i32
      %mul3A_485 = vector.broadcast %mul3A_484 : i32 to vector<16xi32>
      %mul3A_486 = arith.muli %add3A_483, %mul3A_485 : vector<16xi32>
      %add3A_487 = arith.constant 0 : i32
      %add3A_488 = vector.broadcast %add3A_487 : i32 to vector<16xi32>
      %add3A_489 = arith.addi %mul3A_486, %add3A_488 : vector<16xi32>
      %gather3A_490 = tpu.vector_load_idx %arg6[%add3A_489] : memref<4096xi32, #tpu.memory_space<vmem>>[vector<16xi32>], vector<16xi32>,
      %add3A_491 = arith.addi %broadcast_in_dim3A_1, %gather3A_490 : vector<16xi32>
      %mul3A_492 = arith.constant 16 : i32
      %mul3A_493 = arith.muli %scan3A_479, %mul3A_492 : i32
      %add3A_494 = vector.broadcast %mul3A_493 : i32 to vector<16xi32>
      %add3A_495 = arith.addi %add3A_494, %iota3A : vector<16xi32>
      %mul3A_496 = arith.constant 16 : i32
      %mul3A_497 = vector.broadcast %mul3A_496 : i32 to vector<16xi32>
      %mul3A_498 = arith.muli %add3A_495, %mul3A_497 : vector<16xi32>
      %add3A_499 = arith.constant 1 : i32
      %add3A_500 = vector.broadcast %add3A_499 : i32 to vector<16xi32>
      %add3A_501 = arith.addi %mul3A_498, %add3A_500 : vector<16xi32>
      %gather3A_502 = tpu.vector_load_idx %arg6[%add3A_501] : memref<4096xi32, #tpu.memory_space<vmem>>[vector<16xi32>], vector<16xi32>,
      %add3A_503 = arith.addi %add3A_491, %gather3A_502 : vector<16xi32>
      %mul3A_504 = arith.constant 16 : i32
      %mul3A_505 = arith.muli %scan3A_479, %mul3A_504 : i32
      %add3A_506 = vector.broadcast %mul3A_505 : i32 to vector<16xi32>
      %add3A_507 = arith.addi %add3A_506, %iota3A : vector<16xi32>
      %mul3A_508 = arith.constant 16 : i32
      %mul3A_509 = vector.broadcast %mul3A_508 : i32 to vector<16xi32>
      %mul3A_510 = arith.muli %add3A_507, %mul3A_509 : vector<16xi32>
      %add3A_511 = arith.constant 2 : i32
      %add3A_512 = vector.broadcast %add3A_511 : i32 to vector<16xi32>
      %add3A_513 = arith.addi %mul3A_510, %add3A_512 : vector<16xi32>
      %gather3A_514 = tpu.vector_load_idx %arg6[%add3A_513] : memref<4096xi32, #tpu.memory_space<vmem>>[vector<16xi32>], vector<16xi32>,
      %add3A_515 = arith.addi %add3A_503, %gather3A_514 : vector<16xi32>
      %mul3A_516 = arith.constant 16 : i32
      %mul3A_517 = arith.muli %scan3A_479, %mul3A_516 : i32
      %add3A_518 = vector.broadcast %mul3A_517 : i32 to vector<16xi32>
      %add3A_519 = arith.addi %add3A_518, %iota3A : vector<16xi32>
      %mul3A_520 = arith.constant 16 : i32
      %mul3A_521 = vector.broadcast %mul3A_520 : i32 to vector<16xi32>
      %mul3A_522 = arith.muli %add3A_519, %mul3A_521 : vector<16xi32>
      %add3A_523 = arith.constant 3 : i32
      %add3A_524 = vector.broadcast %add3A_523 : i32 to vector<16xi32>
      %add3A_525 = arith.addi %mul3A_522, %add3A_524 : vector<16xi32>
      %gather3A_526 = tpu.vector_load_idx %arg6[%add3A_525] : memref<4096xi32, #tpu.memory_space<vmem>>[vector<16xi32>], vector<16xi32>,
      %add3A_527 = arith.addi %add3A_515, %gather3A_526 : vector<16xi32>
      %mul3A_528 = arith.constant 16 : i32
      %mul3A_529 = arith.muli %scan3A_479, %mul3A_528 : i32
      %add3A_530 = vector.broadcast %mul3A_529 : i32 to vector<16xi32>
      %add3A_531 = arith.addi %add3A_530, %iota3A : vector<16xi32>
      %mul3A_532 = arith.constant 16 : i32
      %mul3A_533 = vector.broadcast %mul3A_532 : i32 to vector<16xi32>
      %mul3A_534 = arith.muli %add3A_531, %mul3A_533 : vector<16xi32>
      %add3A_535 = arith.constant 4 : i32
      %add3A_536 = vector.broadcast %add3A_535 : i32 to vector<16xi32>
      %add3A_537 = arith.addi %mul3A_534, %add3A_536 : vector<16xi32>
      %gather3A_538 = tpu.vector_load_idx %arg6[%add3A_537] : memref<4096xi32, #tpu.memory_space<vmem>>[vector<16xi32>], vector<16xi32>,
      %add3A_539 = arith.addi %add3A_527, %gather3A_538 : vector<16xi32>
      %mul3A_540 = arith.constant 16 : i32
      %mul3A_541 = arith.muli %scan3A_479, %mul3A_540 : i32
      %add3A_542 = vector.broadcast %mul3A_541 : i32 to vector<16xi32>
      %add3A_543 = arith.addi %add3A_542, %iota3A : vector<16xi32>
      %mul3A_544 = arith.constant 16 : i32
      %mul3A_545 = vector.broadcast %mul3A_544 : i32 to vector<16xi32>
      %mul3A_546 = arith.muli %add3A_543, %mul3A_545 : vector<16xi32>
      %add3A_547 = arith.constant 5 : i32
      %add3A_548 = vector.broadcast %add3A_547 : i32 to vector<16xi32>
      %add3A_549 = arith.addi %mul3A_546, %add3A_548 : vector<16xi32>
      %gather3A_550 = tpu.vector_load_idx %arg6[%add3A_549] : memref<4096xi32, #tpu.memory_space<vmem>>[vector<16xi32>], vector<16xi32>,
      %add3A_551 = arith.addi %add3A_539, %gather3A_550 : vector<16xi32>
      %mul3A_552 = arith.constant 16 : i32
      %mul3A_553 = arith.muli %scan3A_479, %mul3A_552 : i32
      %add3A_554 = vector.broadcast %mul3A_553 : i32 to vector<16xi32>
      %add3A_555 = arith.addi %add3A_554, %iota3A : vector<16xi32>
      %mul3A_556 = arith.constant 16 : i32
      %mul3A_557 = vector.broadcast %mul3A_556 : i32 to vector<16xi32>
      %mul3A_558 = arith.muli %add3A_555, %mul3A_557 : vector<16xi32>
      %add3A_559 = arith.constant 6 : i32
      %add3A_560 = vector.broadcast %add3A_559 : i32 to vector<16xi32>
      %add3A_561 = arith.addi %mul3A_558, %add3A_560 : vector<16xi32>
      %gather3A_562 = tpu.vector_load_idx %arg6[%add3A_561] : memref<4096xi32, #tpu.memory_space<vmem>>[vector<16xi32>], vector<16xi32>,
      %add3A_563 = arith.addi %add3A_551, %gather3A_562 : vector<16xi32>
      %mul3A_564 = arith.constant 16 : i32
      %mul3A_565 = arith.muli %scan3A_479, %mul3A_564 : i32
      %add3A_566 = vector.broadcast %mul3A_565 : i32 to vector<16xi32>
      %add3A_567 = arith.addi %add3A_566, %iota3A : vector<16xi32>
      %mul3A_568 = arith.constant 16 : i32
      %mul3A_569 = vector.broadcast %mul3A_568 : i32 to vector<16xi32>
      %mul3A_570 = arith.muli %add3A_567, %mul3A_569 : vector<16xi32>
      %add3A_571 = arith.constant 7 : i32
      %add3A_572 = vector.broadcast %add3A_571 : i32 to vector<16xi32>
      %add3A_573 = arith.addi %mul3A_570, %add3A_572 : vector<16xi32>
      %gather3A_574 = tpu.vector_load_idx %arg6[%add3A_573] : memref<4096xi32, #tpu.memory_space<vmem>>[vector<16xi32>], vector<16xi32>,
      %add3A_575 = arith.addi %add3A_563, %gather3A_574 : vector<16xi32>
      %mul3A_576 = arith.constant 16 : i32
      %mul3A_577 = arith.muli %scan3A_479, %mul3A_576 : i32
      %add3A_578 = vector.broadcast %mul3A_577 : i32 to vector<16xi32>
      %add3A_579 = arith.addi %add3A_578, %iota3A : vector<16xi32>
      %mul3A_580 = arith.constant 16 : i32
      %mul3A_581 = vector.broadcast %mul3A_580 : i32 to vector<16xi32>
      %mul3A_582 = arith.muli %add3A_579, %mul3A_581 : vector<16xi32>
      %add3A_583 = arith.constant 8 : i32
      %add3A_584 = vector.broadcast %add3A_583 : i32 to vector<16xi32>
      %add3A_585 = arith.addi %mul3A_582, %add3A_584 : vector<16xi32>
      %gather3A_586 = tpu.vector_load_idx %arg6[%add3A_585] : memref<4096xi32, #tpu.memory_space<vmem>>[vector<16xi32>], vector<16xi32>,
      %add3A_587 = arith.addi %add3A_575, %gather3A_586 : vector<16xi32>
      %mul3A_588 = arith.constant 16 : i32
      %mul3A_589 = arith.muli %scan3A_479, %mul3A_588 : i32
      %add3A_590 = vector.broadcast %mul3A_589 : i32 to vector<16xi32>
      %add3A_591 = arith.addi %add3A_590, %iota3A : vector<16xi32>
      %mul3A_592 = arith.constant 16 : i32
      %mul3A_593 = vector.broadcast %mul3A_592 : i32 to vector<16xi32>
      %mul3A_594 = arith.muli %add3A_591, %mul3A_593 : vector<16xi32>
      %add3A_595 = arith.constant 9 : i32
      %add3A_596 = vector.broadcast %add3A_595 : i32 to vector<16xi32>
      %add3A_597 = arith.addi %mul3A_594, %add3A_596 : vector<16xi32>
      %gather3A_598 = tpu.vector_load_idx %arg6[%add3A_597] : memref<4096xi32, #tpu.memory_space<vmem>>[vector<16xi32>], vector<16xi32>,
      %add3A_599 = arith.addi %add3A_587, %gather3A_598 : vector<16xi32>
      %mul3A_600 = arith.constant 16 : i32
      %mul3A_601 = arith.muli %scan3A_479, %mul3A_600 : i32
      %add3A_602 = vector.broadcast %mul3A_601 : i32 to vector<16xi32>
      %add3A_603 = arith.addi %add3A_602, %iota3A : vector<16xi32>
      %mul3A_604 = arith.constant 16 : i32
      %mul3A_605 = vector.broadcast %mul3A_604 : i32 to vector<16xi32>
      %mul3A_606 = arith.muli %add3A_603, %mul3A_605 : vector<16xi32>
      %add3A_607 = arith.constant 10 : i32
      %add3A_608 = vector.broadcast %add3A_607 : i32 to vector<16xi32>
      %add3A_609 = arith.addi %mul3A_606, %add3A_608 : vector<16xi32>
      %gather3A_610 = tpu.vector_load_idx %arg6[%add3A_609] : memref<4096xi32, #tpu.memory_space<vmem>>[vector<16xi32>], vector<16xi32>,
      %add3A_611 = arith.addi %add3A_599, %gather3A_610 : vector<16xi32>
      %mul3A_612 = arith.constant 16 : i32
      %mul3A_613 = arith.muli %scan3A_479, %mul3A_612 : i32
      %add3A_614 = vector.broadcast %mul3A_613 : i32 to vector<16xi32>
      %add3A_615 = arith.addi %add3A_614, %iota3A : vector<16xi32>
      %mul3A_616 = arith.constant 16 : i32
      %mul3A_617 = vector.broadcast %mul3A_616 : i32 to vector<16xi32>
      %mul3A_618 = arith.muli %add3A_615, %mul3A_617 : vector<16xi32>
      %add3A_619 = arith.constant 11 : i32
      %add3A_620 = vector.broadcast %add3A_619 : i32 to vector<16xi32>
      %add3A_621 = arith.addi %mul3A_618, %add3A_620 : vector<16xi32>
      %gather3A_622 = tpu.vector_load_idx %arg6[%add3A_621] : memref<4096xi32, #tpu.memory_space<vmem>>[vector<16xi32>], vector<16xi32>,
      %add3A_623 = arith.addi %add3A_611, %gather3A_622 : vector<16xi32>
      %mul3A_624 = arith.constant 16 : i32
      %mul3A_625 = arith.muli %scan3A_479, %mul3A_624 : i32
      %add3A_626 = vector.broadcast %mul3A_625 : i32 to vector<16xi32>
      %add3A_627 = arith.addi %add3A_626, %iota3A : vector<16xi32>
      %mul3A_628 = arith.constant 16 : i32
      %mul3A_629 = vector.broadcast %mul3A_628 : i32 to vector<16xi32>
      %mul3A_630 = arith.muli %add3A_627, %mul3A_629 : vector<16xi32>
      %add3A_631 = arith.constant 12 : i32
      %add3A_632 = vector.broadcast %add3A_631 : i32 to vector<16xi32>
      %add3A_633 = arith.addi %mul3A_630, %add3A_632 : vector<16xi32>
      %gather3A_634 = tpu.vector_load_idx %arg6[%add3A_633] : memref<4096xi32, #tpu.memory_space<vmem>>[vector<16xi32>], vector<16xi32>,
      %add3A_635 = arith.addi %add3A_623, %gather3A_634 : vector<16xi32>
      %mul3A_636 = arith.constant 16 : i32
      %mul3A_637 = arith.muli %scan3A_479, %mul3A_636 : i32
      %add3A_638 = vector.broadcast %mul3A_637 : i32 to vector<16xi32>
      %add3A_639 = arith.addi %add3A_638, %iota3A : vector<16xi32>
      %mul3A_640 = arith.constant 16 : i32
      %mul3A_641 = vector.broadcast %mul3A_640 : i32 to vector<16xi32>
      %mul3A_642 = arith.muli %add3A_639, %mul3A_641 : vector<16xi32>
      %add3A_643 = arith.constant 13 : i32
      %add3A_644 = vector.broadcast %add3A_643 : i32 to vector<16xi32>
      %add3A_645 = arith.addi %mul3A_642, %add3A_644 : vector<16xi32>
      %gather3A_646 = tpu.vector_load_idx %arg6[%add3A_645] : memref<4096xi32, #tpu.memory_space<vmem>>[vector<16xi32>], vector<16xi32>,
      %add3A_647 = arith.addi %add3A_635, %gather3A_646 : vector<16xi32>
      %mul3A_648 = arith.constant 16 : i32
      %mul3A_649 = arith.muli %scan3A_479, %mul3A_648 : i32
      %add3A_650 = vector.broadcast %mul3A_649 : i32 to vector<16xi32>
      %add3A_651 = arith.addi %add3A_650, %iota3A : vector<16xi32>
      %mul3A_652 = arith.constant 16 : i32
      %mul3A_653 = vector.broadcast %mul3A_652 : i32 to vector<16xi32>
      %mul3A_654 = arith.muli %add3A_651, %mul3A_653 : vector<16xi32>
      %add3A_655 = arith.constant 14 : i32
      %add3A_656 = vector.broadcast %add3A_655 : i32 to vector<16xi32>
      %add3A_657 = arith.addi %mul3A_654, %add3A_656 : vector<16xi32>
      %gather3A_658 = tpu.vector_load_idx %arg6[%add3A_657] : memref<4096xi32, #tpu.memory_space<vmem>>[vector<16xi32>], vector<16xi32>,
      %add3A_659 = arith.addi %add3A_647, %gather3A_658 : vector<16xi32>
      %mul3A_660 = arith.constant 16 : i32
      %mul3A_661 = arith.muli %scan3A_479, %mul3A_660 : i32
      %add3A_662 = vector.broadcast %mul3A_661 : i32 to vector<16xi32>
      %add3A_663 = arith.addi %add3A_662, %iota3A : vector<16xi32>
      %mul3A_664 = arith.constant 16 : i32
      %mul3A_665 = vector.broadcast %mul3A_664 : i32 to vector<16xi32>
      %mul3A_666 = arith.muli %add3A_663, %mul3A_665 : vector<16xi32>
      %add3A_667 = arith.constant 15 : i32
      %add3A_668 = vector.broadcast %add3A_667 : i32 to vector<16xi32>
      %add3A_669 = arith.addi %mul3A_666, %add3A_668 : vector<16xi32>
      %gather3A_670 = tpu.vector_load_idx %arg6[%add3A_669] : memref<4096xi32, #tpu.memory_space<vmem>>[vector<16xi32>], vector<16xi32>,
      %add3A_671 = arith.addi %add3A_659, %gather3A_670 : vector<16xi32>
      %mul3A_672 = arith.constant 16 : i32
      %mul3A_673 = arith.muli %scan3A_479, %mul3A_672 : i32
      %swap3A_674 = arith.index_cast %mul3A_673 : i32 to index
      %swap3A_675 = tpu.vector_load %arg7[%swap3A_674] {strides = array<i32>} : memref<256xi32, #tpu.memory_space<vmem>>, vector<16xi32>,
      tpu.vector_store %arg7[%swap3A_674], %add3A_671 {strides = array<i32>} : memref<256xi32, #tpu.memory_space<vmem>>, vector<16xi32>,
    }
    %scan3A_372 = arith.constant 16 : i32
    %scan3A_373 = arith.constant 0 : i32
    %scan3A_374 = arith.constant 16 : i32
    %scan3A_375 = arith.addi %scan3A_373, %scan3A_374 : i32
    %scan3A_376 = arith.constant 1 : i32
    %scan3A_377 = scf.for %scan3A_479 = %scan3A_373 to %scan3A_375 step %scan3A_376 iter_args(%scan3A_480 = %broadcast_in_dim3A_1) -> (vector<16xi32>)  : i32 {
      %mul3A_481 = arith.constant 16 : i32
      %mul3A_482 = vector.broadcast %mul3A_481 : i32 to vector<16xi32>
      %mul3A_483 = arith.muli %iota3A, %mul3A_482 : vector<16xi32>
      %add3A_484 = vector.broadcast %scan3A_479 : i32 to vector<16xi32>
      %add3A_485 = arith.addi %mul3A_483, %add3A_484 : vector<16xi32>
      %gather3A_486 = tpu.vector_load_idx %arg7[%add3A_485] : memref<256xi32, #tpu.memory_space<vmem>>[vector<16xi32>], vector<16xi32>,
      %add3A_487 = arith.addi %scan3A_480, %gather3A_486 : vector<16xi32>
      scf.yield %add3A_487 : vector<16xi32>
    }
    %scan3A_378 = arith.constant 16 : i32
    %rev3A_379 = arith.constant 15 : i32
    %rev3A_380 = vector.broadcast %rev3A_379 : i32 to vector<16xi32>
    %rev3A_381 = tpu.iota {dimensions = array<i32: 0>} : vector<16xi32>
    %rev3A_382 = arith.subi %rev3A_380, %rev3A_381 : vector<16xi32>
    %rev3A_383 = tpu.dynamic_gather %scan3A_377[%rev3A_382] in [0] : vector<16xi32>, vector<16xi32> -> vector<16xi32>
    %cumsum3A_384 = arith.constant true
    %cumsum3A_385 = vector.broadcast %cumsum3A_384 : i1 to vector<16xi1>
    %cumsum3A_386 = tpu.scan <sum>, %rev3A_383 masked %cumsum3A_385 : vector<16xi32>, vector<16xi1> -> vector<16xi32>
    %rev3A_387 = arith.constant 15 : i32
    %rev3A_388 = vector.broadcast %rev3A_387 : i32 to vector<16xi32>
    %rev3A_389 = tpu.iota {dimensions = array<i32: 0>} : vector<16xi32>
    %rev3A_390 = arith.subi %rev3A_388, %rev3A_389 : vector<16xi32>
    %rev3A_391 = tpu.dynamic_gather %cumsum3A_386[%rev3A_390] in [0] : vector<16xi32>, vector<16xi32> -> vector<16xi32>
    %add3A_392 = arith.addi %sub3A_346, %rev3A_391 : vector<16xi32>
    %ge3A_393 = arith.cmpi sge, %add3A_392, %get3A_4 : vector<16xi32>
    %all_reduce_population_count3A_394 = tpu.all_reduce %ge3A_393 {dim = 0 : i64, kind = #tpu.reduction_kind<sum>} : vector<16xi1> -> vector<16xi32>
    %sub3A_395 = arith.constant 1 : i32
    %sub3A_396 = vector.broadcast %sub3A_395 : i32 to vector<16xi32>
    %sub3A_397 = arith.subi %all_reduce_population_count3A_394, %sub3A_396 : vector<16xi32>
    %mul3A_398 = arith.constant 16 : i32
    %mul3A_399 = vector.broadcast %mul3A_398 : i32 to vector<16xi32>
    %mul3A_400 = arith.muli %sub3A_397, %mul3A_399 : vector<16xi32>
    %add3A_401 = arith.addi %mul3A_400, %iota3A : vector<16xi32>
    %gather3A_402 = tpu.vector_load_idx %arg7[%add3A_401] : memref<256xi32, #tpu.memory_space<vmem>>[vector<16xi32>], vector<16xi32>,
    %rev3A_403 = arith.constant 15 : i32
    %rev3A_404 = vector.broadcast %rev3A_403 : i32 to vector<16xi32>
    %rev3A_405 = tpu.iota {dimensions = array<i32: 0>} : vector<16xi32>
    %rev3A_406 = arith.subi %rev3A_404, %rev3A_405 : vector<16xi32>
    %rev3A_407 = tpu.dynamic_gather %gather3A_402[%rev3A_406] in [0] : vector<16xi32>, vector<16xi32> -> vector<16xi32>
    %cumsum3A_408 = arith.constant true
    %cumsum3A_409 = vector.broadcast %cumsum3A_408 : i1 to vector<16xi1>
    %cumsum3A_410 = tpu.scan <sum>, %rev3A_407 masked %cumsum3A_409 : vector<16xi32>, vector<16xi1> -> vector<16xi32>
    %rev3A_411 = arith.constant 15 : i32
    %rev3A_412 = vector.broadcast %rev3A_411 : i32 to vector<16xi32>
    %rev3A_413 = tpu.iota {dimensions = array<i32: 0>} : vector<16xi32>
    %rev3A_414 = arith.subi %rev3A_412, %rev3A_413 : vector<16xi32>
    %rev3A_415 = tpu.dynamic_gather %cumsum3A_410[%rev3A_414] in [0] : vector<16xi32>, vector<16xi32> -> vector<16xi32>
    %iota3A_416 = tpu.iota {dimensions = array<i32: 0>} : vector<16xi32>
    %eq3A_417 = arith.cmpi eq, %iota3A_416, %sub3A_397 : vector<16xi32>
    %jit3A_418 = arith.constant 0 : i32
    %broadcast_in_dim3A_419 = vector.broadcast %jit3A_418 : i32 to vector<16xi32>
    %select_n3A_420 = arith.select %eq3A_417, %rev3A_391, %broadcast_in_dim3A_419 : vector<16xi1>, vector<16xi32>
    %reduce_sum3A_421 = arith.constant true
    %reduce_sum3A_422 = vector.broadcast %reduce_sum3A_421 : i1 to vector<16xi1>
    %reduce_sum3A_423 = tpu.scan <sum>, %select_n3A_420 masked %reduce_sum3A_422 : vector<16xi32>, vector<16xi1> -> vector<16xi32>
    %reduce_sum3A_424 = vector.extract %reduce_sum3A_423[15] : i32 from vector<16xi32>
    %broadcast_in_dim3A_425 = vector.broadcast %reduce_sum3A_424 : i32 to vector<16xi32>
    %add3A_426 = arith.addi %sub3A_346, %broadcast_in_dim3A_425 : vector<16xi32>
    %iota3A_427 = tpu.iota {dimensions = array<i32: 0>} : vector<16xi32>
    %eq3A_428 = arith.cmpi eq, %iota3A_427, %sub3A_397 : vector<16xi32>
    %jit3A_429 = arith.constant 0 : i32
    %broadcast_in_dim3A_430 = vector.broadcast %jit3A_429 : i32 to vector<16xi32>
    %select_n3A_431 = arith.select %eq3A_428, %scan3A_377, %broadcast_in_dim3A_430 : vector<16xi1>, vector<16xi32>
    %reduce_sum3A_432 = arith.constant true
    %reduce_sum3A_433 = vector.broadcast %reduce_sum3A_432 : i1 to vector<16xi1>
    %reduce_sum3A_434 = tpu.scan <sum>, %select_n3A_431 masked %reduce_sum3A_433 : vector<16xi32>, vector<16xi1> -> vector<16xi32>
    %reduce_sum3A_435 = vector.extract %reduce_sum3A_434[15] : i32 from vector<16xi32>
    %broadcast_in_dim3A_436 = vector.broadcast %reduce_sum3A_435 : i32 to vector<16xi32>
    %sub3A_437 = arith.subi %add3A_426, %broadcast_in_dim3A_436 : vector<16xi32>
    %add3A_438 = arith.addi %sub3A_437, %rev3A_415 : vector<16xi32>
    %ge3A_439 = arith.cmpi sge, %add3A_438, %get3A_4 : vector<16xi32>
    %all_reduce_population_count3A_440 = tpu.all_reduce %ge3A_439 {dim = 0 : i64, kind = #tpu.reduction_kind<sum>} : vector<16xi1> -> vector<16xi32>
    %sub3A_441 = arith.constant 1 : i32
    %sub3A_442 = vector.broadcast %sub3A_441 : i32 to vector<16xi32>
    %sub3A_443 = arith.subi %all_reduce_population_count3A_440, %sub3A_442 : vector<16xi32>
    %iota3A_444 = tpu.iota {dimensions = array<i32: 0>} : vector<16xi32>
    %eq3A_445 = arith.cmpi eq, %iota3A_444, %sub3A_443 : vector<16xi32>
    %jit3A_446 = arith.constant 0 : i32
    %broadcast_in_dim3A_447 = vector.broadcast %jit3A_446 : i32 to vector<16xi32>
    %select_n3A_448 = arith.select %eq3A_445, %rev3A_415, %broadcast_in_dim3A_447 : vector<16xi1>, vector<16xi32>
    %reduce_sum3A_449 = arith.constant true
    %reduce_sum3A_450 = vector.broadcast %reduce_sum3A_449 : i1 to vector<16xi1>
    %reduce_sum3A_451 = tpu.scan <sum>, %select_n3A_448 masked %reduce_sum3A_450 : vector<16xi32>, vector<16xi1> -> vector<16xi32>
    %reduce_sum3A_452 = vector.extract %reduce_sum3A_451[15] : i32 from vector<16xi32>
    %broadcast_in_dim3A_453 = vector.broadcast %reduce_sum3A_452 : i32 to vector<16xi32>
    %add3A_454 = arith.addi %sub3A_437, %broadcast_in_dim3A_453 : vector<16xi32>
    %iota3A_455 = tpu.iota {dimensions = array<i32: 0>} : vector<16xi32>
    %eq3A_456 = arith.cmpi eq, %iota3A_455, %sub3A_443 : vector<16xi32>
    %jit3A_457 = arith.constant 0 : i32
    %broadcast_in_dim3A_458 = vector.broadcast %jit3A_457 : i32 to vector<16xi32>
    %select_n3A_459 = arith.select %eq3A_456, %gather3A_402, %broadcast_in_dim3A_458 : vector<16xi1>, vector<16xi32>
    %reduce_sum3A_460 = arith.constant true
    %reduce_sum3A_461 = vector.broadcast %reduce_sum3A_460 : i1 to vector<16xi1>
    %reduce_sum3A_462 = tpu.scan <sum>, %select_n3A_459 masked %reduce_sum3A_461 : vector<16xi32>, vector<16xi1> -> vector<16xi32>
    %reduce_sum3A_463 = vector.extract %reduce_sum3A_462[15] : i32 from vector<16xi32>
    %broadcast_in_dim3A_464 = vector.broadcast %reduce_sum3A_463 : i32 to vector<16xi32>
    %sub3A_465 = arith.subi %add3A_454, %broadcast_in_dim3A_464 : vector<16xi32>
    %mul3A_466 = arith.constant 16 : i32
    %mul3A_467 = vector.broadcast %mul3A_466 : i32 to vector<16xi32>
    %mul3A_468 = arith.muli %sub3A_397, %mul3A_467 : vector<16xi32>
    %add3A_469 = arith.addi %mul3A_468, %sub3A_443 : vector<16xi32>
    %shift_left3A_470 = arith.constant 7 : i32
    %shift_left3A_471 = vector.broadcast %shift_left3A_470 : i32 to vector<16xi32>
    %shift_left3A_472 = arith.shli %or3A_354, %shift_left3A_471 : vector<16xi32>
    %or3A_473 = arith.ori %shift_left3A_472, %add3A_469 : vector<16xi32>
    %eq3A_474 = arith.constant 0 : i32
    %eq3A_475 = vector.broadcast %eq3A_474 : i32 to vector<16xi32>
    %eq3A_476 = arith.cmpi eq, %iota3A, %eq3A_475 : vector<16xi32>
    %select_n3A_477 = arith.select %eq3A_476, %or3A_473, %broadcast_in_dim3A_1 : vector<16xi1>, vector<16xi32>
    %swap3A = arith.constant 0 : index
    %swap3A_478 = tpu.vector_load %arg9[%swap3A] {strides = array<i32>} : memref<16xi32, #tpu.memory_space<vmem>>, vector<16xi32>,
    tpu.vector_store %arg9[%swap3A], %select_n3A_477 {strides = array<i32>} : memref<16xi32, #tpu.memory_space<vmem>>, vector<16xi32>,
    "tpu.region"() ({
      %run_scoped3A = tpu.sem_alloc : memref<!tpu.dma_semaphore, #tpu.memory_space<semaphore_mem>>
      %dma_start3A = arith.constant 0 : i32
      %dma_start3A_479 = tpu.memref_slice %arg4[%add3A, %dma_start3A] : memref<32x16xi32, #tpu.memory_space<hbm>> -> memref<1x16xi32, #tpu.memory_space<hbm>>
      %dma_start3A_480 = tpu.memref_squeeze %dma_start3A_479 : memref<1x16xi32, #tpu.memory_space<hbm>> -> memref<16xi32, #tpu.memory_space<hbm>>
      %dma_start3A_481 = arith.constant 0 : i32
      %dma_start3A_482 = tpu.memref_slice %arg4[%add3A, %dma_start3A_481] : memref<32x16xi32, #tpu.memory_space<hbm>> -> memref<1x16xi32, #tpu.memory_space<hbm>>
      %dma_start3A_483 = tpu.memref_squeeze %dma_start3A_482 : memref<1x16xi32, #tpu.memory_space<hbm>> -> memref<16xi32, #tpu.memory_space<hbm>>
      tpu.enqueue_dma source(%arg9 : memref<16xi32, #tpu.memory_space<vmem>>) target(%dma_start3A_483 : memref<16xi32, #tpu.memory_space<hbm>>) target_semaphore(%run_scoped3A : memref<!tpu.dma_semaphore, #tpu.memory_space<semaphore_mem>>)
      %dma_wait3A = arith.constant 0 : i32
      %dma_wait3A_484 = tpu.memref_slice %arg4[%add3A, %dma_wait3A] : memref<32x16xi32, #tpu.memory_space<hbm>> -> memref<1x16xi32, #tpu.memory_space<hbm>>
      %dma_wait3A_485 = tpu.memref_squeeze %dma_wait3A_484 : memref<1x16xi32, #tpu.memory_space<hbm>> -> memref<16xi32, #tpu.memory_space<hbm>>
      %dma_wait3A_486 = arith.constant 0 : i32
      %dma_wait3A_487 = tpu.memref_slice %arg4[%add3A, %dma_wait3A_486] : memref<32x16xi32, #tpu.memory_space<hbm>> -> memref<1x16xi32, #tpu.memory_space<hbm>>
      %dma_wait3A_488 = tpu.memref_squeeze %dma_wait3A_487 : memref<1x16xi32, #tpu.memory_space<hbm>> -> memref<16xi32, #tpu.memory_space<hbm>>
      tpu.wait_dma2 semaphore(%run_scoped3A : memref<!tpu.dma_semaphore, #tpu.memory_space<semaphore_mem>>) src(%arg9 : memref<16xi32, #tpu.memory_space<vmem>>) dst(%dma_wait3A_488 : memref<16xi32, #tpu.memory_space<hbm>>)
      tpu.yield
    }) : () -> ()
    return
  }
}

module attributes {stable_mosaic.version = 14 : i64} {
  func.func @_tc_thresh_body(%arg0: i32, %arg1: memref<1xi32, #tpu.memory_space<smem>>, %arg2: memref<32x32768xf32, #tpu.memory_space<vmem>>, %arg3: memref<32x128xi32, #tpu.memory_space<vmem>>, %arg4: memref<32x32768xi32, #tpu.memory_space<vmem>>) attributes {dimension_semantics = [#tpu.dimension_semantics<arbitrary>], iteration_bounds = array<i64: 3>, scalar_prefetch = 0 : i64, scratch_operands = 1 : i64, tpu.core_type = #tpu.core_type<tc>, window_params = [{transform_indices = @transform_0, window_bounds = array<i64: 1>}, {transform_indices = @transform_1, window_bounds = array<i64: 32, 32768>}, {transform_indices = @transform_2, window_bounds = array<i64: 32, 128>}]} {
    %get3A = arith.constant 0 : index
    %get3A_0 = arith.constant 0 : index
    %get3A_1 = vector.load %arg2[%get3A, %get3A_0] : memref<32x32768xf32, #tpu.memory_space<vmem>>, vector<32x32768xf32>
    %abs3A = math.absf %get3A_1 : vector<32x32768xf32>
    %bitcast_convert_type3A = tpu.bitcast %abs3A : vector<32x32768xf32> -> vector<32x32768xi32>
    %swap3A = arith.constant 0 : index
    %swap3A_2 = arith.constant 0 : index
    %swap3A_3 = vector.load %arg4[%swap3A, %swap3A_2] : memref<32x32768xi32, #tpu.memory_space<vmem>>, vector<32x32768xi32>
    tpu.vector_store %arg4[%swap3A, %swap3A_2], %bitcast_convert_type3A {strides = array<i32>} : memref<32x32768xi32, #tpu.memory_space<vmem>>, vector<32x32768xi32>,
    %get3A_4 = arith.constant 0 : index
    %get3A_5 = memref.load %arg1[%get3A_4] : memref<1xi32, #tpu.memory_space<smem>>
    %broadcast_in_dim3A = arith.constant 0 : i32
    %broadcast_in_dim3A_6 = vector.broadcast %broadcast_in_dim3A : i32 to vector<32x1xi32>
    %scan3A = arith.constant 0 : i32
    %scan3A_7 = arith.constant 31 : i32
    %scan3A_8 = arith.addi %scan3A, %scan3A_7 : i32
    %scan3A_9 = arith.constant 1 : i32
    %scan3A_10 = scf.for %scan3A_17 = %scan3A to %scan3A_8 step %scan3A_9 iter_args(%scan3A_18 = %broadcast_in_dim3A_6) -> (vector<32x1xi32>)  : i32 {
      %sub3A = arith.constant 30 : i32
      %sub3A_19 = arith.subi %sub3A, %scan3A_17 : i32
      %shift_left3A = arith.constant 1 : i32
      %shift_left3A_20 = arith.shli %shift_left3A, %sub3A_19 : i32
      %or3A = vector.broadcast %shift_left3A_20 : i32 to vector<32x1xi32>
      %or3A_21 = arith.ori %scan3A_18, %or3A : vector<32x1xi32>
      %broadcast_in_dim3A_22 = arith.constant 0 : i32
      %broadcast_in_dim3A_23 = vector.broadcast %broadcast_in_dim3A_22 : i32 to vector<32x1xi32>
      %get3A_24 = arith.constant 0 : index
      %get3A_25 = arith.constant 0 : index
      %get3A_26 = vector.load %arg4[%get3A_24, %get3A_25] : memref<32x32768xi32, #tpu.memory_space<vmem>>, vector<32x4096xi32>
      %ge3A = vector.broadcast %or3A_21 : vector<32x1xi32> to vector<32x4096xi32>
      %ge3A_27 = arith.cmpi sge, %get3A_26, %ge3A : vector<32x4096xi32>
      %convert_element_type3A = arith.extui %ge3A_27 : vector<32x4096xi1> to vector<32x4096xi32>
      %reduce_sum3A = arith.constant dense<0> : vector<32xi32>
      %reduce_sum3A_28 = vector.multi_reduction <add>, %convert_element_type3A, %reduce_sum3A [1] : vector<32x4096xi32> to vector<32xi32>
      %broadcast_in_dim3A_29 = vector.shape_cast %reduce_sum3A_28 : vector<32xi32> to vector<32x1xi32>
      %get3A_30 = arith.constant 0 : index
      %get3A_31 = arith.constant 4096 : index
      %get3A_32 = vector.load %arg4[%get3A_30, %get3A_31] : memref<32x32768xi32, #tpu.memory_space<vmem>>, vector<32x4096xi32>
      %ge3A_33 = vector.broadcast %or3A_21 : vector<32x1xi32> to vector<32x4096xi32>
      %ge3A_34 = arith.cmpi sge, %get3A_32, %ge3A_33 : vector<32x4096xi32>
      %convert_element_type3A_35 = arith.extui %ge3A_34 : vector<32x4096xi1> to vector<32x4096xi32>
      %reduce_sum3A_36 = arith.constant dense<0> : vector<32xi32>
      %reduce_sum3A_37 = vector.multi_reduction <add>, %convert_element_type3A_35, %reduce_sum3A_36 [1] : vector<32x4096xi32> to vector<32xi32>
      %broadcast_in_dim3A_38 = vector.shape_cast %reduce_sum3A_37 : vector<32xi32> to vector<32x1xi32>
      %get3A_39 = arith.constant 0 : index
      %get3A_40 = arith.constant 8192 : index
      %get3A_41 = vector.load %arg4[%get3A_39, %get3A_40] : memref<32x32768xi32, #tpu.memory_space<vmem>>, vector<32x4096xi32>
      %ge3A_42 = vector.broadcast %or3A_21 : vector<32x1xi32> to vector<32x4096xi32>
      %ge3A_43 = arith.cmpi sge, %get3A_41, %ge3A_42 : vector<32x4096xi32>
      %convert_element_type3A_44 = arith.extui %ge3A_43 : vector<32x4096xi1> to vector<32x4096xi32>
      %reduce_sum3A_45 = arith.constant dense<0> : vector<32xi32>
      %reduce_sum3A_46 = vector.multi_reduction <add>, %convert_element_type3A_44, %reduce_sum3A_45 [1] : vector<32x4096xi32> to vector<32xi32>
      %broadcast_in_dim3A_47 = vector.shape_cast %reduce_sum3A_46 : vector<32xi32> to vector<32x1xi32>
      %get3A_48 = arith.constant 0 : index
      %get3A_49 = arith.constant 12288 : index
      %get3A_50 = vector.load %arg4[%get3A_48, %get3A_49] : memref<32x32768xi32, #tpu.memory_space<vmem>>, vector<32x4096xi32>
      %ge3A_51 = vector.broadcast %or3A_21 : vector<32x1xi32> to vector<32x4096xi32>
      %ge3A_52 = arith.cmpi sge, %get3A_50, %ge3A_51 : vector<32x4096xi32>
      %convert_element_type3A_53 = arith.extui %ge3A_52 : vector<32x4096xi1> to vector<32x4096xi32>
      %reduce_sum3A_54 = arith.constant dense<0> : vector<32xi32>
      %reduce_sum3A_55 = vector.multi_reduction <add>, %convert_element_type3A_53, %reduce_sum3A_54 [1] : vector<32x4096xi32> to vector<32xi32>
      %broadcast_in_dim3A_56 = vector.shape_cast %reduce_sum3A_55 : vector<32xi32> to vector<32x1xi32>
      %get3A_57 = arith.constant 0 : index
      %get3A_58 = arith.constant 16384 : index
      %get3A_59 = vector.load %arg4[%get3A_57, %get3A_58] : memref<32x32768xi32, #tpu.memory_space<vmem>>, vector<32x4096xi32>
      %ge3A_60 = vector.broadcast %or3A_21 : vector<32x1xi32> to vector<32x4096xi32>
      %ge3A_61 = arith.cmpi sge, %get3A_59, %ge3A_60 : vector<32x4096xi32>
      %convert_element_type3A_62 = arith.extui %ge3A_61 : vector<32x4096xi1> to vector<32x4096xi32>
      %reduce_sum3A_63 = arith.constant dense<0> : vector<32xi32>
      %reduce_sum3A_64 = vector.multi_reduction <add>, %convert_element_type3A_62, %reduce_sum3A_63 [1] : vector<32x4096xi32> to vector<32xi32>
      %broadcast_in_dim3A_65 = vector.shape_cast %reduce_sum3A_64 : vector<32xi32> to vector<32x1xi32>
      %get3A_66 = arith.constant 0 : index
      %get3A_67 = arith.constant 20480 : index
      %get3A_68 = vector.load %arg4[%get3A_66, %get3A_67] : memref<32x32768xi32, #tpu.memory_space<vmem>>, vector<32x4096xi32>
      %ge3A_69 = vector.broadcast %or3A_21 : vector<32x1xi32> to vector<32x4096xi32>
      %ge3A_70 = arith.cmpi sge, %get3A_68, %ge3A_69 : vector<32x4096xi32>
      %convert_element_type3A_71 = arith.extui %ge3A_70 : vector<32x4096xi1> to vector<32x4096xi32>
      %reduce_sum3A_72 = arith.constant dense<0> : vector<32xi32>
      %reduce_sum3A_73 = vector.multi_reduction <add>, %convert_element_type3A_71, %reduce_sum3A_72 [1] : vector<32x4096xi32> to vector<32xi32>
      %broadcast_in_dim3A_74 = vector.shape_cast %reduce_sum3A_73 : vector<32xi32> to vector<32x1xi32>
      %get3A_75 = arith.constant 0 : index
      %get3A_76 = arith.constant 24576 : index
      %get3A_77 = vector.load %arg4[%get3A_75, %get3A_76] : memref<32x32768xi32, #tpu.memory_space<vmem>>, vector<32x4096xi32>
      %ge3A_78 = vector.broadcast %or3A_21 : vector<32x1xi32> to vector<32x4096xi32>
      %ge3A_79 = arith.cmpi sge, %get3A_77, %ge3A_78 : vector<32x4096xi32>
      %convert_element_type3A_80 = arith.extui %ge3A_79 : vector<32x4096xi1> to vector<32x4096xi32>
      %reduce_sum3A_81 = arith.constant dense<0> : vector<32xi32>
      %reduce_sum3A_82 = vector.multi_reduction <add>, %convert_element_type3A_80, %reduce_sum3A_81 [1] : vector<32x4096xi32> to vector<32xi32>
      %broadcast_in_dim3A_83 = vector.shape_cast %reduce_sum3A_82 : vector<32xi32> to vector<32x1xi32>
      %get3A_84 = arith.constant 0 : index
      %get3A_85 = arith.constant 28672 : index
      %get3A_86 = vector.load %arg4[%get3A_84, %get3A_85] : memref<32x32768xi32, #tpu.memory_space<vmem>>, vector<32x4096xi32>
      %ge3A_87 = vector.broadcast %or3A_21 : vector<32x1xi32> to vector<32x4096xi32>
      %ge3A_88 = arith.cmpi sge, %get3A_86, %ge3A_87 : vector<32x4096xi32>
      %convert_element_type3A_89 = arith.extui %ge3A_88 : vector<32x4096xi1> to vector<32x4096xi32>
      %reduce_sum3A_90 = arith.constant dense<0> : vector<32xi32>
      %reduce_sum3A_91 = vector.multi_reduction <add>, %convert_element_type3A_89, %reduce_sum3A_90 [1] : vector<32x4096xi32> to vector<32xi32>
      %broadcast_in_dim3A_92 = vector.shape_cast %reduce_sum3A_91 : vector<32xi32> to vector<32x1xi32>
      %add3A = arith.addi %broadcast_in_dim3A_23, %broadcast_in_dim3A_29 : vector<32x1xi32>
      %add3A_93 = arith.addi %add3A, %broadcast_in_dim3A_38 : vector<32x1xi32>
      %add3A_94 = arith.addi %add3A_93, %broadcast_in_dim3A_47 : vector<32x1xi32>
      %add3A_95 = arith.addi %add3A_94, %broadcast_in_dim3A_56 : vector<32x1xi32>
      %add3A_96 = arith.addi %add3A_95, %broadcast_in_dim3A_65 : vector<32x1xi32>
      %add3A_97 = arith.addi %add3A_96, %broadcast_in_dim3A_74 : vector<32x1xi32>
      %add3A_98 = arith.addi %add3A_97, %broadcast_in_dim3A_83 : vector<32x1xi32>
      %add3A_99 = arith.addi %add3A_98, %broadcast_in_dim3A_92 : vector<32x1xi32>
      %ge3A_100 = vector.broadcast %get3A_5 : i32 to vector<32x1xi32>
      %ge3A_101 = arith.cmpi sge, %add3A_99, %ge3A_100 : vector<32x1xi32>
      %select_n3A = arith.select %ge3A_101, %or3A_21, %scan3A_18 : vector<32x1xi1>, vector<32x1xi32>
      scf.yield %select_n3A : vector<32x1xi32>
    }
    %scan3A_11 = arith.constant 31 : i32
    %broadcast_in_dim3A_12 = vector.shape_cast %scan3A_10 : vector<32x1xi32> to vector<32x1xi32>
    %broadcast_in_dim3A_13 = vector.broadcast %broadcast_in_dim3A_12 : vector<32x1xi32> to vector<32x128xi32>
    %swap3A_14 = arith.constant 0 : index
    %swap3A_15 = arith.constant 0 : index
    %swap3A_16 = vector.load %arg3[%swap3A_14, %swap3A_15] : memref<32x128xi32, #tpu.memory_space<vmem>>, vector<32x128xi32>
    tpu.vector_store %arg3[%swap3A_14, %swap3A_15], %broadcast_in_dim3A_13 {strides = array<i32>} : memref<32x128xi32, #tpu.memory_space<vmem>>, vector<32x128xi32>,
    return
  }
  func.func @transform_0(%arg0: i32) -> i32 {
    %c0_i32 = arith.constant 0 : i32
    %c0_i32_0 = arith.constant 0 : i32
    return %c0_i32 : i32
  }
  func.func @transform_1(%arg0: i32) -> (i32, i32) {
    %c0_i32 = arith.constant 0 : i32
    %c0_i32_0 = arith.constant 0 : i32
    return %arg0, %c0_i32 : i32, i32
  }
  func.func @transform_2(%arg0: i32) -> (i32, i32) {
    %c0_i32 = arith.constant 0 : i32
    %c0_i32_0 = arith.constant 0 : i32
    return %arg0, %c0_i32 : i32, i32
  }
}

module attributes {stable_mosaic.version = 14 : i64} {
  func.func @_mask_body(%arg0: i32, %arg1: memref<64x32768xf32, #tpu.memory_space<vmem>>, %arg2: memref<64x1xi32, #tpu.memory_space<vmem>>, %arg3: memref<64x32768xf32, #tpu.memory_space<vmem>>) attributes {dimension_semantics = [#tpu.dimension_semantics<arbitrary>], iteration_bounds = array<i64: 2>, scalar_prefetch = 0 : i64, scratch_operands = 0 : i64, tpu.core_type = #tpu.core_type<tc>, window_params = [{transform_indices = @transform_0, window_bounds = array<i64: 64, 32768>}, {transform_indices = @transform_1, window_bounds = array<i64: 64, 1>}, {transform_indices = @transform_2, window_bounds = array<i64: 64, 32768>}]} {
    %get3A = arith.constant 0 : index
    %get3A_0 = arith.constant 0 : index
    %get3A_1 = vector.load %arg1[%get3A, %get3A_0] : memref<64x32768xf32, #tpu.memory_space<vmem>>, vector<64x32768xf32>
    %abs3A = math.absf %get3A_1 : vector<64x32768xf32>
    %bitcast_convert_type3A = tpu.bitcast %abs3A : vector<64x32768xf32> -> vector<64x32768xi32>
    %get3A_2 = arith.constant 0 : index
    %get3A_3 = arith.constant 0 : index
    %get3A_4 = vector.load %arg2[%get3A_2, %get3A_3] : memref<64x1xi32, #tpu.memory_space<vmem>>, vector<64x1xi32>
    %ge3A = vector.broadcast %get3A_4 : vector<64x1xi32> to vector<64x32768xi32>
    %ge3A_5 = arith.cmpi sge, %bitcast_convert_type3A, %ge3A : vector<64x32768xi32>
    %jit3A = arith.constant 0.000000e+00 : f32
    %broadcast_in_dim3A = vector.broadcast %jit3A : f32 to vector<64x32768xf32>
    %select_n3A = arith.select %ge3A_5, %get3A_1, %broadcast_in_dim3A : vector<64x32768xi1>, vector<64x32768xf32>
    %swap3A = arith.constant 0 : index
    %swap3A_6 = arith.constant 0 : index
    %swap3A_7 = vector.load %arg3[%swap3A, %swap3A_6] : memref<64x32768xf32, #tpu.memory_space<vmem>>, vector<64x32768xf32>
    tpu.vector_store %arg3[%swap3A, %swap3A_6], %select_n3A {strides = array<i32>} : memref<64x32768xf32, #tpu.memory_space<vmem>>, vector<64x32768xf32>,
    return
  }
  func.func @transform_0(%arg0: i32) -> (i32, i32) {
    %c0_i32 = arith.constant 0 : i32
    %c0_i32_0 = arith.constant 0 : i32
    return %arg0, %c0_i32 : i32, i32
  }
  func.func @transform_1(%arg0: i32) -> (i32, i32) {
    %c0_i32 = arith.constant 0 : i32
    %c0_i32_0 = arith.constant 0 : i32
    return %arg0, %c0_i32 : i32, i32
  }
  func.func @transform_2(%arg0: i32) -> (i32, i32) {
    %c0_i32 = arith.constant 0 : i32
    %c0_i32_0 = arith.constant 0 : i32
    return %arg0, %c0_i32 : i32, i32
  }
}

</mosaic_0001>

<sc_bundles>
// kernel: kernel.5.cloned.1.call-start
scs
__scs_entry_jumppad:
0x0: {  	(pc) =	sbr.rel $0x88, $3  }
0x1: {  	(tag) =	ssettag $0x0;
	lr =	simm.s32 $0x1  }
0x2: {  	[smem:$0x3F9F] =	sst lr;
	_ =	strace $0xD0000000  }
0x3: {  	_ = 	snop  }
0x4: {  	_ = 	snop  }
0x5: {  	_ = 	snop  }
0x6: {  	_ = 	snop  }
0x7: {  	_ = 	snop  }
__scs_overlays_trampoline_lowered:
0x8: {  	[smem:$0x3FAE] =	sst s0  }
0x9: {  	[smem:$0x3FAF] =	sst s1  }
0xa: {  	[smem:$0x3FB0] =	sst s2  }
0xb: {  	[smem:$0x3FB1] =	sst s3  }
0xc: {  	[smem:$0x3FB2] =	sst s4  }
0xd: {  	[smem:$0x3FB3] =	sst s5  }
0xe: {  	[smem:$0x3FB4] =	sst s6  }
0xf: {  	[smem:$0x3FB5] =	sst s7  }
0x10: {  	[smem:$0x3FB6] =	sst s8  }
0x11: {  	[smem:$0x3FB7] =	sst s9;
	s0 =	simm.s32 @!p0 $0x0  }
0x12: {  	s1 =	sld [smem:$0x3F9D];
	s0 =	simm.s32 @p0 $0x1  }
0x13: {  	[smem:$0x3FB8] =	sst s0;
	s0 =	simm.s32 @!p1 $0x0  }
0x14: {  	s2 =	sld [smem:$0x3F9C];
	s0 =	simm.s32 @p1 $0x1  }
0x15: {  	[smem:$0x3FB9] =	sst s0;
	s0 =	simm.s32 @!p2 $0x0  }
0x16: {  	s3 =	sld [smem:$0x3FDB];
	s0 =	simm.s32 @p2 $0x1  }
0x17: {  	s4 =	simm.s32 $0x1BF5;
	[smem:$0x3FBB] =	sst s0  }
0x18: {  	s0 =	sld [smem:$0x3F9E];
	_ =	swait.ge [sflag:s4], $0x0  }
0x19: {  	s7 =	sld [smem:$0x3F9F]  }
0x1a: {  	s8 =	sadd.s32 $0xFFFFE003, lr  }
0x1b: {  	s9 =	sadd.s32 $0xFFFFFEF7, lr;
	s5 =	simm.s32 $0xFFFFFFFF;
	p2 =	slt.u32 s8, $0xFFFFF086  }
0x1c: {  	p1 =	slt.u32 s9, $0xF7A;
	s5 =	simm.s32 @!p2 $0x0  }
0x1d: {  	s5 =	simm.s32 @p1 $0x1;
	p0 =	seq.s32 s7, s2  }
0x1e: {  	s7 =	smul.u32 @!p0 $0xF7A, s2;
	p2 =	seq.s32 @!p0 s5, $0x0  }
0x1f: {  	s9 =	smul.u32 $0xF7A, s1;
	s8 =	simm.s32 @!p0 $0x1BF5;
	p2 =	por !p2, p0  }
0x20: {  	[sflag:s8] =	ssyncset.s32 @!p0 $0xFFFFF086;
	s6 =	sadd.s32 @!p0 s3, s7;
	s7 =	simm.s32 @!p0 $0x108  }
0x21: {  	s3 =	sadd.s32 s3, s9;
	s6 =	sadd.s32 @!p0 $0x88, s6;
	s7 =	simm.s32 @p2 $0x1082  }
0x22: {  	[simem:s7], [sflag:s8] =	dma.local @!p0 [hbm:s6], $0xF7A  }
0x23: {  	s9 =	sor.u32 $0xD0000000, s2;
	s6 =	simm.s32 $0x108;
	_ =	swait.ge @!p0 [sflag:s8], $0x0  }
0x24: {  	s3 =	sadd.s32 $0x88, s3;
	s6 =	simm.s32 @!p1 $0x1082;
	[sflag:s4] =	ssyncset.s32 $0xFFFFF086  }
0x25: {  	[simem:s6], [sflag:s4] =	dma.local [hbm:s3], $0xF7A  }
0x26: {  	[smem:$0x3F9F] =	sst s1;
	(tag) =	ssettag s2;
	_ =	strace s9  }
0x27: {  	s1 =	sld [smem:$0x3FAF]  }
0x28: {  	s2 =	sld [smem:$0x3FB0]  }
0x29: {  	s4 =	sld [smem:$0x3FB2]  }
0x2a: {  	p0 =	seq.s32 s5, $0x0;
	s5 =	sld [smem:$0x3FB3]  }
0x2b: {  	s6 =	sld [smem:$0x3FB4]  }
0x2c: {  	s7 =	sld [smem:$0x3FB5]  }
0x2d: {  	s3 =	simm.s32 $0x108;
	s8 =	sld [smem:$0x3FB6]  }
0x2e: {  	s3 =	simm.s32 @!p0 $0x1082;
	s9 =	sld [smem:$0x3FB7]  }
0x2f: {  	lr =	sadd.s32 s0, s3;
	s0 =	sld [smem:$0x3FAE]  }
0x30: {  	s3 =	sld [smem:$0x3FB1]  }
0x31: {  	[smem:$0x3FBA] =	sst s10  }
0x32: {  	s10 =	sld [smem:$0x3FB8];
	_ =	sdelay $0x3  }
0x33: {  	p0 =	seq.s32 s10, $0x1;
	s10 =	sld [smem:$0x3FBA];
	_ =	sdelay $0x3  }
0x34: {  	[smem:$0x3FBA] =	sst s10  }
0x35: {  	s10 =	sld [smem:$0x3FB9];
	_ =	sdelay $0x3  }
0x36: {  	p1 =	seq.s32 s10, $0x1;
	s10 =	sld [smem:$0x3FBA];
	_ =	sdelay $0x3  }
0x37: {  	[smem:$0x3FBA] =	sst s10  }
0x38: {  	s10 =	sld [smem:$0x3FBB]  }
0x39: {  	_ = 	snop;
	(pc) =	sbr.ind lr, $3  }
0x3a: {  	_ = 	snop  }
0x3b: {  	_ = 	snop  }
0x3c: {  	p2 =	seq.s32 s10, $0x1;
	s10 =	sld [smem:$0x3FBA]  }
0x3d: {  	_ =	shalt  }
0x3e: {  	_ =	shalt  }
0x3f: {  	_ =	shalt  }
0x40: {  	_ =	shalt  }
0x41: {  	_ =	shalt  }
0x42: {  	_ =	shalt  }
0x43: {  	_ =	shalt  }
0x44: {  	_ =	shalt  }
0x45: {  	_ =	shalt  }
0x46: {  	_ =	shalt  }
0x47: {  	_ =	shalt  }
0x48: {  	_ =	shalt  }
0x49: {  	_ =	shalt  }
0x4a: {  	_ =	shalt  }
0x4b: {  	_ =	shalt  }
0x4c: {  	_ =	shalt  }
0x4d: {  	_ =	shalt  }
0x4e: {  	_ =	shalt  }
0x4f: {  	_ =	shalt  }
0x50: {  	_ =	shalt  }
0x51: {  	_ =	shalt  }
0x52: {  	_ =	shalt  }
0x53: {  	_ =	shalt  }
0x54: {  	_ =	shalt  }
0x55: {  	_ =	shalt  }
0x56: {  	_ =	shalt  }
0x57: {  	_ =	shalt  }
0x58: {  	_ =	shalt  }
0x59: {  	_ =	shalt  }
0x5a: {  	_ =	shalt  }
0x5b: {  	_ =	shalt  }
0x5c: {  	_ =	shalt  }
0x5d: {  	_ =	shalt  }
0x5e: {  	_ =	shalt  }
0x5f: {  	_ =	shalt  }
0x60: {  	_ =	shalt  }
0x61: {  	_ =	shalt  }
0x62: {  	_ =	shalt  }
0x63: {  	_ =	shalt  }
0x64: {  	_ =	shalt  }
0x65: {  	_ =	shalt  }
0x66: {  	_ =	shalt  }
0x67: {  	_ =	shalt  }
0x68: {  	_ =	shalt  }
0x69: {  	_ =	shalt  }
0x6a: {  	_ =	shalt  }
0x6b: {  	_ =	shalt  }
0x6c: {  	_ =	shalt  }
0x6d: {  	_ =	shalt  }
0x6e: {  	_ =	shalt  }
0x6f: {  	_ =	shalt  }
0x70: {  	_ =	shalt  }
0x71: {  	_ =	shalt  }
0x72: {  	_ =	shalt  }
0x73: {  	_ =	shalt  }
0x74: {  	_ =	shalt  }
0x75: {  	_ =	shalt  }
0x76: {  	_ =	shalt  }
0x77: {  	_ =	shalt  }
0x78: {  	_ =	shalt  }
0x79: {  	_ =	shalt  }
0x7a: {  	_ =	shalt  }
0x7b: {  	_ =	shalt  }
0x7c: {  	_ =	shalt  }
0x7d: {  	_ =	shalt  }
0x7e: {  	_ =	shalt  }
0x7f: {  	_ =	shalt  }
0x80: {  	_ =	shalt  }
0x81: {  	_ =	shalt  }
0x82: {  	_ =	shalt  }
0x83: {  	_ =	shalt  }
0x84: {  	_ =	shalt  }
0x85: {  	_ =	shalt  }
0x86: {  	_ =	shalt  }
0x87: {  	_ =	shalt  }
.Lfunc_end0:
.L_simem_size_0:
called_computation_lowered:
.L_overlay_start_0:
0x88: {  	s2 =	sld [smem:$0x3FD9]  }
0x89: {  	s3 =	sld [smem:$0x3FFE];
	_ =	sdelay $0x1  }
0x8a: {  	s1 =	srdreg.scid  }
0x8b: {  	s0 =	sand.u32 $0x1, s1  }
0x8c: {  	s17 =	sshll.u32 s0, $0xA;
	s2 =	sadd.s32 s3, s2  }
0x8d: {  	s2 =	sadd.s32 s2, s17  }
0x8e: {  	[smem:$0x3FC6] =	sst s2  }
0x8f: {  	_ = 	snop  }
0x90: {  	s2 =	sld [smem:$0x3FC9]  }
0x91: {  	s18 =	sld [smem:$0x3FD0];
	(tm) =	ssettm $0x1  }
0x92: {  	s4 =	sld [smem:$0x3FFB];
	_ =	sdelay $0x3  }
0x93: {  	_ =	strace s4  }
0x94: {  	s4 =	sld [smem:$0x3FFC];
	_ =	sdelay $0x3  }
0x95: {  	_ =	strace s4  }
0x96: {  	s4 =	sld [smem:$0x3FFD];
	_ =	sdelay $0x3  }
0x97: {  	_ =	strace s4  }
0x98: {  	_ =	strace $0x8FFFFFFF  }
0x99: {  	s19 =	sld [smem:$0x3FDB];
	_ =	sdelay $0x1  }
0x9a: {  	s5 =	simm.s32 $_scs_section_size  }
0x9b: {  	s6 =	simm.s32 $_size__tile_overlayer_lowered;
	s7 =	simm.s32 $_tile_overlayer_lowered  }
0x9c: {  	s22 =	simm.s32 $0x1BFF;
	s21 =	sshll.u32 s7, $0x1;
	s4 =	sadd.s32 s5, s19  }
0x9d: {  	s8 =	simm.s32 $0x0;
	s20 =	sshll.u32 s6, $0x1;
	s6 =	sadd.s32 s21, s4  }
0x9e: {  	[timem:s8], [sflag:s22] =	dma.local [hbm:s6], s20  }
0x9f: {  	_ =	swait.ge [sflag:s22], s20  }
0xa0: {  	s5 =	ssub.s32 $0x0, s20;
	[sflag:s22] =	ssyncset.done $0x0  }
0xa1: {  	[sflag:s22] =	ssyncadd.s32 s5;
	_ =	sdelay $0x1  }
0xa2: {  	s23 =	simm.s32 $0x1B8B  }
0xa3: {  	_ =	swait.ge [sflag:s23], $0x1  }
0xa4: {  	[sflag:s23] =	ssyncset.done $0x0  }
0xa5: {  	s25 =	simm.s32 $0x1B8E;
	s24 =	sld [smem:$0x3FFE];
	[sflag:s23] =	ssyncadd.s32 $0xFFFFFFFF  }
0xa6: {  	s26 =	simm.s32 $execute0_lowered;
	[smem:$0x3FD2] =	sst s25  }
0xa7: {  	s6 =	sshll.u32 s26, $0x1;
	_ =	strace $0x80000046;
	[dreg:$0x1] =	wrdreg $0xFFFFFFFF  }
0xa8: {  	s28 =	simm.s32 $_size_execute0_lowered;
	s4 =	sadd.s32 s4, s6;
	[dreg:$0x0] =	wrdreg $0x0  }
0xa9: {  	s6 =	sshll.u32 s28, $0x1;
	[dreg:$0x2] =	wrdreg s4  }
0xaa: {  	[dreg:$0x3] =	wrdreg s6  }
0xab: {  	[dreg:$0x4] =	wrdreg $0xC0  }
0xac: {  	_ =	task [dreg:s8], $0x5FFFF  }
0xad: {  	[dreg:$0x1] =	wrdreg $0xFFFFFFFF  }
0xae: {  	[dreg:$0x0] =	wrdreg $0x60  }
0xaf: {  	[dreg:$0x2] =	wrdreg s2  }
0xb0: {  	[dreg:$0x3] =	wrdreg s24  }
0xb1: {  	[dreg:$0x4] =	wrdreg s18  }
0xb2: {  	[dreg:$0x5] =	wrdreg $0x9  }
0xb3: {  	_ =	task.clear_ibuf [dreg:s8], $0x6FFFF;
	_ =	strace $0x90000046  }
0xb4: {  	s29 =	simm.s32 $0x9;
	_ =	strace $0x80000048  }
0xb5: {  	_ =	swait.ge [sflag:s29], $0x1  }
0xb6: {  	[sflag:s29] =	ssyncadd.s32 $0xFFFFFFFF  }
0xb7: {  	_ =	strace $0x90000048  }
0xb8: {  	_ =	sfence  }
0xb9: {  	s30 =	sld [smem:$0x0];
	_ =	sdelay $0x2  }
0xba: {  	s31 =	sshll.u32 s1, $0xD;
	s1 =	sshrl.u32 s1, $0x2  }
0xbb: {  	s3 =	sand.u32 $0x4000, s31;
	s1 =	sadd.s32 s1, s30  }
0xbc: {  	s0 =	sor.u32 s3, s0;
	s1 =	sshll.u32 s1, $0x11  }
0xbd: {  	s0 =	sor.u32 s1, s0  }
0xbe: {  	s0 =	sadd.s32 $0x8F2B, s0  }
0xbf: {  	[sflag:s0] =	ssyncadd.remote.s32 $0x1  }
0xc0: {  	_ =	sfence.sel $0xFFFF  }
0xc1: {  	[dreg:$0x0] =	wrdreg $0xFFFFFFFF;
	(pc) =	sbr.abs _section_cstart, $3  }
0xc2: {  	[dreg:$0x1] =	wrdreg $0xFFFFFFFF  }
0xc3: {  	_ =	task.clear_ibuf [dreg:s8], $0x2FFFF;
	_ =	strace $0x9FFFFFFF  }
0xc4: {  	(tm) =	ssettm $0x7FFFFFFF  }
0xc5: {  	_ =	shalt  }
tec
execute0_lowered:
.L_overlay_start_1:
0x0: {  	(tag) =	ssettag $0x1  }
0x1: {  	s4 =	rddreg [dreg:$0x0]  }
0x2: {  	s3 =	rddreg [dreg:$0x1]  }
0x3: {  	s5 =	rddreg [dreg:$0x2]  }
0x4: {  	s0 =	rddreg [dreg:$0x3]  }
0x5: {  	s2 =	simm.s32 $0x0;
	s6 =	srdreg.scid;
	s1 =	stileid.u32  }
0x6: {  	s11 =	simm.s32 $0x8000;
	s12 =	simm.s32 $0x9000;
	s13 =	simm.s32 $0x9180  }
0x7: {  	s14 =	simm.s32 $0x0;
	[smem:$0x7FF] =	sst s2;
	s6 =	sand.u32 $0x1, s6  }
0x8: {  	s7 =	sshll.u32 s1, $0x8;
	s8 =	sshll.u32 s1, $0x10;
	s3 =	sadd.s32 $0x200, s3  }
0x9: {  	s9 =	sshll.u32 s6, $0x7;
	s10 =	sand.u32 $0x300, s7;
	_ =	strace $0x80000047  }
0xa: {  	s8 =	sand.u32 $0xC0000, s8;
	s7 =	sand.u32 $0xC00, s7;
	s6 =	ssub.s32 $0x2, s6  }
0xb: {  	s9 =	sor.u32 s9, s10;
	s31 =	sshrl.u32 s6, $0x1;
	s10 =	simm.s32 $0x400  }
0xc: {  	v0 =	vlaneseq.u32;
	s8 =	sor.u32 s8, s9;
	s7 =	sor.u32 s7, s9;
	s6 =	ssub.s32 s6, s31  }
0xd: {  	v4 =	vmul.u32 $0xFFFFFFFF, v0;
	s9 =	simm.s32 $0x80;
	s8 =	sshrl.u32 s8, $0x3;
	s7 =	sshrl.u32 s7, $0x3  }
0xe: {  	v1 =	vimm.s32 $0x0;
	v3 =	vmul.u32 $0x10, v0;
	s6 =	smax.u32 s6, $0x1;
	s4 =	sadd.s32 s8, s4;
	s5 =	sadd.s32 s5, s7  }
0xf: {  	v2 =	vimm.s32 $0x1;
	v5 =	vimm.f32 $0.0e+00;
	v4 =	vadd.s32 $0xF, v4;
	s7 =	simm.s32 $0x9100;
	s8 =	simm.s32 $0x1;
	s4 =	sadd.s32 $0x60000, s4  }
.LBB2_1:
0x10: {  	[tilespmem:s7], [sflag:$0x1] =	stream.linear.gather [hbm4b:s3+s2], $0x80, $0x38;
	[tilespmem:$0x9200] =	vst v63  }
0x11: {  	_ =	swait.ge [sflag:s8], $0x80  }
0x12: {  	[sflag:s8] =	ssyncset.done $0x0  }
0x13: {  	[sflag:s8] =	ssyncadd.s32 $0xFFFFFF80  }
0x14: {  	v6 =	vld [tilespmem:$0x9100];
	[tilespmem:s2], [sflag:$0x1] =	stream.strided.gather [hbm4b:s4+s9], $0x8000, s10, s9, $0x38  }
0x15: {  	_ =	swait.ge [sflag:s8], $0x8000  }
0x16: {  	[sflag:s8] =	ssyncset.done $0x0  }
0x17: {  	s15 =	simm.s32 $0x40;
	s16 =	simm.s32 $0x0;
	[sflag:s8] =	ssyncadd.s32 $0xFFFF8000  }
.LBB2_2:
0x18: {  	p0 =	sne.s32 s15, $0x3FC0;
	[tilespmem:s16+$0x8000] =	vst v1;
	s16 =	smov.u32 s15;
	s15 =	sadd.s32 $0x40, s15  }
.Ltmp0:
0x19: {  	(pc) =	sbr.rel @p0 .LBB2_2-.Ltmp0, $2  }
0x1a: {  	_ =	sdelay $0x2  }
0x1b: {  	s16 =	sshra.s32 s16, $0x2  }
0x1c: {  	[tilespmem:s16+$0x8000] =	vst v1;
	s15 =	simm.s32 $0x0;
	s16 =	simm.s32 $0x0  }
.LBB2_4:
0x1d: {  	s17 =	sshra.s32 s16, $0x2  }
0x1e: {  	v7 =	vld [tilespmem:s17+$0x0];
	_ =	sdelay $0x4  }
0x1f: {  	v7 =	vshrl.u32 v7, $0x13  }
0x20: {  	v7 =	vand.u32 $0xFF0, v7  }
0x21: {  	v7 =	vor.u32 v0, v7;
	_ =	sdelay $0x4  }
0x22: {  	[tilespmem:v7+s11+$0x0] =	vst.idx.add.s32.msk $0xffff, v2  }
0x23: {  	v7 =	vld [tilespmem:s17+$0x10];
	_ =	sdelay $0x4  }
0x24: {  	v7 =	vshrl.u32 v7, $0x13  }
0x25: {  	v7 =	vand.u32 $0xFF0, v7  }
0x26: {  	v7 =	vor.u32 v0, v7;
	_ =	sdelay $0x4  }
0x27: {  	[tilespmem:v7+s11+$0x0] =	vst.idx.add.s32.msk $0xffff, v2  }
0x28: {  	v7 =	vld [tilespmem:s17+$0x20];
	_ =	sdelay $0x4  }
0x29: {  	v7 =	vshrl.u32 v7, $0x13  }
0x2a: {  	v7 =	vand.u32 $0xFF0, v7  }
0x2b: {  	v7 =	vor.u32 v0, v7;
	_ =	sdelay $0x4  }
0x2c: {  	[tilespmem:v7+s11+$0x0] =	vst.idx.add.s32.msk $0xffff, v2  }
0x2d: {  	v7 =	vld [tilespmem:s17+$0x30];
	_ =	sdelay $0x4  }
0x2e: {  	v7 =	vshrl.u32 v7, $0x13  }
0x2f: {  	v7 =	vand.u32 $0xFF0, v7  }
0x30: {  	v7 =	vor.u32 v0, v7;
	_ =	sdelay $0x4  }
0x31: {  	[tilespmem:v7+s11+$0x0] =	vst.idx.add.s32.msk $0xffff, v2  }
0x32: {  	v7 =	vld [tilespmem:s17+$0x40];
	_ =	sdelay $0x4  }
0x33: {  	v7 =	vshrl.u32 v7, $0x13  }
0x34: {  	v7 =	vand.u32 $0xFF0, v7  }
0x35: {  	v7 =	vor.u32 v0, v7;
	_ =	sdelay $0x4  }
0x36: {  	[tilespmem:v7+s11+$0x0] =	vst.idx.add.s32.msk $0xffff, v2  }
0x37: {  	v7 =	vld [tilespmem:s17+$0x50];
	_ =	sdelay $0x4  }
0x38: {  	v7 =	vshrl.u32 v7, $0x13  }
0x39: {  	v7 =	vand.u32 $0xFF0, v7  }
0x3a: {  	v7 =	vor.u32 v0, v7;
	_ =	sdelay $0x4  }
0x3b: {  	[tilespmem:v7+s11+$0x0] =	vst.idx.add.s32.msk $0xffff, v2  }
0x3c: {  	v7 =	vld [tilespmem:s17+$0x60];
	_ =	sdelay $0x4  }
0x3d: {  	v7 =	vshrl.u32 v7, $0x13  }
0x3e: {  	v7 =	vand.u32 $0xFF0, v7  }
0x3f: {  	v7 =	vor.u32 v0, v7;
	_ =	sdelay $0x4  }
0x40: {  	[tilespmem:v7+s11+$0x0] =	vst.idx.add.s32.msk $0xffff, v2  }
0x41: {  	v7 =	vld [tilespmem:s17+$0x70];
	_ =	sdelay $0x4  }
0x42: {  	v7 =	vshrl.u32 v7, $0x13  }
0x43: {  	v7 =	vand.u32 $0xFF0, v7  }
0x44: {  	p0 =	sne.s32 s16, $0x1FE00;
	v7 =	vor.u32 v0, v7  }
.Ltmp1:
0x45: {  	_ = 	snop;
	(pc) =	sbr.rel @p0 .LBB2_4-.Ltmp1, $2  }
0x46: {  	_ =	sdelay $0x2  }
0x47: {  	s16 =	sadd.s32 $0x200, s16;
	[tilespmem:v7+s11+$0x0] =	vst.idx.add.s32.msk $0xffff, v2  }
0x48: {  	v7 =	vmov s15  }
0x49: {  	v7 =	vshll.u32 v7, $0x4  }
0x4a: {  	v7 =	vor.u32 v3, v7  }
0x4b: {  	v8 =	vor.u32 $0x1, v7  }
0x4c: {  	v9 =	vor.u32 $0x2, v7  }
0x4d: {  	v10 =	vor.u32 $0x3, v7  }
0x4e: {  	v11 =	vor.u32 $0x4, v7  }
0x4f: {  	v12 =	vor.u32 $0x5, v7;
	v13 =	vld.idx.msk [tilespmem:v7+s11+$0x0], $0xffff  }
0x50: {  	v14 =	vor.u32 $0x6, v7;
	v8 =	vld.idx.msk [tilespmem:v8+s11+$0x0], $0xffff  }
0x51: {  	v15 =	vor.u32 $0x7, v7;
	v9 =	vld.idx.msk [tilespmem:v9+s11+$0x0], $0xffff  }
0x52: {  	v16 =	vor.u32 $0x8, v7;
	v10 =	vld.idx.msk [tilespmem:v10+s11+$0x0], $0xffff  }
0x53: {  	v17 =	vor.u32 $0x9, v7;
	v11 =	vld.idx.msk [tilespmem:v11+s11+$0x0], $0xffff  }
0x54: {  	v18 =	vor.u32 $0xA, v7;
	v12 =	vld.idx.msk [tilespmem:v12+s11+$0x0], $0xffff  }
0x55: {  	v19 =	vor.u32 $0xB, v7;
	v14 =	vld.idx.msk [tilespmem:v14+s11+$0x0], $0xffff;
	v8 =	vadd.s32 v13, v8  }
0x56: {  	v13 =	vld.idx.msk [tilespmem:v15+s11+$0x0], $0xffff;
	v15 =	vor.u32 $0xC, v7;
	v8 =	vadd.s32 v9, v8  }
0x57: {  	v57 =	vor.u32 $0xD, v7;
	v9 =	vld.idx.msk [tilespmem:v16+s11+$0x0], $0xffff;
	v8 =	vadd.s32 v10, v8  }
0x58: {  	v58 =	vor.u32 $0xE, v7;
	v10 =	vld.idx.msk [tilespmem:v17+s11+$0x0], $0xffff;
	v8 =	vadd.s32 v11, v8  }
0x59: {  	v7 =	vor.u32 $0xF, v7;
	v11 =	vld.idx.msk [tilespmem:v18+s11+$0x0], $0xffff;
	v8 =	vadd.s32 v12, v8  }
0x5a: {  	v12 =	vld.idx.msk [tilespmem:v19+s11+$0x0], $0xffff;
	v8 =	vadd.s32 v14, v8  }
0x5b: {  	v14 =	vld.idx.msk [tilespmem:v15+s11+$0x0], $0xffff;
	v8 =	vadd.s32 v13, v8  }
0x5c: {  	s31 =	simm.s32 $0x10;
	v13 =	vld.idx.msk [tilespmem:v57+s11+$0x0], $0xffff;
	v8 =	vadd.s32 v9, v8  }
0x5d: {  	v15 =	vmov s31;
	v9 =	vld.idx.msk [tilespmem:v58+s11+$0x0], $0xffff;
	v8 =	vadd.s32 v10, v8  }
0x5e: {  	v7 =	vld.idx.msk [tilespmem:v7+s11+$0x0], $0xffff;
	v10 =	vshll.u32 v15, $0x4;
	v8 =	vadd.s32 v11, v8  }
0x5f: {  	v10 =	vor.u32 v3, v10;
	v8 =	vadd.s32 v12, v8  }
0x60: {  	v11 =	vor.u32 $0x1, v10;
	v8 =	vadd.s32 v14, v8  }
0x61: {  	v8 =	vadd.s32 v13, v8  }
0x62: {  	v12 =	vor.u32 $0x2, v10;
	v8 =	vadd.s32 v9, v8  }
0x63: {  	s15 =	simm.s32 $0x9000;
	v9 =	vor.u32 $0x3, v10;
	v7 =	vadd.s32 v7, v8  }
0x64: {  	v8 =	vor.u32 $0x4, v10;
	[tilespmem:s15+$0x0] =	vst v7  }
0x65: {  	v7 =	vld.idx.msk [tilespmem:v11+s11+$0x0], $0xffff;
	v11 =	vor.u32 $0x5, v10  }
0x66: {  	v14 =	vor.u32 $0x6, v10;
	v13 =	vld.idx.msk [tilespmem:v10+s11+$0x0], $0xffff  }
0x67: {  	v15 =	vor.u32 $0x7, v10;
	v12 =	vld.idx.msk [tilespmem:v12+s11+$0x0], $0xffff  }
0x68: {  	v59 =	vor.u32 $0x8, v10;
	v9 =	vld.idx.msk [tilespmem:v9+s11+$0x0], $0xffff  }
0x69: {  	v60 =	vor.u32 $0x9, v10;
	v8 =	vld.idx.msk [tilespmem:v8+s11+$0x0], $0xffff  }
0x6a: {  	v61 =	vor.u32 $0xA, v10;
	v11 =	vld.idx.msk [tilespmem:v11+s11+$0x0], $0xffff  }
0x6b: {  	v62 =	vor.u32 $0xB, v10;
	v14 =	vld.idx.msk [tilespmem:v14+s11+$0x0], $0xffff;
	v7 =	vadd.s32 v13, v7  }
0x6c: {  	v13 =	vld.idx.msk [tilespmem:v15+s11+$0x0], $0xffff;
	v15 =	vor.u32 $0xC, v10;
	v7 =	vadd.s32 v12, v7  }
0x6d: {  	v63 =	vor.u32 $0xD, v10;
	v12 =	vld.idx.msk [tilespmem:v59+s11+$0x0], $0xffff;
	v7 =	vadd.s32 v9, v7  }
0x6e: {  	v20 =	vor.u32 $0xE, v10;
	v17 =	vld.idx.msk [tilespmem:v60+s11+$0x0], $0xffff;
	v7 =	vadd.s32 v8, v7  }
0x6f: {  	v21 =	vor.u32 $0xF, v10;
	v18 =	vld.idx.msk [tilespmem:v61+s11+$0x0], $0xffff;
	v8 =	vadd.s32 v11, v7  }
0x70: {  	v7 =	vld.idx.msk [tilespmem:v62+s11+$0x0], $0xffff;
	v9 =	vadd.s32 v14, v8  }
0x71: {  	v8 =	vld.idx.msk [tilespmem:v15+s11+$0x0], $0xffff;
	v10 =	vadd.s32 v13, v9  }
0x72: {  	s16 =	simm.s32 $0x20;
	v9 =	vld.idx.msk [tilespmem:v63+s11+$0x0], $0xffff;
	v11 =	vadd.s32 v12, v10  }
0x73: {  	v10 =	vld.idx.msk [tilespmem:v20+s11+$0x0], $0xffff;
	v12 =	vmov s16;
	v13 =	vadd.s32 v17, v11  }
0x74: {  	s16 =	simm.s32 $0x30;
	v11 =	vld.idx.msk [tilespmem:v21+s11+$0x0], $0xffff;
	v12 =	vshll.u32 v12, $0x4;
	v13 =	vadd.s32 v18, v13  }
.LBB2_6:
0x75: {  	p0 =	sne.s32 s16, $0xF0;
	v12 =	vor.u32 v3, v12;
	v7 =	vadd.s32 v7, v13  }
0x76: {  	v13 =	vor.u32 $0x1, v12;
	v7 =	vadd.s32 v8, v7  }
0x77: {  	v7 =	vadd.s32 v9, v7  }
0x78: {  	v8 =	vor.u32 $0x2, v12;
	v7 =	vadd.s32 v10, v7  }
0x79: {  	s15 =	sadd.s32 $0x10, s15;
	v9 =	vor.u32 $0x3, v12;
	v7 =	vadd.s32 v11, v7  }
0x7a: {  	v10 =	vor.u32 $0x4, v12;
	[tilespmem:s15+$0x0] =	vst v7  }
0x7b: {  	v11 =	vor.u32 $0x5, v12;
	v7 =	vld.idx.msk [tilespmem:v13+s11+$0x0], $0xffff  }
0x7c: {  	v14 =	vor.u32 $0x6, v12;
	v13 =	vld.idx.msk [tilespmem:v12+s11+$0x0], $0xffff  }
0x7d: {  	v15 =	vor.u32 $0x7, v12;
	v8 =	vld.idx.msk [tilespmem:v8+s11+$0x0], $0xffff  }
0x7e: {  	v16 =	vor.u32 $0x8, v12;
	v9 =	vld.idx.msk [tilespmem:v9+s11+$0x0], $0xffff  }
0x7f: {  	v17 =	vor.u32 $0x9, v12;
	v10 =	vld.idx.msk [tilespmem:v10+s11+$0x0], $0xffff  }
0x80: {  	v18 =	vor.u32 $0xA, v12;
	v11 =	vld.idx.msk [tilespmem:v11+s11+$0x0], $0xffff  }
0x81: {  	v19 =	vor.u32 $0xB, v12;
	v14 =	vld.idx.msk [tilespmem:v14+s11+$0x0], $0xffff  }
0x82: {  	v7 =	vadd.s32 v13, v7;
	v13 =	vld.idx.msk [tilespmem:v15+s11+$0x0], $0xffff;
	v15 =	vor.u32 $0xC, v12  }
0x83: {  	v20 =	vor.u32 $0xD, v12;
	v7 =	vadd.s32 v8, v7;
	v16 =	vld.idx.msk [tilespmem:v16+s11+$0x0], $0xffff  }
0x84: {  	v21 =	vor.u32 $0xE, v12;
	v7 =	vadd.s32 v9, v7;
	v17 =	vld.idx.msk [tilespmem:v17+s11+$0x0], $0xffff  }
0x85: {  	v12 =	vor.u32 $0xF, v12;
	v7 =	vadd.s32 v10, v7;
	v18 =	vld.idx.msk [tilespmem:v18+s11+$0x0], $0xffff  }
0x86: {  	v8 =	vadd.s32 v11, v7;
	v7 =	vld.idx.msk [tilespmem:v19+s11+$0x0], $0xffff  }
.Ltmp2:
0x87: {  	v9 =	vadd.s32 v14, v8;
	v8 =	vld.idx.msk [tilespmem:v15+s11+$0x0], $0xffff;
	(pc) =	sbr.rel @p0 .LBB2_6-.Ltmp2, $4  }
0x88: {  	v10 =	vadd.s32 v13, v9;
	v9 =	vld.idx.msk [tilespmem:v20+s11+$0x0], $0xffff  }
0x89: {  	v11 =	vadd.s32 v16, v10;
	v10 =	vld.idx.msk [tilespmem:v21+s11+$0x0], $0xffff  }
0x8a: {  	v13 =	vmov s16;
	v14 =	vadd.s32 v17, v11;
	v11 =	vld.idx.msk [tilespmem:v12+s11+$0x0], $0xffff  }
0x8b: {  	s16 =	sadd.s32 $0x10, s16;
	v12 =	vshll.u32 v13, $0x4;
	v13 =	vadd.s32 v18, v14  }
0x8c: {  	v12 =	vor.u32 v3, v12;
	v7 =	vadd.s32 v7, v13  }
0x8d: {  	v56 =	vor.u32 $0x1, v12;
	v7 =	vadd.s32 v8, v7  }
0x8e: {  	v7 =	vadd.s32 v9, v7  }
0x8f: {  	v8 =	vor.u32 $0x2, v12;
	v7 =	vadd.s32 v10, v7  }
0x90: {  	s15 =	sadd.s32 $0x10, s15;
	v9 =	vor.u32 $0x3, v12;
	v7 =	vadd.s32 v11, v7  }
0x91: {  	v10 =	vor.u32 $0x4, v12;
	[tilespmem:s15+$0x0] =	vst v7  }
0x92: {  	v11 =	vor.u32 $0x5, v12;
	v7 =	vld.idx.msk [tilespmem:v56+s11+$0x0], $0xffff  }
0x93: {  	v14 =	vor.u32 $0x6, v12;
	v57 =	vld.idx.msk [tilespmem:v12+s11+$0x0], $0xffff  }
0x94: {  	v15 =	vor.u32 $0x7, v12;
	v8 =	vld.idx.msk [tilespmem:v8+s11+$0x0], $0xffff  }
0x95: {  	v16 =	vor.u32 $0x8, v12;
	v9 =	vld.idx.msk [tilespmem:v9+s11+$0x0], $0xffff  }
0x96: {  	v17 =	vor.u32 $0x9, v12;
	v10 =	vld.idx.msk [tilespmem:v10+s11+$0x0], $0xffff  }
0x97: {  	v18 =	vor.u32 $0xA, v12;
	v11 =	vld.idx.msk [tilespmem:v11+s11+$0x0], $0xffff  }
0x98: {  	v19 =	vor.u32 $0xB, v12;
	v14 =	vld.idx.msk [tilespmem:v14+s11+$0x0], $0xffff;
	v7 =	vadd.s32 v57, v7  }
0x99: {  	v59 =	vor.u32 $0xC, v12;
	v58 =	vld.idx.msk [tilespmem:v15+s11+$0x0], $0xffff;
	v7 =	vadd.s32 v8, v7  }
0x9a: {  	v60 =	vor.u32 $0xD, v12;
	v8 =	vld.idx.msk [tilespmem:v16+s11+$0x0], $0xffff;
	v7 =	vadd.s32 v9, v7  }
0x9b: {  	v61 =	vor.u32 $0xE, v12;
	v9 =	vld.idx.msk [tilespmem:v17+s11+$0x0], $0xffff;
	v7 =	vadd.s32 v10, v7  }
0x9c: {  	v12 =	vor.u32 $0xF, v12;
	v10 =	vld.idx.msk [tilespmem:v18+s11+$0x0], $0xffff;
	v7 =	vadd.s32 v11, v7  }
0x9d: {  	v11 =	vld.idx.msk [tilespmem:v19+s11+$0x0], $0xffff;
	v7 =	vadd.s32 v14, v7  }
0x9e: {  	v62 =	vld.idx.msk [tilespmem:v59+s11+$0x0], $0xffff;
	v7 =	vadd.s32 v58, v7  }
0x9f: {  	v63 =	vld.idx.msk [tilespmem:v60+s11+$0x0], $0xffff;
	v7 =	vadd.s32 v8, v7  }
0xa0: {  	v8 =	vld.idx.msk [tilespmem:v61+s11+$0x0], $0xffff;
	v7 =	vadd.s32 v9, v7  }
0xa1: {  	v9 =	vld.idx.msk [tilespmem:v12+s11+$0x0], $0xffff;
	v7 =	vadd.s32 v10, v7  }
0xa2: {  	s16 =	simm.s32 $0x0;
	v7 =	vadd.s32 v11, v7  }
0xa3: {  	v10 =	vor.u32 s16, v3;
	v7 =	vadd.s32 v62, v7  }
0xa4: {  	v7 =	vadd.s32 v63, v7  }
0xa5: {  	v7 =	vadd.s32 v8, v7  }
0xa6: {  	s15 =	sadd.s32 $0x10, s15;
	v7 =	vadd.s32 v9, v7  }
0xa7: {  	[tilespmem:s15+$0x0] =	vst v7  }
0xa8: {  	v7 =	vimm.s32 $0x0;
	s15 =	simm.s32 $0x1;
	v8 =	vld.idx.msk [tilespmem:v10+s12+$0x0], $0xffff  }
.LBB2_8:
0xa9: {  	v9 =	vor.u32 s15, v3;
	p0 =	sne.s32 s15, $0xF;
	s15 =	sadd.s32 $0x1, s15  }
.Ltmp3:
0xaa: {  	(pc) =	sbr.rel @p0 .LBB2_8-.Ltmp3, $2  }
0xab: {  	_ =	sdelay $0x2  }
0xac: {  	v7 =	vadd.s32 v7, v8;
	v8 =	vld.idx.msk [tilespmem:v9+s12+$0x0], $0xffff  }
0xad: {  	_ =	sdelay $0x3  }
0xae: {  	v9 =	vadd.s32 v7, v8  }
0xaf: {  	v7 =	vperm.xlane v9, v4;
	_ =	sdelay $0x1  }
0xb0: {  	(xrf0) =	vadd.scan.msk.s32 $0xffff, v7;
	_ =	sdelay $0x5  }
0xb1: {  	v7, _, _ =	vpop (xrf0)  }
0xb2: {  	v10 =	vperm.xlane v7, v4;
	_ =	sdelay $0x1  }
0xb3: {  	vm0 =	vge.s32 v10, v6  }
0xb4: {  	v7 =	vmpcnt.ones.xlane vm0;
	_ =	sdelay $0x1  }
0xb5: {  	v11 =	vadd.s32 $0xFFFFFFFF, v7  }
0xb6: {  	v7 =	vshll.u32 v11, $0x4  }
0xb7: {  	v8 =	vor.u32 v0, v7;
	_ =	sdelay $0x4  }
0xb8: {  	v8 =	vld.idx.msk [tilespmem:v8+s12+$0x0], $0xffff;
	_ =	sdelay $0x4  }
0xb9: {  	v12 =	vperm.xlane v8, v4  }
0xba: {  	vm14 =	veq.s32 v11, v0  }
0xbb: {  	v10 =	vnsel vm14, $0x0, v10;
	(xrf0) =	vadd.scan.msk.s32 $0xffff, v12  }
0xbc: {  	v9 =	vnsel vm14, $0x0, v9;
	(xrf0) =	vadd.scan.msk.s32 $0xffff, v10  }
0xbd: {  	(xrf0) =	vadd.scan.msk.s32 $0xffff, v9;
	_ =	sdelay $0x3  }
0xbe: {  	v10, _, _ =	vpop (xrf0)  }
0xbf: {  	v9, _, _ =	vpop (xrf0)  }
0xc0: {  	v11, _, _ =	vpop (xrf0)  }
0xc1: {  	v9 =	vsub.s32 v9, v11  }
0xc2: {  	v10 =	vperm.xlane v10, v4;
	v11 =	vbroadcast v9, $0xF;
	_ =	sdelay $0x1  }
0xc3: {  	v11 =	vadd.s32 v10, v11  }
0xc4: {  	vm15 =	vge.s32 v11, v6  }
0xc5: {  	s15 =	simm.s32 $0x40;
	s16 =	simm.s32 $0x0;
	v11 =	vmpcnt.ones.xlane vm15  }
.LBB2_10:
0xc6: {  	p0 =	sne.s32 s15, $0x3FC0;
	[tilespmem:s16+$0x8000] =	vst v1;
	s16 =	smov.u32 s15;
	s15 =	sadd.s32 $0x40, s15  }
.Ltmp4:
0xc7: {  	(pc) =	sbr.rel @p0 .LBB2_10-.Ltmp4, $2  }
0xc8: {  	_ =	sdelay $0x2  }
0xc9: {  	s16 =	sshra.s32 s16, $0x2  }
0xca: {  	[tilespmem:s16+$0x8000] =	vst v1;
	s15 =	simm.s32 $0x0  }
0xcb: {  	v12 =	vld [tilespmem:s15+$0x0]  }
0xcc: {  	v13 =	vld [tilespmem:s15+$0x10]  }
0xcd: {  	v14 =	vld [tilespmem:s15+$0x20]  }
0xce: {  	v15 =	vld [tilespmem:s15+$0x30]  }
0xcf: {  	v16 =	vld [tilespmem:s15+$0x40]  }
0xd0: {  	v17 =	vld [tilespmem:s15+$0x60]  }
0xd1: {  	v23 =	vld [tilespmem:s15+$0x50];
	_ =	sdelay $0x1  }
0xd2: {  	v11 =	vadd.s32 $0xFFFFFFFF, v11  }
0xd3: {  	v7 =	vadd.s32 v7, v11;
	v19 =	vand.u32 $0x7FFFFFFF, v12  }
0xd4: {  	v20 =	vand.u32 $0x7FFFFFFF, v13;
	v24 =	vand.u32 $0x7FFFFFFF, v14;
	v25 =	vand.u32 $0x7FFFFFFF, v15  }
0xd5: {  	v12 =	vand.u32 $0x7FFFFFFF, v17;
	v28 =	vand.u32 $0x7FFFFFFF, v16;
	v16 =	vand.u32 $0x7FFFFFFF, v23  }
0xd6: {  	v14 =	vld [tilespmem:s15+$0x70];
	v21 =	vshrl.u32 v19, $0x17;
	v22 =	vshrl.u32 v20, $0x17;
	v26 =	vshrl.u32 v24, $0x17  }
0xd7: {  	v27 =	vshrl.u32 v25, $0x17;
	vm0 =	veq.s32 v21, v7;
	vm1 =	veq.s32 v22, v7  }
0xd8: {  	v13 =	vshrl.u32 v12, $0x17;
	vm0 =	vmor vm0, vm1;
	vm1 =	veq.s32 v26, v7  }
0xd9: {  	v18 =	vshrl.u32 v28, $0x17;
	vm2 =	veq.s32 v27, v7;
	vm0 =	vmor vm0, vm1  }
0xda: {  	v17 =	vshrl.u32 v16, $0x17;
	vm1 =	veq.s32 v18, v7;
	vm0 =	vmor vm0, vm2  }
0xdb: {  	v14 =	vand.u32 $0x7FFFFFFF, v14;
	vm0 =	vmor vm0, vm1;
	vm1 =	veq.s32 v17, v7  }
0xdc: {  	vm2 =	veq.s32 v13, v7;
	v15 =	vshrl.u32 v14, $0x17;
	vm0 =	vmor vm0, vm1  }
0xdd: {  	vm1 =	veq.s32 v15, v7;
	vm0 =	vmor vm0, vm2  }
0xde: {  	vm0 =	vmor vm0, vm1  }
0xdf: {  	v23 =	vsel vm0, $0x3F800000, v5  }
0xe0: {  	(xrf0) =	vmax.scan.msk.f32 $0xffff, v23;
	_ =	sdelay $0x5  }
0xe1: {  	v23, _, _ =	vpop (xrf0)  }
0xe2: {  	(v2sf) =	vpush v23, $0xF;
	_ =	sdelay $0xe  }
0xe3: {  	s31 =	spop (v2sf)  }
0xe4: {  	p1 =	sgt.f32 s31, $0.0e+00;
	_ =	sdelay $0x1  }
0xe5: {  	vm2 =	veq.s32 @p1 v21, v7;
	v19 =	vshrl.u32 @p1 v19, $0xB;
	v20 =	vshrl.u32 @p1 v20, $0xB  }
0xe6: {  	vm0 =	veq.s32 @p1 v26, v7;
	v21 =	vand.u32 @p1 $0xFF0, v19;
	v19 =	vlaneseq.u32 @p1  }
0xe7: {  	vm1 =	veq.s32 @p1 v27, v7;
	vm3 =	veq.s32 @p1 v22, v7;
	v23 =	vor.u32 @p1 v19, v21  }
0xe8: {  	v22 =	vshrl.u32 @p1 v25, $0xB;
	v24 =	vshrl.u32 @p1 v24, $0xB;
	v20 =	vand.u32 @p1 $0xFF0, v20  }
0xe9: {  	s17 =	simm.s32 $0x400;
	v22 =	vand.u32 @p1 $0xFF0, v22;
	v25 =	vand.u32 @p1 $0xFF0, v24;
	v21 =	vor.u32 @p1 v19, v20  }
0xea: {  	s16 =	simm.s32 $0x80;
	s15 =	simm.s32 $0x0;
	s18 =	simm.s32 @p1 $0x8000;
	v24 =	vshrl.u32 @p1 v28, $0xB;
	v20 =	vimm.s32 @p1 $0x1;
	v22 =	vor.u32 @p1 v19, v22  }
.LBB2_12:
0xeb: {  	vm4 =	veq.s32 @p1 v18, v7;
	v18 =	vor.u32 @p1 v19, v25;
	v16 =	vshrl.u32 @p1 v16, $0xB;
	s19 =	smov.u32 s17;
	s17 =	sadd.s32 $0x200, s17  }
0xec: {  	vm5 =	veq.s32 @p1 v17, v7;
	v17 =	vand.u32 @p1 $0xFF0, v24;
	p0 =	sne.s32 s17, $0x20000;
	[tilespmem:v23+s18+$0x0] =	vst.idx.add.s32.msk @p1 vm2, v20;
	v16 =	vand.u32 @p1 $0xFF0, v16  }
0xed: {  	v12 =	vshrl.u32 @p1 v12, $0xB;
	v17 =	vor.u32 @p1 v19, v17;
	v16 =	vor.u32 @p1 v19, v16  }
0xee: {  	vm2 =	veq.s32 @p1 v13, v7;
	v12 =	vand.u32 @p1 $0xFF0, v12;
	v13 =	vshrl.u32 @p1 v14, $0xB;
	[tilespmem:v21+s18+$0x0] =	vst.idx.add.s32.msk @p1 vm3, v20  }
0xef: {  	v12 =	vor.u32 @p1 v19, v12;
	v13 =	vand.u32 @p1 $0xFF0, v13;
	vm3 =	veq.s32 @p1 v15, v7  }
0xf0: {  	s19 =	sshra.s32 s19, $0x2;
	v13 =	vor.u32 @p1 v19, v13;
	[tilespmem:v18+s18+$0x0] =	vst.idx.add.s32.msk @p1 vm0, v20  }
0xf1: {  	[tilespmem:v22+s18+$0x0] =	vst.idx.add.s32.msk @p1 vm1, v20  }
0xf2: {  	[tilespmem:v17+s18+$0x0] =	vst.idx.add.s32.msk @p1 vm4, v20  }
0xf3: {  	[tilespmem:v16+s18+$0x0] =	vst.idx.add.s32.msk @p1 vm5, v20  }
0xf4: {  	[tilespmem:v12+s18+$0x0] =	vst.idx.add.s32.msk @p1 vm2, v20  }
0xf5: {  	[tilespmem:v13+s18+$0x0] =	vst.idx.add.s32.msk @p1 vm3, v20  }
0xf6: {  	v12 =	vld [tilespmem:s16+$0x0]  }
0xf7: {  	v13 =	vld [tilespmem:s16+$0x10]  }
0xf8: {  	v14 =	vld [tilespmem:s16+$0x20]  }
0xf9: {  	v15 =	vld [tilespmem:s16+$0x30]  }
0xfa: {  	v16 =	vld [tilespmem:s16+$0x40]  }
0xfb: {  	v17 =	vld [tilespmem:s16+$0x60]  }
0xfc: {  	v19 =	vand.u32 $0x7FFFFFFF, v12;
	v20 =	vand.u32 $0x7FFFFFFF, v13  }
0xfd: {  	v21 =	vshrl.u32 v19, $0x17;
	v22 =	vshrl.u32 v20, $0x17;
	v24 =	vand.u32 $0x7FFFFFFF, v14;
	v14 =	vld [tilespmem:s16+$0x50]  }
0xfe: {  	vm0 =	veq.s32 v21, v7;
	vm1 =	veq.s32 v22, v7;
	v25 =	vand.u32 $0x7FFFFFFF, v15  }
0xff: {  	v23 =	vshrl.u32 v24, $0x17;
	vm0 =	vmor vm0, vm1;
	v26 =	vshrl.u32 v25, $0x17;
	v15 =	vld [tilespmem:s16+$0x70];
	s16 =	smov.u32 s19  }
0x100: {  	vm1 =	veq.s32 v23, v7;
	vm2 =	veq.s32 v26, v7;
	v12 =	vand.u32 $0x7FFFFFFF, v17  }
0x101: {  	v27 =	vand.u32 $0x7FFFFFFF, v16;
	vm0 =	vmor vm0, vm1;
	v13 =	vshrl.u32 v12, $0x17  }
0x102: {  	v18 =	vshrl.u32 v27, $0x17;
	vm0 =	vmor vm0, vm2;
	v16 =	vand.u32 $0x7FFFFFFF, v14  }
0x103: {  	vm1 =	veq.s32 v18, v7;
	vm2 =	veq.s32 v13, v7;
	v17 =	vshrl.u32 v16, $0x17  }
0x104: {  	vm0 =	vmor vm0, vm1;
	vm1 =	veq.s32 v17, v7;
	v14 =	vand.u32 $0x7FFFFFFF, v15  }
0x105: {  	vm0 =	vmor vm0, vm1;
	v15 =	vshrl.u32 v14, $0x17  }
0x106: {  	vm0 =	vmor vm0, vm2;
	vm1 =	veq.s32 v15, v7  }
0x107: {  	vm0 =	vmor vm0, vm1  }
0x108: {  	v28 =	vsel vm0, $0x3F800000, v5  }
0x109: {  	(xrf0) =	vmax.scan.msk.f32 $0xffff, v28;
	_ =	sdelay $0x5  }
0x10a: {  	v28, _, _ =	vpop (xrf0)  }
0x10b: {  	(v2sf) =	vpush v28, $0xF;
	_ =	sdelay $0xe  }
0x10c: {  	s18 =	spop (v2sf)  }
0x10d: {  	p1 =	sgt.f32 s18, $0.0e+00;
	_ =	sdelay $0x1  }
0x10e: {  	vm2 =	veq.s32 @p1 v21, v7;
	v19 =	vshrl.u32 @p1 v19, $0xB;
	s18 =	simm.s32 @p1 $0x8000;
	v20 =	vshrl.u32 @p1 v20, $0xB  }
.Ltmp5:
0x10f: {  	v21 =	vand.u32 @p1 $0xFF0, v19;
	v19 =	vlaneseq.u32 @p1;
	v20 =	vand.u32 @p1 $0xFF0, v20;
	(pc) =	sbr.rel @p0 .LBB2_12-.Ltmp5, $4  }
0x110: {  	vm0 =	veq.s32 @p1 v23, v7;
	v23 =	vor.u32 @p1 v19, v21;
	v21 =	vor.u32 @p1 v19, v20  }
0x111: {  	vm1 =	veq.s32 @p1 v26, v7;
	vm3 =	veq.s32 @p1 v22, v7;
	v22 =	vshrl.u32 @p1 v25, $0xB  }
0x112: {  	v24 =	vshrl.u32 @p1 v24, $0xB;
	v22 =	vand.u32 @p1 $0xFF0, v22;
	v20 =	vimm.s32 @p1 $0x1  }
0x113: {  	v25 =	vand.u32 @p1 $0xFF0, v24;
	v24 =	vshrl.u32 @p1 v27, $0xB;
	v22 =	vor.u32 @p1 v19, v22  }
0x114: {  	_ =	sdelay $0x2  }
0x115: {  	vm4 =	veq.s32 @p1 v18, v7;
	v18 =	vor.u32 @p1 v19, v25;
	v16 =	vshrl.u32 @p1 v16, $0xB  }
0x116: {  	vm5 =	veq.s32 @p1 v17, v7;
	v17 =	vand.u32 @p1 $0xFF0, v24;
	v12 =	vshrl.u32 @p1 v12, $0xB  }
0x117: {  	[tilespmem:v23+s18+$0x0] =	vst.idx.add.s32.msk @p1 vm2, v20;
	vm2 =	veq.s32 @p1 v13, v7;
	v16 =	vand.u32 @p1 $0xFF0, v16;
	v17 =	vor.u32 @p1 v19, v17  }
0x118: {  	v13 =	vshrl.u32 @p1 v14, $0xB;
	v12 =	vand.u32 @p1 $0xFF0, v12;
	v16 =	vor.u32 @p1 v19, v16  }
0x119: {  	[tilespmem:v21+s18+$0x0] =	vst.idx.add.s32.msk @p1 vm3, v20;
	vm3 =	veq.s32 @p1 v15, v7;
	v13 =	vand.u32 @p1 $0xFF0, v13;
	v12 =	vor.u32 @p1 v19, v12  }
0x11a: {  	v13 =	vor.u32 @p1 v19, v13;
	[tilespmem:v18+s18+$0x0] =	vst.idx.add.s32.msk @p1 vm0, v20  }
0x11b: {  	[tilespmem:v22+s18+$0x0] =	vst.idx.add.s32.msk @p1 vm1, v20  }
0x11c: {  	[tilespmem:v17+s18+$0x0] =	vst.idx.add.s32.msk @p1 vm4, v20  }
0x11d: {  	[tilespmem:v16+s18+$0x0] =	vst.idx.add.s32.msk @p1 vm5, v20  }
0x11e: {  	[tilespmem:v12+s18+$0x0] =	vst.idx.add.s32.msk @p1 vm2, v20  }
0x11f: {  	[tilespmem:v13+s18+$0x0] =	vst.idx.add.s32.msk @p1 vm3, v20  }
0x120: {  	v12 =	vld [tilespmem:s16+$0x0]  }
0x121: {  	v13 =	vld [tilespmem:s16+$0x10]  }
0x122: {  	v14 =	vld [tilespmem:s16+$0x20]  }
0x123: {  	v15 =	vld [tilespmem:s16+$0x30]  }
0x124: {  	v16 =	vld [tilespmem:s16+$0x40]  }
0x125: {  	v17 =	vld [tilespmem:s16+$0x60]  }
0x126: {  	v20 =	vld [tilespmem:s16+$0x50]  }
0x127: {  	v23 =	vld [tilespmem:s16+$0x70];
	_ =	sdelay $0x1  }
0x128: {  	v12 =	vand.u32 $0x7FFFFFFF, v12  }
0x129: {  	v13 =	vand.u32 $0x7FFFFFFF, v13;
	v14 =	vand.u32 $0x7FFFFFFF, v14;
	v15 =	vand.u32 $0x7FFFFFFF, v15  }
0x12a: {  	v17 =	vand.u32 $0x7FFFFFFF, v17;
	v16 =	vand.u32 $0x7FFFFFFF, v16;
	v20 =	vand.u32 $0x7FFFFFFF, v20  }
0x12b: {  	v23 =	vand.u32 $0x7FFFFFFF, v23;
	v18 =	vshrl.u32 v12, $0x17;
	v19 =	vshrl.u32 v13, $0x17  }
0x12c: {  	v21 =	vshrl.u32 v14, $0x17;
	vm8 =	veq.s32 v18, v7;
	vm9 =	veq.s32 v19, v7  }
0x12d: {  	v22 =	vshrl.u32 v15, $0x17;
	vm10 =	veq.s32 v21, v7;
	vm0 =	vmor vm8, vm9  }
0x12e: {  	v25 =	vshrl.u32 v16, $0x17;
	vm11 =	veq.s32 v22, v7;
	vm0 =	vmor vm0, vm10  }
0x12f: {  	v26 =	vshrl.u32 v20, $0x17;
	vm12 =	veq.s32 v25, v7;
	vm0 =	vmor vm0, vm11  }
0x130: {  	v24 =	vshrl.u32 v17, $0x17;
	vm13 =	veq.s32 v26, v7;
	vm0 =	vmor vm0, vm12  }
0x131: {  	v27 =	vshrl.u32 v23, $0x17;
	vm14 =	veq.s32 v24, v7;
	vm0 =	vmor vm0, vm13  }
0x132: {  	vm15 =	veq.s32 v27, v7;
	vm0 =	vmor vm0, vm14  }
0x133: {  	vm0 =	vmor vm0, vm15  }
0x134: {  	v28 =	vsel vm0, $0x3F800000, v5  }
0x135: {  	(xrf0) =	vmax.scan.msk.f32 $0xffff, v28;
	_ =	sdelay $0x5  }
0x136: {  	v28, _, _ =	vpop (xrf0)  }
0x137: {  	(v2sf) =	vpush v28, $0xF;
	_ =	sdelay $0xe  }
0x138: {  	s29 =	spop (v2sf)  }
0x139: {  	p0 =	sgt.f32 s29, $0.0e+00;
	_ =	sdelay $0x1  }
0x13a: {  	v50 =	vmov s15;
	vm0 =	veq.s32 @p0 v18, v7  }
0x13b: {  	v12 =	vshrl.u32 @p0 v12, $0xB;
	v13 =	vshrl.u32 @p0 v13, $0xB;
	v18 =	vlaneseq.u32 @p0  }
0x13c: {  	vm1 =	veq.s32 @p0 v21, v7;
	vm2 =	veq.s32 @p0 v22, v7;
	v15 =	vshrl.u32 @p0 v15, $0xB  }
0x13d: {  	vm3 =	veq.s32 @p0 v19, v7;
	v14 =	vshrl.u32 @p0 v14, $0xB;
	v19 =	vimm.s32 @p0 $0x1  }
0x13e: {  	v16 =	vshrl.u32 @p0 v16, $0xB;
	vm4 =	veq.s32 @p0 v25, v7;
	v12 =	vand.u32 @p0 $0xFF0, v12  }
0x13f: {  	v20 =	vshrl.u32 @p0 v20, $0xB;
	v13 =	vand.u32 @p0 $0xFF0, v13;
	v12 =	vor.u32 @p0 v18, v12  }
0x140: {  	vm5 =	veq.s32 @p0 v26, v7;
	v14 =	vand.u32 @p0 $0xFF0, v14;
	v13 =	vor.u32 @p0 v18, v13  }
0x141: {  	v17 =	vshrl.u32 @p0 v17, $0xB;
	v15 =	vand.u32 @p0 $0xFF0, v15;
	v14 =	vor.u32 @p0 v18, v14  }
0x142: {  	vm6 =	veq.s32 @p0 v24, v7;
	v16 =	vand.u32 @p0 $0xFF0, v16;
	v15 =	vor.u32 @p0 v18, v15  }
0x143: {  	s16 =	simm.s32 @p0 $0x8000;
	v20 =	vand.u32 @p0 $0xFF0, v20;
	v17 =	vand.u32 @p0 $0xFF0, v17;
	v16 =	vor.u32 @p0 v18, v16  }
0x144: {  	v20 =	vor.u32 @p0 v18, v20;
	[tilespmem:v12+s16+$0x0] =	vst.idx.add.s32.msk @p0 vm0, v19;
	v12 =	vshrl.u32 @p0 v23, $0xB;
	vm0 =	veq.s32 @p0 v27, v7  }
0x145: {  	[tilespmem:v13+s16+$0x0] =	vst.idx.add.s32.msk @p0 vm3, v19;
	v13 =	vor.u32 @p0 v18, v17;
	v12 =	vand.u32 @p0 $0xFF0, v12;
	v17 =	vshll.u32 v50, $0x4  }
0x146: {  	[tilespmem:v14+s16+$0x0] =	vst.idx.add.s32.msk @p0 vm1, v19;
	v12 =	vor.u32 @p0 v18, v12;
	v14 =	vor.u32 v3, v17  }
0x147: {  	[tilespmem:v15+s16+$0x0] =	vst.idx.add.s32.msk @p0 vm2, v19;
	v15 =	vor.u32 $0x1, v14  }
0x148: {  	[tilespmem:v16+s16+$0x0] =	vst.idx.add.s32.msk @p0 vm4, v19  }
0x149: {  	v16 =	vor.u32 $0x2, v14;
	[tilespmem:v20+s16+$0x0] =	vst.idx.add.s32.msk @p0 vm5, v19  }
0x14a: {  	[tilespmem:v13+s16+$0x0] =	vst.idx.add.s32.msk @p0 vm6, v19;
	v13 =	vor.u32 $0x3, v14  }
0x14b: {  	[tilespmem:v12+s16+$0x0] =	vst.idx.add.s32.msk @p0 vm0, v19;
	v12 =	vor.u32 $0x4, v14  }
0x14c: {  	v17 =	vor.u32 $0x5, v14;
	v15 =	vld.idx.msk [tilespmem:v15+s11+$0x0], $0xffff  }
0x14d: {  	v19 =	vor.u32 $0x6, v14;
	v18 =	vld.idx.msk [tilespmem:v14+s11+$0x0], $0xffff  }
0x14e: {  	v20 =	vor.u32 $0x7, v14;
	v16 =	vld.idx.msk [tilespmem:v16+s11+$0x0], $0xffff  }
0x14f: {  	v51 =	vor.u32 $0x8, v14;
	v13 =	vld.idx.msk [tilespmem:v13+s11+$0x0], $0xffff  }
0x150: {  	v52 =	vor.u32 $0x9, v14;
	v12 =	vld.idx.msk [tilespmem:v12+s11+$0x0], $0xffff  }
0x151: {  	v53 =	vor.u32 $0xA, v14;
	v17 =	vld.idx.msk [tilespmem:v17+s11+$0x0], $0xffff  }
0x152: {  	v54 =	vor.u32 $0xB, v14;
	v19 =	vld.idx.msk [tilespmem:v19+s11+$0x0], $0xffff;
	v15 =	vadd.s32 v18, v15  }
0x153: {  	v18 =	vld.idx.msk [tilespmem:v20+s11+$0x0], $0xffff;
	v20 =	vor.u32 $0xC, v14;
	v15 =	vadd.s32 v16, v15  }
0x154: {  	v55 =	vor.u32 $0xD, v14;
	v16 =	vld.idx.msk [tilespmem:v51+s11+$0x0], $0xffff;
	v13 =	vadd.s32 v13, v15  }
0x155: {  	v56 =	vor.u32 $0xE, v14;
	v15 =	vld.idx.msk [tilespmem:v52+s11+$0x0], $0xffff;
	v12 =	vadd.s32 v12, v13  }
0x156: {  	v14 =	vor.u32 $0xF, v14;
	v13 =	vld.idx.msk [tilespmem:v53+s11+$0x0], $0xffff;
	v12 =	vadd.s32 v17, v12  }
0x157: {  	v17 =	vld.idx.msk [tilespmem:v54+s11+$0x0], $0xffff;
	v12 =	vadd.s32 v19, v12  }
0x158: {  	v19 =	vld.idx.msk [tilespmem:v20+s11+$0x0], $0xffff;
	v12 =	vadd.s32 v18, v12  }
0x159: {  	s30 =	simm.s32 $0x10;
	v18 =	vld.idx.msk [tilespmem:v55+s11+$0x0], $0xffff;
	v12 =	vadd.s32 v16, v12  }
0x15a: {  	v20 =	vmov s30;
	v16 =	vld.idx.msk [tilespmem:v56+s11+$0x0], $0xffff;
	v12 =	vadd.s32 v15, v12  }
0x15b: {  	v14 =	vld.idx.msk [tilespmem:v14+s11+$0x0], $0xffff;
	v15 =	vshll.u32 v20, $0x4;
	v12 =	vadd.s32 v13, v12  }
0x15c: {  	v13 =	vor.u32 v3, v15;
	v12 =	vadd.s32 v17, v12  }
0x15d: {  	v15 =	vor.u32 $0x1, v13;
	v12 =	vadd.s32 v19, v12  }
0x15e: {  	v12 =	vadd.s32 v18, v12  }
0x15f: {  	v17 =	vor.u32 $0x2, v13;
	v12 =	vadd.s32 v16, v12  }
0x160: {  	s15 =	simm.s32 $0x9000;
	v16 =	vor.u32 $0x3, v13;
	v12 =	vadd.s32 v14, v12  }
0x161: {  	v14 =	vor.u32 $0x4, v13;
	[tilespmem:s15+$0x0] =	vst v12  }
0x162: {  	v12 =	vld.idx.msk [tilespmem:v15+s11+$0x0], $0xffff;
	v15 =	vor.u32 $0x5, v13  }
0x163: {  	v19 =	vor.u32 $0x6, v13;
	v18 =	vld.idx.msk [tilespmem:v13+s11+$0x0], $0xffff  }
0x164: {  	v20 =	vor.u32 $0x7, v13;
	v17 =	vld.idx.msk [tilespmem:v17+s11+$0x0], $0xffff  }
0x165: {  	v57 =	vor.u32 $0x8, v13;
	v16 =	vld.idx.msk [tilespmem:v16+s11+$0x0], $0xffff  }
0x166: {  	v58 =	vor.u32 $0x9, v13;
	v14 =	vld.idx.msk [tilespmem:v14+s11+$0x0], $0xffff  }
0x167: {  	v59 =	vor.u32 $0xA, v13;
	v15 =	vld.idx.msk [tilespmem:v15+s11+$0x0], $0xffff  }
0x168: {  	v60 =	vor.u32 $0xB, v13;
	v19 =	vld.idx.msk [tilespmem:v19+s11+$0x0], $0xffff;
	v12 =	vadd.s32 v18, v12  }
0x169: {  	v18 =	vld.idx.msk [tilespmem:v20+s11+$0x0], $0xffff;
	v20 =	vor.u32 $0xC, v13;
	v12 =	vadd.s32 v17, v12  }
0x16a: {  	v61 =	vor.u32 $0xD, v13;
	v17 =	vld.idx.msk [tilespmem:v57+s11+$0x0], $0xffff;
	v12 =	vadd.s32 v16, v12  }
0x16b: {  	v62 =	vor.u32 $0xE, v13;
	v16 =	vld.idx.msk [tilespmem:v58+s11+$0x0], $0xffff;
	v12 =	vadd.s32 v14, v12  }
0x16c: {  	v63 =	vor.u32 $0xF, v13;
	v23 =	vld.idx.msk [tilespmem:v59+s11+$0x0], $0xffff;
	v13 =	vadd.s32 v15, v12  }
0x16d: {  	v12 =	vld.idx.msk [tilespmem:v60+s11+$0x0], $0xffff;
	v14 =	vadd.s32 v19, v13  }
0x16e: {  	v13 =	vld.idx.msk [tilespmem:v20+s11+$0x0], $0xffff;
	v15 =	vadd.s32 v18, v14  }
0x16f: {  	s31 =	simm.s32 $0x20;
	v14 =	vld.idx.msk [tilespmem:v61+s11+$0x0], $0xffff;
	v17 =	vadd.s32 v17, v15  }
0x170: {  	v18 =	vmov s31;
	v15 =	vld.idx.msk [tilespmem:v62+s11+$0x0], $0xffff;
	v19 =	vadd.s32 v16, v17  }
0x171: {  	s16 =	simm.s32 $0x30;
	v16 =	vld.idx.msk [tilespmem:v63+s11+$0x0], $0xffff;
	v17 =	vshll.u32 v18, $0x4;
	v18 =	vadd.s32 v23, v19  }
.LBB2_14:
0x172: {  	p0 =	sne.s32 s16, $0xF0;
	v17 =	vor.u32 v3, v17;
	v12 =	vadd.s32 v12, v18  }
0x173: {  	v18 =	vor.u32 $0x1, v17;
	v12 =	vadd.s32 v13, v12  }
0x174: {  	v12 =	vadd.s32 v14, v12  }
0x175: {  	v13 =	vor.u32 $0x2, v17;
	v12 =	vadd.s32 v15, v12  }
0x176: {  	s15 =	sadd.s32 $0x10, s15;
	v14 =	vor.u32 $0x3, v17;
	v12 =	vadd.s32 v16, v12  }
0x177: {  	v15 =	vor.u32 $0x4, v17;
	[tilespmem:s15+$0x0] =	vst v12  }
0x178: {  	v16 =	vor.u32 $0x5, v17;
	v12 =	vld.idx.msk [tilespmem:v18+s11+$0x0], $0xffff  }
0x179: {  	v19 =	vor.u32 $0x6, v17;
	v18 =	vld.idx.msk [tilespmem:v17+s11+$0x0], $0xffff  }
0x17a: {  	v20 =	vor.u32 $0x7, v17;
	v13 =	vld.idx.msk [tilespmem:v13+s11+$0x0], $0xffff  }
0x17b: {  	v21 =	vor.u32 $0x8, v17;
	v14 =	vld.idx.msk [tilespmem:v14+s11+$0x0], $0xffff  }
0x17c: {  	v22 =	vor.u32 $0x9, v17;
	v15 =	vld.idx.msk [tilespmem:v15+s11+$0x0], $0xffff  }
0x17d: {  	v23 =	vor.u32 $0xA, v17;
	v16 =	vld.idx.msk [tilespmem:v16+s11+$0x0], $0xffff  }
0x17e: {  	v24 =	vor.u32 $0xB, v17;
	v19 =	vld.idx.msk [tilespmem:v19+s11+$0x0], $0xffff  }
0x17f: {  	v12 =	vadd.s32 v18, v12;
	v18 =	vld.idx.msk [tilespmem:v20+s11+$0x0], $0xffff;
	v20 =	vor.u32 $0xC, v17  }
0x180: {  	v25 =	vor.u32 $0xD, v17;
	v12 =	vadd.s32 v13, v12;
	v21 =	vld.idx.msk [tilespmem:v21+s11+$0x0], $0xffff  }
0x181: {  	v26 =	vor.u32 $0xE, v17;
	v12 =	vadd.s32 v14, v12;
	v22 =	vld.idx.msk [tilespmem:v22+s11+$0x0], $0xffff  }
0x182: {  	v17 =	vor.u32 $0xF, v17;
	v12 =	vadd.s32 v15, v12;
	v23 =	vld.idx.msk [tilespmem:v23+s11+$0x0], $0xffff  }
0x183: {  	v13 =	vadd.s32 v16, v12;
	v12 =	vld.idx.msk [tilespmem:v24+s11+$0x0], $0xffff  }
.Ltmp6:
0x184: {  	v14 =	vadd.s32 v19, v13;
	v13 =	vld.idx.msk [tilespmem:v20+s11+$0x0], $0xffff;
	(pc) =	sbr.rel @p0 .LBB2_14-.Ltmp6, $4  }
0x185: {  	v15 =	vadd.s32 v18, v14;
	v14 =	vld.idx.msk [tilespmem:v25+s11+$0x0], $0xffff  }
0x186: {  	v16 =	vadd.s32 v21, v15;
	v15 =	vld.idx.msk [tilespmem:v26+s11+$0x0], $0xffff  }
0x187: {  	v18 =	vmov s16;
	v19 =	vadd.s32 v22, v16;
	v16 =	vld.idx.msk [tilespmem:v17+s11+$0x0], $0xffff  }
0x188: {  	s16 =	sadd.s32 $0x10, s16;
	v17 =	vshll.u32 v18, $0x4;
	v18 =	vadd.s32 v23, v19  }
0x189: {  	v17 =	vor.u32 v3, v17;
	v12 =	vadd.s32 v12, v18  }
0x18a: {  	v54 =	vor.u32 $0x1, v17;
	v12 =	vadd.s32 v13, v12  }
0x18b: {  	v12 =	vadd.s32 v14, v12  }
0x18c: {  	v13 =	vor.u32 $0x2, v17;
	v12 =	vadd.s32 v15, v12  }
0x18d: {  	s15 =	sadd.s32 $0x10, s15;
	v14 =	vor.u32 $0x3, v17;
	v12 =	vadd.s32 v16, v12  }
0x18e: {  	v15 =	vor.u32 $0x4, v17;
	[tilespmem:s15+$0x0] =	vst v12  }
0x18f: {  	v55 =	vor.u32 $0x5, v17;
	v12 =	vld.idx.msk [tilespmem:v54+s11+$0x0], $0xffff  }
0x190: {  	v19 =	vor.u32 $0x6, v17;
	v56 =	vld.idx.msk [tilespmem:v17+s11+$0x0], $0xffff  }
0x191: {  	v20 =	vor.u32 $0x7, v17;
	v13 =	vld.idx.msk [tilespmem:v13+s11+$0x0], $0xffff  }
0x192: {  	v21 =	vor.u32 $0x8, v17;
	v14 =	vld.idx.msk [tilespmem:v14+s11+$0x0], $0xffff  }
0x193: {  	v22 =	vor.u32 $0x9, v17;
	v15 =	vld.idx.msk [tilespmem:v15+s11+$0x0], $0xffff  }
0x194: {  	v23 =	vor.u32 $0xA, v17;
	v16 =	vld.idx.msk [tilespmem:v55+s11+$0x0], $0xffff  }
0x195: {  	v24 =	vor.u32 $0xB, v17;
	v19 =	vld.idx.msk [tilespmem:v19+s11+$0x0], $0xffff;
	v12 =	vadd.s32 v56, v12  }
0x196: {  	v58 =	vor.u32 $0xC, v17;
	v57 =	vld.idx.msk [tilespmem:v20+s11+$0x0], $0xffff;
	v12 =	vadd.s32 v13, v12  }
0x197: {  	v59 =	vor.u32 $0xD, v17;
	v13 =	vld.idx.msk [tilespmem:v21+s11+$0x0], $0xffff;
	v12 =	vadd.s32 v14, v12  }
0x198: {  	v60 =	vor.u32 $0xE, v17;
	v14 =	vld.idx.msk [tilespmem:v22+s11+$0x0], $0xffff;
	v12 =	vadd.s32 v15, v12  }
0x199: {  	v17 =	vor.u32 $0xF, v17;
	v15 =	vld.idx.msk [tilespmem:v23+s11+$0x0], $0xffff;
	v12 =	vadd.s32 v16, v12  }
0x19a: {  	v61 =	vld.idx.msk [tilespmem:v24+s11+$0x0], $0xffff;
	v12 =	vadd.s32 v19, v12  }
0x19b: {  	v62 =	vld.idx.msk [tilespmem:v58+s11+$0x0], $0xffff;
	v12 =	vadd.s32 v57, v12  }
0x19c: {  	v63 =	vld.idx.msk [tilespmem:v59+s11+$0x0], $0xffff;
	v12 =	vadd.s32 v13, v12  }
0x19d: {  	v13 =	vld.idx.msk [tilespmem:v60+s11+$0x0], $0xffff;
	v12 =	vadd.s32 v14, v12  }
0x19e: {  	v14 =	vld.idx.msk [tilespmem:v17+s11+$0x0], $0xffff;
	v12 =	vadd.s32 v15, v12  }
0x19f: {  	s16 =	simm.s32 $0x0;
	v12 =	vadd.s32 v61, v12  }
0x1a0: {  	v15 =	vor.u32 s16, v3;
	v12 =	vadd.s32 v62, v12  }
0x1a1: {  	v12 =	vadd.s32 v63, v12  }
0x1a2: {  	v12 =	vadd.s32 v13, v12  }
0x1a3: {  	s15 =	sadd.s32 $0x10, s15;
	v12 =	vadd.s32 v14, v12  }
0x1a4: {  	[tilespmem:s15+$0x0] =	vst v12  }
0x1a5: {  	v12 =	vimm.s32 $0x0;
	s15 =	simm.s32 $0x1;
	v13 =	vld.idx.msk [tilespmem:v15+s12+$0x0], $0xffff  }
.LBB2_16:
0x1a6: {  	v14 =	vor.u32 s15, v3;
	p0 =	sne.s32 s15, $0xF;
	s15 =	sadd.s32 $0x1, s15  }
.Ltmp7:
0x1a7: {  	(pc) =	sbr.rel @p0 .LBB2_16-.Ltmp7, $2  }
0x1a8: {  	_ =	sdelay $0x2  }
0x1a9: {  	v12 =	vadd.s32 v12, v13;
	v13 =	vld.idx.msk [tilespmem:v14+s12+$0x0], $0xffff  }
0x1aa: {  	_ = 	snop  }
0x1ab: {  	vm0 =	veq.s32 v11, v0  }
0x1ac: {  	v10 =	vnsel vm0, $0x0, v10  }
0x1ad: {  	(xrf0) =	vadd.scan.msk.s32 $0xffff, v10  }
0x1ae: {  	v11 =	vadd.s32 v12, v13  }
0x1af: {  	v8 =	vnsel vm0, $0x0, v8;
	v10 =	vperm.xlane v11, v4  }
0x1b0: {  	(xrf0) =	vadd.scan.msk.s32 $0xffff, v8  }
0x1b1: {  	(xrf0) =	vadd.scan.msk.s32 $0xffff, v10;
	_ =	sdelay $0x1  }
0x1b2: {  	v8, _, _ =	vpop (xrf0)  }
0x1b3: {  	v8 =	vadd.s32 v9, v8;
	_ =	sdelay $0x1  }
0x1b4: {  	v9, _, _ =	vpop (xrf0)  }
0x1b5: {  	v9 =	vsub.s32 v8, v9;
	v8, _, _ =	vpop (xrf0)  }
0x1b6: {  	v10 =	vbroadcast v9, $0xF;
	v13 =	vperm.xlane v8, v4;
	_ =	sdelay $0x1  }
0x1b7: {  	v8 =	vadd.s32 v10, v13  }
0x1b8: {  	vm13 =	vge.s32 v8, v6  }
0x1b9: {  	v8 =	vmpcnt.ones.xlane vm13;
	_ =	sdelay $0x1  }
0x1ba: {  	v10 =	vadd.s32 $0xFFFFFFFF, v8  }
0x1bb: {  	v12 =	vshll.u32 v10, $0x4  }
0x1bc: {  	v8 =	vor.u32 v0, v12;
	_ =	sdelay $0x4  }
0x1bd: {  	v8 =	vld.idx.msk [tilespmem:v8+s12+$0x0], $0xffff;
	_ =	sdelay $0x4  }
0x1be: {  	v14 =	vperm.xlane v8, v4  }
0x1bf: {  	vm14 =	veq.s32 v10, v0  }
0x1c0: {  	v10 =	vnsel vm14, $0x0, v13;
	(xrf0) =	vadd.scan.msk.s32 $0xffff, v14  }
0x1c1: {  	(xrf0) =	vadd.scan.msk.s32 $0xffff, v10;
	v10 =	vnsel vm14, $0x0, v11  }
0x1c2: {  	(xrf0) =	vadd.scan.msk.s32 $0xffff, v10;
	_ =	sdelay $0x3  }
0x1c3: {  	v10, _, _ =	vpop (xrf0)  }
0x1c4: {  	v11, _, _ =	vpop (xrf0)  }
0x1c5: {  	v9 =	vadd.s32 v9, v11;
	v11, _, _ =	vpop (xrf0)  }
0x1c6: {  	v9 =	vsub.s32 v9, v11  }
0x1c7: {  	v10 =	vperm.xlane v10, v4;
	v11 =	vbroadcast v9, $0xF;
	_ =	sdelay $0x1  }
0x1c8: {  	v11 =	vadd.s32 v10, v11  }
0x1c9: {  	vm15 =	vge.s32 v11, v6  }
0x1ca: {  	s15 =	simm.s32 $0x40;
	s16 =	simm.s32 $0x0;
	v11 =	vmpcnt.ones.xlane vm15  }
.LBB2_18:
0x1cb: {  	p0 =	sne.s32 s15, $0x3FC0;
	[tilespmem:s16+$0x8000] =	vst v1;
	s16 =	smov.u32 s15;
	s15 =	sadd.s32 $0x40, s15  }
.Ltmp8:
0x1cc: {  	(pc) =	sbr.rel @p0 .LBB2_18-.Ltmp8, $2  }
0x1cd: {  	_ =	sdelay $0x2  }
0x1ce: {  	s16 =	sshra.s32 s16, $0x2  }
0x1cf: {  	[tilespmem:s16+$0x8000] =	vst v1;
	s15 =	simm.s32 $0x0  }
0x1d0: {  	v13 =	vld [tilespmem:s15+$0x0]  }
0x1d1: {  	v14 =	vld [tilespmem:s15+$0x10]  }
0x1d2: {  	v15 =	vld [tilespmem:s15+$0x20]  }
0x1d3: {  	v16 =	vld [tilespmem:s15+$0x30]  }
0x1d4: {  	v17 =	vld [tilespmem:s15+$0x40]  }
0x1d5: {  	v18 =	vld [tilespmem:s15+$0x60]  }
0x1d6: {  	v11 =	vadd.s32 $0xFFFFFFFF, v11  }
0x1d7: {  	v7 =	vshll.u32 v7, $0x8;
	v12 =	vadd.s32 v12, v11  }
0x1d8: {  	v7 =	vor.u32 v7, v12;
	v19 =	vand.u32 $0x7FFFFFFF, v13  }
0x1d9: {  	v20 =	vand.u32 $0x7FFFFFFF, v14;
	v14 =	vld [tilespmem:s15+$0x50];
	v24 =	vand.u32 $0x7FFFFFFF, v15;
	v25 =	vand.u32 $0x7FFFFFFF, v16  }
0x1da: {  	v12 =	vand.u32 $0x7FFFFFFF, v18;
	v27 =	vand.u32 $0x7FFFFFFF, v17;
	v21 =	vshrl.u32 v19, $0xF  }
0x1db: {  	v15 =	vld [tilespmem:s15+$0x70];
	v22 =	vshrl.u32 v20, $0xF;
	v23 =	vshrl.u32 v24, $0xF;
	v26 =	vshrl.u32 v25, $0xF  }
0x1dc: {  	v13 =	vshrl.u32 v12, $0xF;
	vm0 =	veq.s32 v21, v7;
	vm1 =	veq.s32 v22, v7  }
0x1dd: {  	v18 =	vshrl.u32 v27, $0xF;
	vm0 =	vmor vm0, vm1;
	vm1 =	veq.s32 v23, v7  }
0x1de: {  	vm2 =	veq.s32 v26, v7;
	vm0 =	vmor vm0, vm1;
	v16 =	vand.u32 $0x7FFFFFFF, v14  }
0x1df: {  	vm1 =	veq.s32 v18, v7;
	vm0 =	vmor vm0, vm2;
	v17 =	vshrl.u32 v16, $0xF  }
0x1e0: {  	v14 =	vand.u32 $0x7FFFFFFF, v15;
	vm0 =	vmor vm0, vm1;
	vm1 =	veq.s32 v17, v7  }
0x1e1: {  	vm2 =	veq.s32 v13, v7;
	v15 =	vshrl.u32 v14, $0xF;
	vm0 =	vmor vm0, vm1  }
0x1e2: {  	vm1 =	veq.s32 v15, v7;
	vm0 =	vmor vm0, vm2  }
0x1e3: {  	vm0 =	vmor vm0, vm1  }
0x1e4: {  	v28 =	vsel vm0, $0x3F800000, v5  }
0x1e5: {  	(xrf0) =	vmax.scan.msk.f32 $0xffff, v28;
	_ =	sdelay $0x5  }
0x1e6: {  	v28, _, _ =	vpop (xrf0)  }
0x1e7: {  	(v2sf) =	vpush v28, $0xF;
	_ =	sdelay $0xe  }
0x1e8: {  	s31 =	spop (v2sf)  }
0x1e9: {  	p1 =	sgt.f32 s31, $0.0e+00;
	_ =	sdelay $0x1  }
0x1ea: {  	vm2 =	veq.s32 @p1 v21, v7;
	v19 =	vshrl.u32 @p1 v19, $0x3;
	v20 =	vshrl.u32 @p1 v20, $0x3  }
0x1eb: {  	vm0 =	veq.s32 @p1 v23, v7;
	v21 =	vand.u32 @p1 $0xFF0, v19;
	v19 =	vlaneseq.u32 @p1  }
0x1ec: {  	vm1 =	veq.s32 @p1 v26, v7;
	vm3 =	veq.s32 @p1 v22, v7;
	v23 =	vor.u32 @p1 v19, v21  }
0x1ed: {  	v22 =	vshrl.u32 @p1 v25, $0x3;
	v24 =	vshrl.u32 @p1 v24, $0x3;
	v20 =	vand.u32 @p1 $0xFF0, v20  }
0x1ee: {  	s17 =	simm.s32 $0x400;
	v22 =	vand.u32 @p1 $0xFF0, v22;
	v25 =	vand.u32 @p1 $0xFF0, v24;
	v21 =	vor.u32 @p1 v19, v20  }
0x1ef: {  	s16 =	simm.s32 $0x80;
	s15 =	simm.s32 $0x0;
	s18 =	simm.s32 @p1 $0x8000;
	v24 =	vshrl.u32 @p1 v27, $0x3;
	v20 =	vimm.s32 @p1 $0x1;
	v22 =	vor.u32 @p1 v19, v22  }
.LBB2_20:
0x1f0: {  	vm4 =	veq.s32 @p1 v18, v7;
	v18 =	vor.u32 @p1 v19, v25;
	v16 =	vshrl.u32 @p1 v16, $0x3;
	s19 =	smov.u32 s17;
	s17 =	sadd.s32 $0x200, s17  }
0x1f1: {  	vm5 =	veq.s32 @p1 v17, v7;
	v17 =	vand.u32 @p1 $0xFF0, v24;
	p0 =	sne.s32 s17, $0x20000;
	[tilespmem:v23+s18+$0x0] =	vst.idx.add.s32.msk @p1 vm2, v20;
	v16 =	vand.u32 @p1 $0xFF0, v16  }
0x1f2: {  	v12 =	vshrl.u32 @p1 v12, $0x3;
	v17 =	vor.u32 @p1 v19, v17;
	v16 =	vor.u32 @p1 v19, v16  }
0x1f3: {  	vm2 =	veq.s32 @p1 v13, v7;
	v12 =	vand.u32 @p1 $0xFF0, v12;
	v13 =	vshrl.u32 @p1 v14, $0x3;
	[tilespmem:v21+s18+$0x0] =	vst.idx.add.s32.msk @p1 vm3, v20  }
0x1f4: {  	v12 =	vor.u32 @p1 v19, v12;
	v13 =	vand.u32 @p1 $0xFF0, v13;
	vm3 =	veq.s32 @p1 v15, v7  }
0x1f5: {  	s19 =	sshra.s32 s19, $0x2;
	v13 =	vor.u32 @p1 v19, v13;
	[tilespmem:v18+s18+$0x0] =	vst.idx.add.s32.msk @p1 vm0, v20  }
0x1f6: {  	[tilespmem:v22+s18+$0x0] =	vst.idx.add.s32.msk @p1 vm1, v20  }
0x1f7: {  	[tilespmem:v17+s18+$0x0] =	vst.idx.add.s32.msk @p1 vm4, v20  }
0x1f8: {  	[tilespmem:v16+s18+$0x0] =	vst.idx.add.s32.msk @p1 vm5, v20  }
0x1f9: {  	[tilespmem:v12+s18+$0x0] =	vst.idx.add.s32.msk @p1 vm2, v20  }
0x1fa: {  	[tilespmem:v13+s18+$0x0] =	vst.idx.add.s32.msk @p1 vm3, v20  }
0x1fb: {  	v12 =	vld [tilespmem:s16+$0x0]  }
0x1fc: {  	v13 =	vld [tilespmem:s16+$0x10]  }
0x1fd: {  	v14 =	vld [tilespmem:s16+$0x20]  }
0x1fe: {  	v15 =	vld [tilespmem:s16+$0x30]  }
0x1ff: {  	v16 =	vld [tilespmem:s16+$0x40]  }
0x200: {  	v17 =	vld [tilespmem:s16+$0x60]  }
0x201: {  	v19 =	vand.u32 $0x7FFFFFFF, v12;
	v20 =	vand.u32 $0x7FFFFFFF, v13  }
0x202: {  	v21 =	vshrl.u32 v19, $0xF;
	v22 =	vshrl.u32 v20, $0xF;
	v24 =	vand.u32 $0x7FFFFFFF, v14;
	v14 =	vld [tilespmem:s16+$0x50]  }
0x203: {  	vm0 =	veq.s32 v21, v7;
	vm1 =	veq.s32 v22, v7;
	v25 =	vand.u32 $0x7FFFFFFF, v15  }
0x204: {  	v23 =	vshrl.u32 v24, $0xF;
	vm0 =	vmor vm0, vm1;
	v26 =	vshrl.u32 v25, $0xF;
	v15 =	vld [tilespmem:s16+$0x70];
	s16 =	smov.u32 s19  }
0x205: {  	vm1 =	veq.s32 v23, v7;
	vm2 =	veq.s32 v26, v7;
	v12 =	vand.u32 $0x7FFFFFFF, v17  }
0x206: {  	v27 =	vand.u32 $0x7FFFFFFF, v16;
	vm0 =	vmor vm0, vm1;
	v13 =	vshrl.u32 v12, $0xF  }
0x207: {  	v18 =	vshrl.u32 v27, $0xF;
	vm0 =	vmor vm0, vm2;
	v16 =	vand.u32 $0x7FFFFFFF, v14  }
0x208: {  	vm1 =	veq.s32 v18, v7;
	vm2 =	veq.s32 v13, v7;
	v17 =	vshrl.u32 v16, $0xF  }
0x209: {  	vm0 =	vmor vm0, vm1;
	vm1 =	veq.s32 v17, v7;
	v14 =	vand.u32 $0x7FFFFFFF, v15  }
0x20a: {  	vm0 =	vmor vm0, vm1;
	v15 =	vshrl.u32 v14, $0xF  }
0x20b: {  	vm0 =	vmor vm0, vm2;
	vm1 =	veq.s32 v15, v7  }
0x20c: {  	vm0 =	vmor vm0, vm1  }
0x20d: {  	v28 =	vsel vm0, $0x3F800000, v5  }
0x20e: {  	(xrf0) =	vmax.scan.msk.f32 $0xffff, v28;
	_ =	sdelay $0x5  }
0x20f: {  	v28, _, _ =	vpop (xrf0)  }
0x210: {  	(v2sf) =	vpush v28, $0xF;
	_ =	sdelay $0xe  }
0x211: {  	s18 =	spop (v2sf)  }
0x212: {  	p1 =	sgt.f32 s18, $0.0e+00;
	_ =	sdelay $0x1  }
0x213: {  	vm2 =	veq.s32 @p1 v21, v7;
	v19 =	vshrl.u32 @p1 v19, $0x3;
	s18 =	simm.s32 @p1 $0x8000;
	v20 =	vshrl.u32 @p1 v20, $0x3  }
.Ltmp9:
0x214: {  	v21 =	vand.u32 @p1 $0xFF0, v19;
	v19 =	vlaneseq.u32 @p1;
	v20 =	vand.u32 @p1 $0xFF0, v20;
	(pc) =	sbr.rel @p0 .LBB2_20-.Ltmp9, $4  }
0x215: {  	vm0 =	veq.s32 @p1 v23, v7;
	v23 =	vor.u32 @p1 v19, v21;
	v21 =	vor.u32 @p1 v19, v20  }
0x216: {  	vm1 =	veq.s32 @p1 v26, v7;
	vm3 =	veq.s32 @p1 v22, v7;
	v22 =	vshrl.u32 @p1 v25, $0x3  }
0x217: {  	v24 =	vshrl.u32 @p1 v24, $0x3;
	v22 =	vand.u32 @p1 $0xFF0, v22;
	v20 =	vimm.s32 @p1 $0x1  }
0x218: {  	v25 =	vand.u32 @p1 $0xFF0, v24;
	v24 =	vshrl.u32 @p1 v27, $0x3;
	v22 =	vor.u32 @p1 v19, v22  }
0x219: {  	_ =	sdelay $0x2  }
0x21a: {  	vm4 =	veq.s32 @p1 v18, v7;
	v18 =	vor.u32 @p1 v19, v25;
	v16 =	vshrl.u32 @p1 v16, $0x3  }
0x21b: {  	vm5 =	veq.s32 @p1 v17, v7;
	v17 =	vand.u32 @p1 $0xFF0, v24;
	v12 =	vshrl.u32 @p1 v12, $0x3  }
0x21c: {  	[tilespmem:v23+s18+$0x0] =	vst.idx.add.s32.msk @p1 vm2, v20;
	vm2 =	veq.s32 @p1 v13, v7;
	v16 =	vand.u32 @p1 $0xFF0, v16;
	v17 =	vor.u32 @p1 v19, v17  }
0x21d: {  	v13 =	vshrl.u32 @p1 v14, $0x3;
	v12 =	vand.u32 @p1 $0xFF0, v12;
	v16 =	vor.u32 @p1 v19, v16  }
0x21e: {  	[tilespmem:v21+s18+$0x0] =	vst.idx.add.s32.msk @p1 vm3, v20;
	vm3 =	veq.s32 @p1 v15, v7;
	v13 =	vand.u32 @p1 $0xFF0, v13;
	v12 =	vor.u32 @p1 v19, v12  }
0x21f: {  	v13 =	vor.u32 @p1 v19, v13;
	[tilespmem:v18+s18+$0x0] =	vst.idx.add.s32.msk @p1 vm0, v20  }
0x220: {  	[tilespmem:v22+s18+$0x0] =	vst.idx.add.s32.msk @p1 vm1, v20  }
0x221: {  	[tilespmem:v17+s18+$0x0] =	vst.idx.add.s32.msk @p1 vm4, v20  }
0x222: {  	[tilespmem:v16+s18+$0x0] =	vst.idx.add.s32.msk @p1 vm5, v20  }
0x223: {  	[tilespmem:v12+s18+$0x0] =	vst.idx.add.s32.msk @p1 vm2, v20  }
0x224: {  	[tilespmem:v13+s18+$0x0] =	vst.idx.add.s32.msk @p1 vm3, v20  }
0x225: {  	v12 =	vld [tilespmem:s16+$0x0]  }
0x226: {  	v13 =	vld [tilespmem:s16+$0x10]  }
0x227: {  	v14 =	vld [tilespmem:s16+$0x20]  }
0x228: {  	v15 =	vld [tilespmem:s16+$0x30]  }
0x229: {  	v16 =	vld [tilespmem:s16+$0x40]  }
0x22a: {  	v17 =	vld [tilespmem:s16+$0x60]  }
0x22b: {  	v20 =	vld [tilespmem:s16+$0x50]  }
0x22c: {  	v23 =	vld [tilespmem:s16+$0x70];
	_ =	sdelay $0x1  }
0x22d: {  	v12 =	vand.u32 $0x7FFFFFFF, v12  }
0x22e: {  	v13 =	vand.u32 $0x7FFFFFFF, v13;
	v14 =	vand.u32 $0x7FFFFFFF, v14;
	v15 =	vand.u32 $0x7FFFFFFF, v15  }
0x22f: {  	v17 =	vand.u32 $0x7FFFFFFF, v17;
	v16 =	vand.u32 $0x7FFFFFFF, v16;
	v20 =	vand.u32 $0x7FFFFFFF, v20  }
0x230: {  	v23 =	vand.u32 $0x7FFFFFFF, v23;
	v18 =	vshrl.u32 v12, $0xF;
	v19 =	vshrl.u32 v13, $0xF  }
0x231: {  	v21 =	vshrl.u32 v14, $0xF;
	vm8 =	veq.s32 v18, v7;
	vm9 =	veq.s32 v19, v7  }
0x232: {  	v22 =	vshrl.u32 v15, $0xF;
	vm10 =	veq.s32 v21, v7;
	vm0 =	vmor vm8, vm9  }
0x233: {  	v25 =	vshrl.u32 v16, $0xF;
	vm11 =	veq.s32 v22, v7;
	vm0 =	vmor vm0, vm10  }
0x234: {  	v26 =	vshrl.u32 v20, $0xF;
	vm12 =	veq.s32 v25, v7;
	vm0 =	vmor vm0, vm11  }
0x235: {  	v24 =	vshrl.u32 v17, $0xF;
	vm13 =	veq.s32 v26, v7;
	vm0 =	vmor vm0, vm12  }
0x236: {  	v27 =	vshrl.u32 v23, $0xF;
	vm14 =	veq.s32 v24, v7;
	vm0 =	vmor vm0, vm13  }
0x237: {  	vm15 =	veq.s32 v27, v7;
	vm0 =	vmor vm0, vm14  }
0x238: {  	vm0 =	vmor vm0, vm15  }
0x239: {  	v28 =	vsel vm0, $0x3F800000, v5  }
0x23a: {  	(xrf0) =	vmax.scan.msk.f32 $0xffff, v28;
	_ =	sdelay $0x5  }
0x23b: {  	v28, _, _ =	vpop (xrf0)  }
0x23c: {  	(v2sf) =	vpush v28, $0xF;
	_ =	sdelay $0xe  }
0x23d: {  	s29 =	spop (v2sf)  }
0x23e: {  	p0 =	sgt.f32 s29, $0.0e+00;
	_ =	sdelay $0x1  }
0x23f: {  	v50 =	vmov s15;
	vm0 =	veq.s32 @p0 v18, v7  }
0x240: {  	v12 =	vshrl.u32 @p0 v12, $0x3;
	v13 =	vshrl.u32 @p0 v13, $0x3;
	v18 =	vlaneseq.u32 @p0  }
0x241: {  	vm1 =	veq.s32 @p0 v21, v7;
	vm2 =	veq.s32 @p0 v22, v7;
	v15 =	vshrl.u32 @p0 v15, $0x3  }
0x242: {  	vm3 =	veq.s32 @p0 v19, v7;
	v14 =	vshrl.u32 @p0 v14, $0x3;
	v19 =	vimm.s32 @p0 $0x1  }
0x243: {  	v16 =	vshrl.u32 @p0 v16, $0x3;
	vm4 =	veq.s32 @p0 v25, v7;
	v12 =	vand.u32 @p0 $0xFF0, v12  }
0x244: {  	v20 =	vshrl.u32 @p0 v20, $0x3;
	v13 =	vand.u32 @p0 $0xFF0, v13;
	v12 =	vor.u32 @p0 v18, v12  }
0x245: {  	vm5 =	veq.s32 @p0 v26, v7;
	v14 =	vand.u32 @p0 $0xFF0, v14;
	v13 =	vor.u32 @p0 v18, v13  }
0x246: {  	v17 =	vshrl.u32 @p0 v17, $0x3;
	v15 =	vand.u32 @p0 $0xFF0, v15;
	v14 =	vor.u32 @p0 v18, v14  }
0x247: {  	vm6 =	veq.s32 @p0 v24, v7;
	v16 =	vand.u32 @p0 $0xFF0, v16;
	v15 =	vor.u32 @p0 v18, v15  }
0x248: {  	s16 =	simm.s32 @p0 $0x8000;
	v20 =	vand.u32 @p0 $0xFF0, v20;
	v17 =	vand.u32 @p0 $0xFF0, v17;
	v16 =	vor.u32 @p0 v18, v16  }
0x249: {  	v20 =	vor.u32 @p0 v18, v20;
	[tilespmem:v12+s16+$0x0] =	vst.idx.add.s32.msk @p0 vm0, v19;
	v12 =	vshrl.u32 @p0 v23, $0x3;
	vm0 =	veq.s32 @p0 v27, v7  }
0x24a: {  	[tilespmem:v13+s16+$0x0] =	vst.idx.add.s32.msk @p0 vm3, v19;
	v13 =	vor.u32 @p0 v18, v17;
	v12 =	vand.u32 @p0 $0xFF0, v12;
	v17 =	vshll.u32 v50, $0x4  }
0x24b: {  	[tilespmem:v14+s16+$0x0] =	vst.idx.add.s32.msk @p0 vm1, v19;
	v12 =	vor.u32 @p0 v18, v12;
	v14 =	vor.u32 v3, v17  }
0x24c: {  	[tilespmem:v15+s16+$0x0] =	vst.idx.add.s32.msk @p0 vm2, v19;
	v15 =	vor.u32 $0x1, v14  }
0x24d: {  	[tilespmem:v16+s16+$0x0] =	vst.idx.add.s32.msk @p0 vm4, v19  }
0x24e: {  	v16 =	vor.u32 $0x2, v14;
	[tilespmem:v20+s16+$0x0] =	vst.idx.add.s32.msk @p0 vm5, v19  }
0x24f: {  	[tilespmem:v13+s16+$0x0] =	vst.idx.add.s32.msk @p0 vm6, v19;
	v13 =	vor.u32 $0x3, v14  }
0x250: {  	[tilespmem:v12+s16+$0x0] =	vst.idx.add.s32.msk @p0 vm0, v19;
	v12 =	vor.u32 $0x4, v14  }
0x251: {  	v17 =	vor.u32 $0x5, v14;
	v15 =	vld.idx.msk [tilespmem:v15+s11+$0x0], $0xffff  }
0x252: {  	v19 =	vor.u32 $0x6, v14;
	v18 =	vld.idx.msk [tilespmem:v14+s11+$0x0], $0xffff  }
0x253: {  	v20 =	vor.u32 $0x7, v14;
	v16 =	vld.idx.msk [tilespmem:v16+s11+$0x0], $0xffff  }
0x254: {  	v51 =	vor.u32 $0x8, v14;
	v13 =	vld.idx.msk [tilespmem:v13+s11+$0x0], $0xffff  }
0x255: {  	v52 =	vor.u32 $0x9, v14;
	v12 =	vld.idx.msk [tilespmem:v12+s11+$0x0], $0xffff  }
0x256: {  	v53 =	vor.u32 $0xA, v14;
	v17 =	vld.idx.msk [tilespmem:v17+s11+$0x0], $0xffff  }
0x257: {  	v54 =	vor.u32 $0xB, v14;
	v19 =	vld.idx.msk [tilespmem:v19+s11+$0x0], $0xffff;
	v15 =	vadd.s32 v18, v15  }
0x258: {  	v18 =	vld.idx.msk [tilespmem:v20+s11+$0x0], $0xffff;
	v20 =	vor.u32 $0xC, v14;
	v15 =	vadd.s32 v16, v15  }
0x259: {  	v55 =	vor.u32 $0xD, v14;
	v16 =	vld.idx.msk [tilespmem:v51+s11+$0x0], $0xffff;
	v13 =	vadd.s32 v13, v15  }
0x25a: {  	v56 =	vor.u32 $0xE, v14;
	v15 =	vld.idx.msk [tilespmem:v52+s11+$0x0], $0xffff;
	v12 =	vadd.s32 v12, v13  }
0x25b: {  	v14 =	vor.u32 $0xF, v14;
	v13 =	vld.idx.msk [tilespmem:v53+s11+$0x0], $0xffff;
	v12 =	vadd.s32 v17, v12  }
0x25c: {  	v17 =	vld.idx.msk [tilespmem:v54+s11+$0x0], $0xffff;
	v12 =	vadd.s32 v19, v12  }
0x25d: {  	v19 =	vld.idx.msk [tilespmem:v20+s11+$0x0], $0xffff;
	v12 =	vadd.s32 v18, v12  }
0x25e: {  	s30 =	simm.s32 $0x10;
	v18 =	vld.idx.msk [tilespmem:v55+s11+$0x0], $0xffff;
	v12 =	vadd.s32 v16, v12  }
0x25f: {  	v20 =	vmov s30;
	v16 =	vld.idx.msk [tilespmem:v56+s11+$0x0], $0xffff;
	v12 =	vadd.s32 v15, v12  }
0x260: {  	v14 =	vld.idx.msk [tilespmem:v14+s11+$0x0], $0xffff;
	v15 =	vshll.u32 v20, $0x4;
	v12 =	vadd.s32 v13, v12  }
0x261: {  	v13 =	vor.u32 v3, v15;
	v12 =	vadd.s32 v17, v12  }
0x262: {  	v15 =	vor.u32 $0x1, v13;
	v12 =	vadd.s32 v19, v12  }
0x263: {  	v12 =	vadd.s32 v18, v12  }
0x264: {  	v17 =	vor.u32 $0x2, v13;
	v12 =	vadd.s32 v16, v12  }
0x265: {  	s15 =	simm.s32 $0x9000;
	v16 =	vor.u32 $0x3, v13;
	v12 =	vadd.s32 v14, v12  }
0x266: {  	v14 =	vor.u32 $0x4, v13;
	[tilespmem:s15+$0x0] =	vst v12  }
0x267: {  	v12 =	vld.idx.msk [tilespmem:v15+s11+$0x0], $0xffff;
	v15 =	vor.u32 $0x5, v13  }
0x268: {  	v19 =	vor.u32 $0x6, v13;
	v18 =	vld.idx.msk [tilespmem:v13+s11+$0x0], $0xffff  }
0x269: {  	v20 =	vor.u32 $0x7, v13;
	v17 =	vld.idx.msk [tilespmem:v17+s11+$0x0], $0xffff  }
0x26a: {  	v57 =	vor.u32 $0x8, v13;
	v16 =	vld.idx.msk [tilespmem:v16+s11+$0x0], $0xffff  }
0x26b: {  	v58 =	vor.u32 $0x9, v13;
	v14 =	vld.idx.msk [tilespmem:v14+s11+$0x0], $0xffff  }
0x26c: {  	v59 =	vor.u32 $0xA, v13;
	v15 =	vld.idx.msk [tilespmem:v15+s11+$0x0], $0xffff  }
0x26d: {  	v60 =	vor.u32 $0xB, v13;
	v19 =	vld.idx.msk [tilespmem:v19+s11+$0x0], $0xffff;
	v12 =	vadd.s32 v18, v12  }
0x26e: {  	v18 =	vld.idx.msk [tilespmem:v20+s11+$0x0], $0xffff;
	v20 =	vor.u32 $0xC, v13;
	v12 =	vadd.s32 v17, v12  }
0x26f: {  	v61 =	vor.u32 $0xD, v13;
	v17 =	vld.idx.msk [tilespmem:v57+s11+$0x0], $0xffff;
	v12 =	vadd.s32 v16, v12  }
0x270: {  	v62 =	vor.u32 $0xE, v13;
	v16 =	vld.idx.msk [tilespmem:v58+s11+$0x0], $0xffff;
	v12 =	vadd.s32 v14, v12  }
0x271: {  	v63 =	vor.u32 $0xF, v13;
	v23 =	vld.idx.msk [tilespmem:v59+s11+$0x0], $0xffff;
	v13 =	vadd.s32 v15, v12  }
0x272: {  	v12 =	vld.idx.msk [tilespmem:v60+s11+$0x0], $0xffff;
	v14 =	vadd.s32 v19, v13  }
0x273: {  	v13 =	vld.idx.msk [tilespmem:v20+s11+$0x0], $0xffff;
	v15 =	vadd.s32 v18, v14  }
0x274: {  	s31 =	simm.s32 $0x20;
	v14 =	vld.idx.msk [tilespmem:v61+s11+$0x0], $0xffff;
	v17 =	vadd.s32 v17, v15  }
0x275: {  	v18 =	vmov s31;
	v15 =	vld.idx.msk [tilespmem:v62+s11+$0x0], $0xffff;
	v19 =	vadd.s32 v16, v17  }
0x276: {  	s16 =	simm.s32 $0x30;
	v16 =	vld.idx.msk [tilespmem:v63+s11+$0x0], $0xffff;
	v17 =	vshll.u32 v18, $0x4;
	v18 =	vadd.s32 v23, v19  }
.LBB2_22:
0x277: {  	p0 =	sne.s32 s16, $0xF0;
	v17 =	vor.u32 v3, v17;
	v12 =	vadd.s32 v12, v18  }
0x278: {  	v18 =	vor.u32 $0x1, v17;
	v12 =	vadd.s32 v13, v12  }
0x279: {  	v12 =	vadd.s32 v14, v12  }
0x27a: {  	v13 =	vor.u32 $0x2, v17;
	v12 =	vadd.s32 v15, v12  }
0x27b: {  	s15 =	sadd.s32 $0x10, s15;
	v14 =	vor.u32 $0x3, v17;
	v12 =	vadd.s32 v16, v12  }
0x27c: {  	v15 =	vor.u32 $0x4, v17;
	[tilespmem:s15+$0x0] =	vst v12  }
0x27d: {  	v16 =	vor.u32 $0x5, v17;
	v12 =	vld.idx.msk [tilespmem:v18+s11+$0x0], $0xffff  }
0x27e: {  	v19 =	vor.u32 $0x6, v17;
	v18 =	vld.idx.msk [tilespmem:v17+s11+$0x0], $0xffff  }
0x27f: {  	v20 =	vor.u32 $0x7, v17;
	v13 =	vld.idx.msk [tilespmem:v13+s11+$0x0], $0xffff  }
0x280: {  	v21 =	vor.u32 $0x8, v17;
	v14 =	vld.idx.msk [tilespmem:v14+s11+$0x0], $0xffff  }
0x281: {  	v22 =	vor.u32 $0x9, v17;
	v15 =	vld.idx.msk [tilespmem:v15+s11+$0x0], $0xffff  }
0x282: {  	v23 =	vor.u32 $0xA, v17;
	v16 =	vld.idx.msk [tilespmem:v16+s11+$0x0], $0xffff  }
0x283: {  	v24 =	vor.u32 $0xB, v17;
	v19 =	vld.idx.msk [tilespmem:v19+s11+$0x0], $0xffff  }
0x284: {  	v12 =	vadd.s32 v18, v12;
	v18 =	vld.idx.msk [tilespmem:v20+s11+$0x0], $0xffff;
	v20 =	vor.u32 $0xC, v17  }
0x285: {  	v25 =	vor.u32 $0xD, v17;
	v12 =	vadd.s32 v13, v12;
	v21 =	vld.idx.msk [tilespmem:v21+s11+$0x0], $0xffff  }
0x286: {  	v26 =	vor.u32 $0xE, v17;
	v12 =	vadd.s32 v14, v12;
	v22 =	vld.idx.msk [tilespmem:v22+s11+$0x0], $0xffff  }
0x287: {  	v17 =	vor.u32 $0xF, v17;
	v12 =	vadd.s32 v15, v12;
	v23 =	vld.idx.msk [tilespmem:v23+s11+$0x0], $0xffff  }
0x288: {  	v13 =	vadd.s32 v16, v12;
	v12 =	vld.idx.msk [tilespmem:v24+s11+$0x0], $0xffff  }
.Ltmp10:
0x289: {  	v14 =	vadd.s32 v19, v13;
	v13 =	vld.idx.msk [tilespmem:v20+s11+$0x0], $0xffff;
	(pc) =	sbr.rel @p0 .LBB2_22-.Ltmp10, $4  }
0x28a: {  	v15 =	vadd.s32 v18, v14;
	v14 =	vld.idx.msk [tilespmem:v25+s11+$0x0], $0xffff  }
0x28b: {  	v16 =	vadd.s32 v21, v15;
	v15 =	vld.idx.msk [tilespmem:v26+s11+$0x0], $0xffff  }
0x28c: {  	v18 =	vmov s16;
	v19 =	vadd.s32 v22, v16;
	v16 =	vld.idx.msk [tilespmem:v17+s11+$0x0], $0xffff  }
0x28d: {  	s16 =	sadd.s32 $0x10, s16;
	v17 =	vshll.u32 v18, $0x4;
	v18 =	vadd.s32 v23, v19  }
0x28e: {  	v17 =	vor.u32 v3, v17;
	v12 =	vadd.s32 v12, v18  }
0x28f: {  	v54 =	vor.u32 $0x1, v17;
	v12 =	vadd.s32 v13, v12  }
0x290: {  	v12 =	vadd.s32 v14, v12  }
0x291: {  	v13 =	vor.u32 $0x2, v17;
	v12 =	vadd.s32 v15, v12  }
0x292: {  	s15 =	sadd.s32 $0x10, s15;
	v14 =	vor.u32 $0x3, v17;
	v12 =	vadd.s32 v16, v12  }
0x293: {  	v15 =	vor.u32 $0x4, v17;
	[tilespmem:s15+$0x0] =	vst v12  }
0x294: {  	v55 =	vor.u32 $0x5, v17;
	v12 =	vld.idx.msk [tilespmem:v54+s11+$0x0], $0xffff  }
0x295: {  	v19 =	vor.u32 $0x6, v17;
	v56 =	vld.idx.msk [tilespmem:v17+s11+$0x0], $0xffff  }
0x296: {  	v20 =	vor.u32 $0x7, v17;
	v13 =	vld.idx.msk [tilespmem:v13+s11+$0x0], $0xffff  }
0x297: {  	v21 =	vor.u32 $0x8, v17;
	v14 =	vld.idx.msk [tilespmem:v14+s11+$0x0], $0xffff  }
0x298: {  	v22 =	vor.u32 $0x9, v17;
	v15 =	vld.idx.msk [tilespmem:v15+s11+$0x0], $0xffff  }
0x299: {  	v23 =	vor.u32 $0xA, v17;
	v16 =	vld.idx.msk [tilespmem:v55+s11+$0x0], $0xffff  }
0x29a: {  	v24 =	vor.u32 $0xB, v17;
	v19 =	vld.idx.msk [tilespmem:v19+s11+$0x0], $0xffff;
	v12 =	vadd.s32 v56, v12  }
0x29b: {  	v58 =	vor.u32 $0xC, v17;
	v57 =	vld.idx.msk [tilespmem:v20+s11+$0x0], $0xffff;
	v12 =	vadd.s32 v13, v12  }
0x29c: {  	v59 =	vor.u32 $0xD, v17;
	v13 =	vld.idx.msk [tilespmem:v21+s11+$0x0], $0xffff;
	v12 =	vadd.s32 v14, v12  }
0x29d: {  	v60 =	vor.u32 $0xE, v17;
	v14 =	vld.idx.msk [tilespmem:v22+s11+$0x0], $0xffff;
	v12 =	vadd.s32 v15, v12  }
0x29e: {  	v17 =	vor.u32 $0xF, v17;
	v15 =	vld.idx.msk [tilespmem:v23+s11+$0x0], $0xffff;
	v12 =	vadd.s32 v16, v12  }
0x29f: {  	v61 =	vld.idx.msk [tilespmem:v24+s11+$0x0], $0xffff;
	v12 =	vadd.s32 v19, v12  }
0x2a0: {  	v62 =	vld.idx.msk [tilespmem:v58+s11+$0x0], $0xffff;
	v12 =	vadd.s32 v57, v12  }
0x2a1: {  	v63 =	vld.idx.msk [tilespmem:v59+s11+$0x0], $0xffff;
	v12 =	vadd.s32 v13, v12  }
0x2a2: {  	v13 =	vld.idx.msk [tilespmem:v60+s11+$0x0], $0xffff;
	v12 =	vadd.s32 v14, v12  }
0x2a3: {  	v14 =	vld.idx.msk [tilespmem:v17+s11+$0x0], $0xffff;
	v12 =	vadd.s32 v15, v12  }
0x2a4: {  	s16 =	simm.s32 $0x0;
	v12 =	vadd.s32 v61, v12  }
0x2a5: {  	v15 =	vor.u32 s16, v3;
	v12 =	vadd.s32 v62, v12  }
0x2a6: {  	v12 =	vadd.s32 v63, v12  }
0x2a7: {  	v12 =	vadd.s32 v13, v12  }
0x2a8: {  	s15 =	sadd.s32 $0x10, s15;
	v12 =	vadd.s32 v14, v12  }
0x2a9: {  	[tilespmem:s15+$0x0] =	vst v12  }
0x2aa: {  	v12 =	vimm.s32 $0x0;
	s15 =	simm.s32 $0x1;
	v13 =	vld.idx.msk [tilespmem:v15+s12+$0x0], $0xffff  }
.LBB2_24:
0x2ab: {  	v14 =	vor.u32 s15, v3;
	p0 =	sne.s32 s15, $0xF;
	s15 =	sadd.s32 $0x1, s15  }
.Ltmp11:
0x2ac: {  	(pc) =	sbr.rel @p0 .LBB2_24-.Ltmp11, $2  }
0x2ad: {  	_ =	sdelay $0x2  }
0x2ae: {  	v12 =	vadd.s32 v12, v13;
	v13 =	vld.idx.msk [tilespmem:v14+s12+$0x0], $0xffff  }
0x2af: {  	_ = 	snop  }
0x2b0: {  	vm0 =	veq.s32 v11, v0  }
0x2b1: {  	v10 =	vnsel vm0, $0x0, v10  }
0x2b2: {  	(xrf0) =	vadd.scan.msk.s32 $0xffff, v10  }
0x2b3: {  	v11 =	vadd.s32 v12, v13  }
0x2b4: {  	v8 =	vnsel vm0, $0x0, v8;
	v10 =	vperm.xlane v11, v4  }
0x2b5: {  	(xrf0) =	vadd.scan.msk.s32 $0xffff, v8  }
0x2b6: {  	(xrf0) =	vadd.scan.msk.s32 $0xffff, v10;
	_ =	sdelay $0x1  }
0x2b7: {  	v8, _, _ =	vpop (xrf0)  }
0x2b8: {  	v8 =	vadd.s32 v9, v8;
	_ =	sdelay $0x1  }
0x2b9: {  	v9, _, _ =	vpop (xrf0)  }
0x2ba: {  	v9 =	vsub.s32 v8, v9;
	v8, _, _ =	vpop (xrf0)  }
0x2bb: {  	v10 =	vbroadcast v9, $0xF;
	v13 =	vperm.xlane v8, v4;
	_ =	sdelay $0x1  }
0x2bc: {  	v8 =	vadd.s32 v10, v13  }
0x2bd: {  	vm13 =	vge.s32 v8, v6  }
0x2be: {  	v8 =	vmpcnt.ones.xlane vm13;
	_ =	sdelay $0x1  }
0x2bf: {  	v10 =	vadd.s32 $0xFFFFFFFF, v8  }
0x2c0: {  	v12 =	vshll.u32 v10, $0x4  }
0x2c1: {  	v8 =	vor.u32 v0, v12;
	_ =	sdelay $0x4  }
0x2c2: {  	v8 =	vld.idx.msk [tilespmem:v8+s12+$0x0], $0xffff;
	_ =	sdelay $0x4  }
0x2c3: {  	v14 =	vperm.xlane v8, v4  }
0x2c4: {  	vm14 =	veq.s32 v10, v0  }
0x2c5: {  	v10 =	vnsel vm14, $0x0, v13;
	(xrf0) =	vadd.scan.msk.s32 $0xffff, v14  }
0x2c6: {  	(xrf0) =	vadd.scan.msk.s32 $0xffff, v10;
	v10 =	vnsel vm14, $0x0, v11  }
0x2c7: {  	(xrf0) =	vadd.scan.msk.s32 $0xffff, v10;
	_ =	sdelay $0x3  }
0x2c8: {  	v10, _, _ =	vpop (xrf0)  }
0x2c9: {  	v11, _, _ =	vpop (xrf0)  }
0x2ca: {  	v9 =	vadd.s32 v9, v11;
	v11, _, _ =	vpop (xrf0)  }
0x2cb: {  	v9 =	vsub.s32 v9, v11  }
0x2cc: {  	v10 =	vperm.xlane v10, v4;
	v11 =	vbroadcast v9, $0xF;
	_ =	sdelay $0x1  }
0x2cd: {  	v11 =	vadd.s32 v10, v11  }
0x2ce: {  	vm15 =	vge.s32 v11, v6  }
0x2cf: {  	s15 =	simm.s32 $0x40;
	s16 =	simm.s32 $0x0;
	v11 =	vmpcnt.ones.xlane vm15  }
.LBB2_26:
0x2d0: {  	p0 =	sne.s32 s15, $0x3FC0;
	[tilespmem:s16+$0x8000] =	vst v1;
	s16 =	smov.u32 s15;
	s15 =	sadd.s32 $0x40, s15  }
.Ltmp12:
0x2d1: {  	(pc) =	sbr.rel @p0 .LBB2_26-.Ltmp12, $2  }
0x2d2: {  	_ =	sdelay $0x2  }
0x2d3: {  	s16 =	sshra.s32 s16, $0x2  }
0x2d4: {  	[tilespmem:s16+$0x8000] =	vst v1;
	s15 =	simm.s32 $0x0  }
0x2d5: {  	v13 =	vld [tilespmem:s15+$0x20]  }
0x2d6: {  	v14 =	vld [tilespmem:s15+$0x0]  }
0x2d7: {  	v15 =	vld [tilespmem:s15+$0x10]  }
0x2d8: {  	v16 =	vld [tilespmem:s15+$0x30]  }
0x2d9: {  	v17 =	vld [tilespmem:s15+$0x40]  }
0x2da: {  	v20 =	vld [tilespmem:s15+$0x60]  }
0x2db: {  	v22 =	vld [tilespmem:s15+$0x70]  }
0x2dc: {  	v11 =	vadd.s32 $0xFFFFFFFF, v11  }
0x2dd: {  	v7 =	vshll.u32 v7, $0x8;
	v12 =	vadd.s32 v12, v11  }
0x2de: {  	v7 =	vor.u32 v7, v12;
	v12 =	vand.u32 $0x7FFFFFFF, v14  }
0x2df: {  	v13 =	vand.u32 $0x7FFFFFFF, v13;
	v14 =	vld [tilespmem:s15+$0x50];
	v15 =	vand.u32 $0x7FFFFFFF, v15;
	v16 =	vand.u32 $0x7FFFFFFF, v16  }
0x2e0: {  	v17 =	vand.u32 $0x7FFFFFFF, v17;
	v20 =	vand.u32 $0x7FFFFFFF, v20;
	v22 =	vand.u32 $0x7FFFFFFF, v22  }
0x2e1: {  	v18 =	vshrl.u32 v12, $0x7;
	v19 =	vshrl.u32 v13, $0x7;
	v21 =	vshrl.u32 v15, $0x7  }
0x2e2: {  	v23 =	vshrl.u32 v16, $0x7;
	vm0 =	veq.s32 v18, v7;
	vm1 =	veq.s32 v21, v7  }
0x2e3: {  	v24 =	vshrl.u32 v17, $0x7;
	vm2 =	veq.s32 v19, v7;
	vm0 =	vmor vm0, vm1  }
0x2e4: {  	vm1 =	veq.s32 v23, v7;
	vm0 =	vmor vm0, vm2;
	v25 =	vand.u32 $0x7FFFFFFF, v14  }
0x2e5: {  	vm0 =	vmor vm0, vm1;
	vm1 =	veq.s32 v24, v7;
	v26 =	vshrl.u32 v25, $0x7  }
0x2e6: {  	v27 =	vshrl.u32 v20, $0x7;
	vm0 =	vmor vm0, vm1;
	vm1 =	veq.s32 v26, v7  }
0x2e7: {  	v28 =	vshrl.u32 v22, $0x7;
	vm0 =	vmor vm0, vm1;
	vm1 =	veq.s32 v27, v7  }
0x2e8: {  	vm0 =	vmor vm0, vm1;
	vm1 =	veq.s32 v28, v7  }
0x2e9: {  	vm0 =	vmor vm0, vm1  }
0x2ea: {  	v14 =	vsel vm0, $0x3F800000, v5  }
0x2eb: {  	(xrf0) =	vmax.scan.msk.f32 $0xffff, v14;
	_ =	sdelay $0x5  }
0x2ec: {  	v14, _, _ =	vpop (xrf0)  }
0x2ed: {  	(v2sf) =	vpush v14, $0xF;
	_ =	sdelay $0xe  }
0x2ee: {  	s31 =	spop (v2sf)  }
0x2ef: {  	p1 =	sgt.f32 s31, $0.0e+00;
	_ =	sdelay $0x1  }
0x2f0: {  	vm0 =	veq.s32 @p1 v23, v7;
	v12 =	vshll.u32 @p1 v12, $0x4;
	v23 =	vlaneseq.u32 @p1  }
0x2f1: {  	vm1 =	veq.s32 @p1 v19, v7;
	v14 =	vshll.u32 @p1 v15, $0x4;
	vm4 =	veq.s32 @p1 v18, v7  }
0x2f2: {  	vm6 =	veq.s32 @p1 v21, v7;
	vm2 =	veq.s32 @p1 v24, v7;
	v12 =	vor.u32 @p1 v23, v12  }
0x2f3: {  	vm3 =	veq.s32 @p1 v26, v7;
	v18 =	vand.u32 @p1 $0x7FF, v12;
	v12 =	vor.u32 @p1 v23, v14  }
0x2f4: {  	v19 =	vand.u32 @p1 $0x7FF, v12;
	v12 =	vshll.u32 @p1 v13, $0x4;
	v13 =	vshll.u32 @p1 v16, $0x4  }
0x2f5: {  	v16 =	vshll.u32 @p1 v25, $0x4;
	v12 =	vor.u32 @p1 v23, v12;
	v13 =	vor.u32 @p1 v23, v13  }
0x2f6: {  	v16 =	vor.u32 @p1 v23, v16;
	v14 =	vand.u32 @p1 $0x7FF, v12;
	v12 =	vshll.u32 @p1 v17, $0x4  }
0x2f7: {  	v13 =	vand.u32 @p1 $0x7FF, v13;
	v16 =	vand.u32 @p1 $0x7FF, v16;
	v15 =	vor.u32 @p1 v23, v12  }
0x2f8: {  	s17 =	simm.s32 @p1 $0x8000;
	v17 =	vshll.u32 @p1 v20, $0x4;
	v12 =	vimm.s32 @p1 $0x1;
	v15 =	vand.u32 @p1 $0x7FF, v15  }
0x2f9: {  	v17 =	vor.u32 @p1 v23, v17;
	[tilespmem:v18+s17+$0x0] =	vst.idx.add.s32.msk @p1 vm4, v12;
	vm4 =	veq.s32 @p1 v27, v7;
	v18 =	vshll.u32 @p1 v22, $0x4  }
0x2fa: {  	s16 =	simm.s32 $0x200;
	s15 =	simm.s32 $0x0;
	vm5 =	veq.s32 @p1 v28, v7;
	v17 =	vand.u32 @p1 $0x7FF, v17;
	[tilespmem:v19+s17+$0x0] =	vst.idx.add.s32.msk @p1 vm6, v12;
	v18 =	vor.u32 @p1 v23, v18  }
.LBB2_28:
0x2fb: {  	[tilespmem:v14+s17+$0x0] =	vst.idx.add.s32.msk @p1 vm1, v12;
	v14 =	vand.u32 @p1 $0x7FF, v18;
	s18 =	smov.u32 s16;
	s16 =	sadd.s32 $0x200, s16  }
0x2fc: {  	p0 =	sne.s32 s16, $0x20000;
	[tilespmem:v13+s17+$0x0] =	vst.idx.add.s32.msk @p1 vm0, v12  }
0x2fd: {  	[tilespmem:v15+s17+$0x0] =	vst.idx.add.s32.msk @p1 vm2, v12  }
0x2fe: {  	[tilespmem:v16+s17+$0x0] =	vst.idx.add.s32.msk @p1 vm3, v12  }
0x2ff: {  	[tilespmem:v17+s17+$0x0] =	vst.idx.add.s32.msk @p1 vm4, v12  }
0x300: {  	s18 =	sshra.s32 s18, $0x2;
	[tilespmem:v14+s17+$0x0] =	vst.idx.add.s32.msk @p1 vm5, v12  }
0x301: {  	v12 =	vld [tilespmem:s18+$0x20]  }
0x302: {  	v13 =	vld [tilespmem:s18+$0x0]  }
0x303: {  	v14 =	vld [tilespmem:s18+$0x10]  }
0x304: {  	v15 =	vld [tilespmem:s18+$0x30]  }
0x305: {  	v16 =	vld [tilespmem:s18+$0x40]  }
0x306: {  	v12 =	vand.u32 $0x7FFFFFFF, v12  }
0x307: {  	v13 =	vand.u32 $0x7FFFFFFF, v13;
	v17 =	vshrl.u32 v12, $0x7;
	v18 =	vld [tilespmem:s18+$0x50]  }
0x308: {  	v19 =	vshrl.u32 v13, $0x7;
	v14 =	vand.u32 $0x7FFFFFFF, v14;
	v20 =	vld [tilespmem:s18+$0x60]  }
0x309: {  	vm0 =	veq.s32 v19, v7;
	v21 =	vshrl.u32 v14, $0x7;
	v15 =	vand.u32 $0x7FFFFFFF, v15  }
0x30a: {  	vm2 =	veq.s32 v17, v7;
	vm1 =	veq.s32 v21, v7;
	v22 =	vshrl.u32 v15, $0x7;
	v23 =	vld [tilespmem:s18+$0x70]  }
0x30b: {  	v16 =	vand.u32 $0x7FFFFFFF, v16;
	vm0 =	vmor vm0, vm1;
	vm1 =	veq.s32 v22, v7  }
0x30c: {  	v24 =	vshrl.u32 v16, $0x7;
	vm0 =	vmor vm0, vm2;
	v18 =	vand.u32 $0x7FFFFFFF, v18  }
0x30d: {  	vm0 =	vmor vm0, vm1;
	vm1 =	veq.s32 v24, v7;
	v25 =	vshrl.u32 v18, $0x7  }
0x30e: {  	v20 =	vand.u32 $0x7FFFFFFF, v20;
	vm0 =	vmor vm0, vm1;
	vm1 =	veq.s32 v25, v7  }
0x30f: {  	v26 =	vshrl.u32 v20, $0x7;
	vm0 =	vmor vm0, vm1;
	v23 =	vand.u32 $0x7FFFFFFF, v23  }
0x310: {  	vm1 =	veq.s32 v26, v7;
	v27 =	vshrl.u32 v23, $0x7  }
0x311: {  	vm0 =	vmor vm0, vm1;
	vm1 =	veq.s32 v27, v7  }
0x312: {  	vm0 =	vmor vm0, vm1  }
0x313: {  	v28 =	vsel vm0, $0x3F800000, v5  }
0x314: {  	(xrf0) =	vmax.scan.msk.f32 $0xffff, v28;
	_ =	sdelay $0x5  }
0x315: {  	v28, _, _ =	vpop (xrf0)  }
0x316: {  	(v2sf) =	vpush v28, $0xF;
	_ =	sdelay $0xe  }
0x317: {  	s17 =	spop (v2sf)  }
0x318: {  	p1 =	sgt.f32 s17, $0.0e+00;
	_ =	sdelay $0x1  }
0x319: {  	vm0 =	veq.s32 @p1 v22, v7;
	v13 =	vshll.u32 @p1 v13, $0x4;
	v22 =	vlaneseq.u32 @p1  }
0x31a: {  	vm1 =	veq.s32 @p1 v17, v7;
	v14 =	vshll.u32 @p1 v14, $0x4;
	v13 =	vor.u32 @p1 v22, v13  }
0x31b: {  	vm4 =	veq.s32 @p1 v19, v7;
	v17 =	vand.u32 @p1 $0x7FF, v13;
	v13 =	vor.u32 @p1 v22, v14  }
0x31c: {  	v12 =	vshll.u32 @p1 v12, $0x4;
	v19 =	vand.u32 @p1 $0x7FF, v13;
	v13 =	vshll.u32 @p1 v15, $0x4  }
0x31d: {  	vm6 =	veq.s32 @p1 v21, v7;
	v12 =	vor.u32 @p1 v22, v12;
	v13 =	vor.u32 @p1 v22, v13  }
0x31e: {  	v14 =	vand.u32 @p1 $0x7FF, v12;
	v12 =	vshll.u32 @p1 v16, $0x4;
	v13 =	vand.u32 @p1 $0x7FF, v13  }
.Ltmp13:
0x31f: {  	vm2 =	veq.s32 @p1 v24, v7;
	v16 =	vshll.u32 @p1 v18, $0x4;
	v15 =	vor.u32 @p1 v22, v12;
	(pc) =	sbr.rel @p0 .LBB2_28-.Ltmp13, $4  }
0x320: {  	s17 =	simm.s32 @p1 $0x8000;
	v12 =	vimm.s32 @p1 $0x1;
	v16 =	vor.u32 @p1 v22, v16;
	v15 =	vand.u32 @p1 $0x7FF, v15  }
0x321: {  	vm3 =	veq.s32 @p1 v25, v7;
	v16 =	vand.u32 @p1 $0x7FF, v16;
	[tilespmem:v17+s17+$0x0] =	vst.idx.add.s32.msk @p1 vm4, v12;
	v17 =	vshll.u32 @p1 v20, $0x4  }
0x322: {  	v18 =	vshll.u32 @p1 v23, $0x4;
	vm4 =	veq.s32 @p1 v26, v7;
	v17 =	vor.u32 @p1 v22, v17  }
0x323: {  	vm5 =	veq.s32 @p1 v27, v7;
	v18 =	vor.u32 @p1 v22, v18;
	[tilespmem:v19+s17+$0x0] =	vst.idx.add.s32.msk @p1 vm6, v12;
	v17 =	vand.u32 @p1 $0x7FF, v17  }
0x324: {  	_ =	sdelay $0x3  }
0x325: {  	v19 =	vmov s15  }
0x326: {  	[tilespmem:v14+s17+$0x0] =	vst.idx.add.s32.msk @p1 vm1, v12;
	v14 =	vand.u32 @p1 $0x7FF, v18;
	v19 =	vshll.u32 v19, $0x4  }
0x327: {  	[tilespmem:v13+s17+$0x0] =	vst.idx.add.s32.msk @p1 vm0, v12;
	v18 =	vor.u32 v3, v19  }
0x328: {  	[tilespmem:v15+s17+$0x0] =	vst.idx.add.s32.msk @p1 vm2, v12;
	v13 =	vor.u32 $0x1, v18  }
0x329: {  	[tilespmem:v16+s17+$0x0] =	vst.idx.add.s32.msk @p1 vm3, v12;
	v15 =	vor.u32 $0x2, v18  }
0x32a: {  	v16 =	vor.u32 $0x3, v18;
	[tilespmem:v17+s17+$0x0] =	vst.idx.add.s32.msk @p1 vm4, v12  }
0x32b: {  	[tilespmem:v14+s17+$0x0] =	vst.idx.add.s32.msk @p1 vm5, v12;
	v12 =	vor.u32 $0x4, v18  }
0x32c: {  	v14 =	vor.u32 $0x5, v18;
	v17 =	vld.idx.msk [tilespmem:v18+s11+$0x0], $0xffff  }
0x32d: {  	v19 =	vor.u32 $0x6, v18;
	v13 =	vld.idx.msk [tilespmem:v13+s11+$0x0], $0xffff  }
0x32e: {  	v20 =	vor.u32 $0x7, v18;
	v15 =	vld.idx.msk [tilespmem:v15+s11+$0x0], $0xffff  }
0x32f: {  	v21 =	vor.u32 $0x8, v18;
	v16 =	vld.idx.msk [tilespmem:v16+s11+$0x0], $0xffff  }
0x330: {  	v22 =	vor.u32 $0x9, v18;
	v12 =	vld.idx.msk [tilespmem:v12+s11+$0x0], $0xffff  }
0x331: {  	v23 =	vor.u32 $0xA, v18;
	v14 =	vld.idx.msk [tilespmem:v14+s11+$0x0], $0xffff  }
0x332: {  	v24 =	vor.u32 $0xB, v18;
	v19 =	vld.idx.msk [tilespmem:v19+s11+$0x0], $0xffff;
	v13 =	vadd.s32 v17, v13  }
0x333: {  	v17 =	vld.idx.msk [tilespmem:v20+s11+$0x0], $0xffff;
	v20 =	vor.u32 $0xC, v18;
	v13 =	vadd.s32 v15, v13  }
0x334: {  	v57 =	vor.u32 $0xD, v18;
	v15 =	vld.idx.msk [tilespmem:v21+s11+$0x0], $0xffff;
	v13 =	vadd.s32 v16, v13  }
0x335: {  	v58 =	vor.u32 $0xE, v18;
	v16 =	vld.idx.msk [tilespmem:v22+s11+$0x0], $0xffff;
	v12 =	vadd.s32 v12, v13  }
0x336: {  	v18 =	vor.u32 $0xF, v18;
	v13 =	vld.idx.msk [tilespmem:v23+s11+$0x0], $0xffff;
	v12 =	vadd.s32 v14, v12  }
0x337: {  	v14 =	vld.idx.msk [tilespmem:v24+s11+$0x0], $0xffff;
	v12 =	vadd.s32 v19, v12  }
0x338: {  	v19 =	vld.idx.msk [tilespmem:v20+s11+$0x0], $0xffff;
	v12 =	vadd.s32 v17, v12  }
0x339: {  	s31 =	simm.s32 $0x10;
	v17 =	vld.idx.msk [tilespmem:v57+s11+$0x0], $0xffff;
	v12 =	vadd.s32 v15, v12  }
0x33a: {  	v20 =	vmov s31;
	v15 =	vld.idx.msk [tilespmem:v58+s11+$0x0], $0xffff;
	v12 =	vadd.s32 v16, v12  }
0x33b: {  	v16 =	vld.idx.msk [tilespmem:v18+s11+$0x0], $0xffff;
	v18 =	vshll.u32 v20, $0x4;
	v12 =	vadd.s32 v13, v12  }
0x33c: {  	v13 =	vor.u32 v3, v18;
	v12 =	vadd.s32 v14, v12  }
0x33d: {  	v14 =	vor.u32 $0x1, v13;
	v12 =	vadd.s32 v19, v12  }
0x33e: {  	v12 =	vadd.s32 v17, v12  }
0x33f: {  	v17 =	vor.u32 $0x2, v13;
	v12 =	vadd.s32 v15, v12  }
0x340: {  	s15 =	simm.s32 $0x9000;
	v15 =	vor.u32 $0x3, v13;
	v12 =	vadd.s32 v16, v12  }
0x341: {  	v16 =	vor.u32 $0x4, v13;
	[tilespmem:s15+$0x0] =	vst v12  }
0x342: {  	v12 =	vld.idx.msk [tilespmem:v14+s11+$0x0], $0xffff;
	v14 =	vor.u32 $0x5, v13  }
0x343: {  	v19 =	vor.u32 $0x6, v13;
	v18 =	vld.idx.msk [tilespmem:v13+s11+$0x0], $0xffff  }
0x344: {  	v20 =	vor.u32 $0x7, v13;
	v17 =	vld.idx.msk [tilespmem:v17+s11+$0x0], $0xffff  }
0x345: {  	v59 =	vor.u32 $0x8, v13;
	v15 =	vld.idx.msk [tilespmem:v15+s11+$0x0], $0xffff  }
0x346: {  	v60 =	vor.u32 $0x9, v13;
	v16 =	vld.idx.msk [tilespmem:v16+s11+$0x0], $0xffff  }
0x347: {  	v61 =	vor.u32 $0xA, v13;
	v14 =	vld.idx.msk [tilespmem:v14+s11+$0x0], $0xffff  }
0x348: {  	v62 =	vor.u32 $0xB, v13;
	v19 =	vld.idx.msk [tilespmem:v19+s11+$0x0], $0xffff;
	v12 =	vadd.s32 v18, v12  }
0x349: {  	v18 =	vld.idx.msk [tilespmem:v20+s11+$0x0], $0xffff;
	v20 =	vor.u32 $0xC, v13;
	v12 =	vadd.s32 v17, v12  }
0x34a: {  	v63 =	vor.u32 $0xD, v13;
	v17 =	vld.idx.msk [tilespmem:v59+s11+$0x0], $0xffff;
	v12 =	vadd.s32 v15, v12  }
0x34b: {  	v22 =	vld.idx.msk [tilespmem:v60+s11+$0x0], $0xffff;
	v15 =	vor.u32 $0xE, v13;
	v12 =	vadd.s32 v16, v12  }
0x34c: {  	v23 =	vld.idx.msk [tilespmem:v61+s11+$0x0], $0xffff;
	v16 =	vor.u32 $0xF, v13;
	v13 =	vadd.s32 v14, v12  }
0x34d: {  	v12 =	vld.idx.msk [tilespmem:v62+s11+$0x0], $0xffff;
	v14 =	vadd.s32 v19, v13  }
0x34e: {  	v13 =	vld.idx.msk [tilespmem:v20+s11+$0x0], $0xffff;
	v18 =	vadd.s32 v18, v14  }
0x34f: {  	s16 =	simm.s32 $0x20;
	v14 =	vld.idx.msk [tilespmem:v63+s11+$0x0], $0xffff;
	v17 =	vadd.s32 v17, v18  }
0x350: {  	v15 =	vld.idx.msk [tilespmem:v15+s11+$0x0], $0xffff;
	v18 =	vmov s16;
	v19 =	vadd.s32 v22, v17  }
0x351: {  	v16 =	vld.idx.msk [tilespmem:v16+s11+$0x0], $0xffff;
	s16 =	simm.s32 $0x30;
	v17 =	vshll.u32 v18, $0x4;
	v18 =	vadd.s32 v23, v19  }
.LBB2_30:
0x352: {  	p0 =	sne.s32 s16, $0xF0;
	v17 =	vor.u32 v3, v17;
	v12 =	vadd.s32 v12, v18  }
0x353: {  	v18 =	vor.u32 $0x1, v17;
	v12 =	vadd.s32 v13, v12  }
0x354: {  	v12 =	vadd.s32 v14, v12  }
0x355: {  	v13 =	vor.u32 $0x2, v17;
	v12 =	vadd.s32 v15, v12  }
0x356: {  	s15 =	sadd.s32 $0x10, s15;
	v14 =	vor.u32 $0x3, v17;
	v12 =	vadd.s32 v16, v12  }
0x357: {  	v15 =	vor.u32 $0x4, v17;
	[tilespmem:s15+$0x0] =	vst v12  }
0x358: {  	v16 =	vor.u32 $0x5, v17;
	v12 =	vld.idx.msk [tilespmem:v18+s11+$0x0], $0xffff  }
0x359: {  	v19 =	vor.u32 $0x6, v17;
	v18 =	vld.idx.msk [tilespmem:v17+s11+$0x0], $0xffff  }
0x35a: {  	v20 =	vor.u32 $0x7, v17;
	v13 =	vld.idx.msk [tilespmem:v13+s11+$0x0], $0xffff  }
0x35b: {  	v21 =	vor.u32 $0x8, v17;
	v14 =	vld.idx.msk [tilespmem:v14+s11+$0x0], $0xffff  }
0x35c: {  	v22 =	vor.u32 $0x9, v17;
	v15 =	vld.idx.msk [tilespmem:v15+s11+$0x0], $0xffff  }
0x35d: {  	v23 =	vor.u32 $0xA, v17;
	v16 =	vld.idx.msk [tilespmem:v16+s11+$0x0], $0xffff  }
0x35e: {  	v24 =	vor.u32 $0xB, v17;
	v19 =	vld.idx.msk [tilespmem:v19+s11+$0x0], $0xffff  }
0x35f: {  	v12 =	vadd.s32 v18, v12;
	v18 =	vld.idx.msk [tilespmem:v20+s11+$0x0], $0xffff;
	v20 =	vor.u32 $0xC, v17  }
0x360: {  	v25 =	vor.u32 $0xD, v17;
	v12 =	vadd.s32 v13, v12;
	v21 =	vld.idx.msk [tilespmem:v21+s11+$0x0], $0xffff  }
0x361: {  	v26 =	vor.u32 $0xE, v17;
	v12 =	vadd.s32 v14, v12;
	v22 =	vld.idx.msk [tilespmem:v22+s11+$0x0], $0xffff  }
0x362: {  	v17 =	vor.u32 $0xF, v17;
	v12 =	vadd.s32 v15, v12;
	v23 =	vld.idx.msk [tilespmem:v23+s11+$0x0], $0xffff  }
0x363: {  	v13 =	vadd.s32 v16, v12;
	v12 =	vld.idx.msk [tilespmem:v24+s11+$0x0], $0xffff  }
.Ltmp14:
0x364: {  	v14 =	vadd.s32 v19, v13;
	v13 =	vld.idx.msk [tilespmem:v20+s11+$0x0], $0xffff;
	(pc) =	sbr.rel @p0 .LBB2_30-.Ltmp14, $4  }
0x365: {  	v15 =	vadd.s32 v18, v14;
	v14 =	vld.idx.msk [tilespmem:v25+s11+$0x0], $0xffff  }
0x366: {  	v16 =	vadd.s32 v21, v15;
	v15 =	vld.idx.msk [tilespmem:v26+s11+$0x0], $0xffff  }
0x367: {  	v18 =	vmov s16;
	v19 =	vadd.s32 v22, v16;
	v16 =	vld.idx.msk [tilespmem:v17+s11+$0x0], $0xffff  }
0x368: {  	s16 =	sadd.s32 $0x10, s16;
	v17 =	vshll.u32 v18, $0x4;
	v18 =	vadd.s32 v23, v19  }
0x369: {  	v17 =	vor.u32 v3, v17;
	v12 =	vadd.s32 v12, v18  }
0x36a: {  	v54 =	vor.u32 $0x1, v17;
	v12 =	vadd.s32 v13, v12  }
0x36b: {  	v12 =	vadd.s32 v14, v12  }
0x36c: {  	v13 =	vor.u32 $0x2, v17;
	v12 =	vadd.s32 v15, v12  }
0x36d: {  	s15 =	sadd.s32 $0x10, s15;
	v14 =	vor.u32 $0x3, v17;
	v12 =	vadd.s32 v16, v12  }
0x36e: {  	v15 =	vor.u32 $0x4, v17;
	[tilespmem:s15+$0x0] =	vst v12  }
0x36f: {  	v55 =	vor.u32 $0x5, v17;
	v12 =	vld.idx.msk [tilespmem:v54+s11+$0x0], $0xffff  }
0x370: {  	v19 =	vor.u32 $0x6, v17;
	v56 =	vld.idx.msk [tilespmem:v17+s11+$0x0], $0xffff  }
0x371: {  	v20 =	vor.u32 $0x7, v17;
	v13 =	vld.idx.msk [tilespmem:v13+s11+$0x0], $0xffff  }
0x372: {  	v21 =	vor.u32 $0x8, v17;
	v14 =	vld.idx.msk [tilespmem:v14+s11+$0x0], $0xffff  }
0x373: {  	v22 =	vor.u32 $0x9, v17;
	v15 =	vld.idx.msk [tilespmem:v15+s11+$0x0], $0xffff  }
0x374: {  	v23 =	vor.u32 $0xA, v17;
	v16 =	vld.idx.msk [tilespmem:v55+s11+$0x0], $0xffff  }
0x375: {  	v24 =	vor.u32 $0xB, v17;
	v19 =	vld.idx.msk [tilespmem:v19+s11+$0x0], $0xffff;
	v12 =	vadd.s32 v56, v12  }
0x376: {  	v58 =	vor.u32 $0xC, v17;
	v57 =	vld.idx.msk [tilespmem:v20+s11+$0x0], $0xffff;
	v12 =	vadd.s32 v13, v12  }
0x377: {  	v59 =	vor.u32 $0xD, v17;
	v13 =	vld.idx.msk [tilespmem:v21+s11+$0x0], $0xffff;
	v12 =	vadd.s32 v14, v12  }
0x378: {  	v60 =	vor.u32 $0xE, v17;
	v14 =	vld.idx.msk [tilespmem:v22+s11+$0x0], $0xffff;
	v12 =	vadd.s32 v15, v12  }
0x379: {  	v17 =	vor.u32 $0xF, v17;
	v15 =	vld.idx.msk [tilespmem:v23+s11+$0x0], $0xffff;
	v12 =	vadd.s32 v16, v12  }
0x37a: {  	v61 =	vld.idx.msk [tilespmem:v24+s11+$0x0], $0xffff;
	v12 =	vadd.s32 v19, v12  }
0x37b: {  	v62 =	vld.idx.msk [tilespmem:v58+s11+$0x0], $0xffff;
	v12 =	vadd.s32 v57, v12  }
0x37c: {  	v63 =	vld.idx.msk [tilespmem:v59+s11+$0x0], $0xffff;
	v12 =	vadd.s32 v13, v12  }
0x37d: {  	v13 =	vld.idx.msk [tilespmem:v60+s11+$0x0], $0xffff;
	v12 =	vadd.s32 v14, v12  }
0x37e: {  	v14 =	vld.idx.msk [tilespmem:v17+s11+$0x0], $0xffff;
	v12 =	vadd.s32 v15, v12  }
0x37f: {  	s16 =	simm.s32 $0x0;
	v12 =	vadd.s32 v61, v12  }
0x380: {  	v15 =	vor.u32 s16, v3;
	v12 =	vadd.s32 v62, v12  }
0x381: {  	v12 =	vadd.s32 v63, v12  }
0x382: {  	v12 =	vadd.s32 v13, v12  }
0x383: {  	s15 =	sadd.s32 $0x10, s15;
	v12 =	vadd.s32 v14, v12  }
0x384: {  	[tilespmem:s15+$0x0] =	vst v12  }
0x385: {  	v12 =	vimm.s32 $0x0;
	s15 =	simm.s32 $0x1;
	v13 =	vld.idx.msk [tilespmem:v15+s12+$0x0], $0xffff  }
.LBB2_32:
0x386: {  	v14 =	vor.u32 s15, v3;
	p0 =	sne.s32 s15, $0xF;
	s15 =	sadd.s32 $0x1, s15  }
.Ltmp15:
0x387: {  	(pc) =	sbr.rel @p0 .LBB2_32-.Ltmp15, $2  }
0x388: {  	_ =	sdelay $0x2  }
0x389: {  	v12 =	vadd.s32 v12, v13;
	v13 =	vld.idx.msk [tilespmem:v14+s12+$0x0], $0xffff  }
0x38a: {  	_ =	sdelay $0x2  }
0x38b: {  	vm0 =	veq.s32 v11, v0  }
0x38c: {  	v10 =	vnsel vm0, $0x0, v10;
	v52 =	vadd.s32 v12, v13  }
0x38d: {  	v8 =	vnsel vm0, $0x0, v8;
	(xrf0) =	vadd.scan.msk.s32 $0xffff, v10;
	v53 =	vperm.xlane v52, v4  }
0x38e: {  	(xrf0) =	vadd.scan.msk.s32 $0xffff, v8  }
0x38f: {  	(xrf0) =	vadd.scan.msk.s32 $0xffff, v53;
	_ =	sdelay $0x3  }
0x390: {  	v54, _, _ =	vpop (xrf0)  }
0x391: {  	v8 =	vadd.s32 v9, v54;
	v55, _, _ =	vpop (xrf0)  }
0x392: {  	v8 =	vsub.s32 v8, v55;
	v56, _, _ =	vpop (xrf0)  }
0x393: {  	v57 =	vbroadcast v8, $0xF;
	v9 =	vperm.xlane v56, v4;
	_ =	sdelay $0x1  }
0x394: {  	v10 =	vadd.s32 v57, v9  }
0x395: {  	vm12 =	vge.s32 v10, v6  }
0x396: {  	v10 =	vmpcnt.ones.xlane vm12;
	_ =	sdelay $0x1  }
0x397: {  	v10 =	vadd.s32 $0xFFFFFFFF, v10  }
0x398: {  	v58 =	vshll.u32 v10, $0x4  }
0x399: {  	v59 =	vor.u32 v0, v58;
	_ =	sdelay $0x4  }
0x39a: {  	v13 =	vld.idx.msk [tilespmem:v59+s12+$0x0], $0xffff;
	_ =	sdelay $0x4  }
0x39b: {  	v13 =	vperm.xlane v13, v4  }
0x39c: {  	vm13 =	veq.s32 v10, v0  }
0x39d: {  	v9 =	vnsel vm13, $0x0, v9;
	(xrf0) =	vadd.scan.msk.s32 $0xffff, v13  }
0x39e: {  	v60 =	vnsel vm13, $0x0, v52;
	(xrf0) =	vadd.scan.msk.s32 $0xffff, v9  }
0x39f: {  	(xrf0) =	vadd.scan.msk.s32 $0xffff, v60;
	_ =	sdelay $0x3  }
0x3a0: {  	v61, _, _ =	vpop (xrf0)  }
0x3a1: {  	v62, _, _ =	vpop (xrf0)  }
0x3a2: {  	v8 =	vadd.s32 v8, v62;
	v63, _, _ =	vpop (xrf0)  }
0x3a3: {  	v8 =	vsub.s32 v8, v63  }
0x3a4: {  	v9 =	vperm.xlane v61, v4;
	v8 =	vbroadcast v8, $0xF;
	_ =	sdelay $0x1  }
0x3a5: {  	v8 =	vadd.s32 v9, v8  }
0x3a6: {  	vm14 =	vge.s32 v8, v6  }
0x3a7: {  	v6 =	vmpcnt.ones.xlane vm14;
	_ =	sdelay $0x1  }
0x3a8: {  	v6 =	vadd.s32 v6, v58  }
0x3a9: {  	v7 =	vshll.u32 v7, $0x7;
	v6 =	vadd.s32 $0xFFFFFFFF, v6  }
0x3aa: {  	vm15 =	vmmov $0x1;
	s14 =	sadd.s32 $0x1, s14;
	v6 =	vor.u32 v7, v6  }
0x3ab: {  	p0 =	sne.s32 s14, s6;
	v6 =	vnsel vm15, $0x0, v6  }
.Ltmp16:
0x3ac: {  	[tilespmem:$0x9180] =	vst v6;
	(pc) =	sbr.rel @p0 .LBB2_1-.Ltmp16, $4  }
0x3ad: {  	[hbm4b:s5+s2] =	stream.linear.scatter [tilespmem:s13], [sflag:$0x1], $0x80, $0x38;
	[tilespmem:$0x9200] =	vst v63  }
0x3ae: {  	_ =	swait.ge [sflag:s8], $0x80  }
0x3af: {  	[sflag:s8] =	ssyncset.done $0x0  }
0x3b0: {  	[sflag:s8] =	ssyncadd.s32 $0xFFFFFF80  }
0x3b1: {  	_ =	sfence.sel $0x180000  }
0x3b2: {  	[bflag:$0x0] =	sbarrier.arrive $0xFFFF  }
0x3b3: {  	p0 =	sne.s32 s1, $0x0;
	_ =	strace $0x90000047  }
0x3b4: {  	s0 =	sadd.s32 @!p0 $0x100000, s0;
	[bflag:$0x2] =	sbarrier.arrive $0xFFFF  }
0x3b5: {  	[sflag:s0] =	ssyncadd.tile.s32 @!p0 $0x1;
	_ =	shalt  }
.Lfunc_end2:
_tile_overlayer_lowered:
.L_overlay_start_2:
0x3b6: {  	(tag) =	ssettag $0x2  }
0x3b7: {  	s0 =	rddreg [dreg:$0x0];
	s2 =	stileid.u32  }
0x3b8: {  	s1 =	rddreg [dreg:$0x1];
	p0 =	sne.s32 s2, $0x0  }
0x3b9: {  	s3 =	rddreg [dreg:$0x2];
	[bflag:$0x3] =	sbarrier.arrive $0xFFFF;
	s2 =	simm.s32 @!p0 $0x1C01  }
0x3ba: {  	[timem:s3], [sflag:s2] =	dma.local @!p0 [hbm:s0], s1  }
0x3bb: {  	s0 =	simm.s32 @!p0 $0x1  }
0x3bc: {  	_ =	swait.ge @!p0 [sflag:s0], s1  }
0x3bd: {  	s1 =	ssub.s32 @!p0 $0x0, s1;
	[sflag:s0] =	ssyncset.done @!p0 $0x0  }
0x3be: {  	[sflag:s0] =	ssyncadd.s32 @!p0 s1  }
0x3bf: {  	[bflag:$0x3] =	sbarrier.arrive $0xFFFF  }
0x3c0: {  	_ =	shalt  }

</sc_bundles>
